<compile_context>
chip_gen: v7x
topology: tpu7x:2x2x1
jax: 0.10.2.dev20260603
libtpu: 0.0.44.dev20260713+nightly
codegen_flags: <defaults>
</compile_context>

<pallas_src>
import functools

import jax
import jax.numpy as jnp
from jax import lax
from jax.experimental import pallas as pl
from jax.experimental.pallas import tpu as pltpu
from jax.experimental.pallas import tpu_sc as plsc

_T1, _T2 = 5000, 2500
_D = 128
_C = 47
_W2 = 48
_NW = 32
_B = 128
_ACC1 = 5120
_ACC2 = 2560
_T1SH = 5120


def _make_seg_sum(ch0: int, ch1: int, width: int, acc_rows: int,
                  table_sh_rows: int = 0):
    mesh = plsc.VectorSubcoreMesh(core_axis_name="c", subcore_axis_name="s")
    rows_per_sub = acc_rows // 16
    assert ch1 <= ch0

    @functools.partial(
        pl.kernel,
        out_type=jax.ShapeDtypeStruct((2, acc_rows, width), jnp.float32),
        mesh=mesh,
        scratch_types=[
            pltpu.VMEM((ch0, _B), jnp.int32),
            pltpu.VMEM((ch0, _B), jnp.int32),
            [pltpu.VMEM((_B, width), jnp.float32) for _ in range(1)],
            pltpu.VMEM((16, width), jnp.float32),
            pltpu.VMEM_SHARED((acc_rows, width), jnp.float32),
            [pltpu.VMEM_SHARED((table_sh_rows, width), jnp.float32)
             for _ in range(1 if table_sh_rows else 0)],
            [pltpu.SemaphoreType.DMA for _ in range(1)],
        ],
        compiler_params=pltpu.CompilerParams(use_tc_tiling_on_sc=False),
    )
    def seg_sum(table_hbm, src0_hbm, dst0_hbm, src1_hbm, dst1_hbm, out_hbm,
                src_v, dst_v, rows_bufs, zbuf, acc_sh, table_shs, sems):
        c = lax.axis_index("c")
        s = lax.axis_index("s")

        with jax.named_scope("zero_acc"):
            for r in range(16):
                for col in range(width // 16):
                    zbuf[r, pl.ds(col * 16, 16)] = jnp.zeros((16,), jnp.float32)

            def zero_body(j, carry):
                pltpu.sync_copy(zbuf, acc_sh.at[pl.ds(s * rows_per_sub + j * 16, 16)])
                return carry
            lax.fori_loop(0, rows_per_sub // 16, zero_body, 0)

        if table_sh_rows:
            with jax.named_scope("stage_table"):
                tr = table_sh_rows // 16
                pltpu.sync_copy(table_hbm.at[pl.ds(s * tr, tr)],
                                table_shs[0].at[pl.ds(s * tr, tr)])
            table = table_shs[0]
        else:
            table = table_hbm
        plsc.subcore_barrier()

        def run(src_hbm, dst_hbm, n_chunks):
            with jax.named_scope("stage_idx"):
                pltpu.sync_copy(src_hbm.at[s], src_v.at[pl.ds(0, n_chunks)])
                pltpu.sync_copy(dst_hbm.at[s], dst_v.at[pl.ds(0, n_chunks)])

            with jax.named_scope("edge_loop"):
                def body(j, carry):
                    pltpu.async_copy(table.at[src_v.at[j]],
                                     rows_bufs[0], sems[0]).wait()
                    pltpu.sync_copy(rows_bufs[0], acc_sh.at[dst_v.at[j]],
                                    add=True)
                    return carry
                lax.fori_loop(0, n_chunks, body, 0)

        @pl.when(c == 0)
        def _():
            run(src0_hbm, dst0_hbm, ch0)

        @pl.when(c != 0)
        def _():
            run(src1_hbm, dst1_hbm, ch1)

        plsc.subcore_barrier()
        with jax.named_scope("drain"):
            pltpu.sync_copy(acc_sh.at[pl.ds(s * rows_per_sub, rows_per_sub)],
                            out_hbm.at[c, pl.ds(s * rows_per_sub, rows_per_sub)])

    return seg_sum


def _make_seg_sum_l1(ch0: int, ch1: int, acc_rows: int):
    mesh = plsc.VectorSubcoreMesh(core_axis_name="c", subcore_axis_name="s")
    rows_per_sub = acc_rows // 16
    assert ch1 <= ch0

    @functools.partial(
        pl.kernel,
        out_type=(
            jax.ShapeDtypeStruct((2, acc_rows, _D), jnp.float32),
            jax.ShapeDtypeStruct((2, 16, acc_rows), jnp.float32),
        ),
        mesh=mesh,
        scratch_types=[
            pltpu.VMEM((ch0, _B), jnp.int32),
            pltpu.VMEM((ch0, _B), jnp.int32),
            pltpu.VMEM((_B, _D), jnp.float32),
            pltpu.VMEM((16, _D), jnp.float32),
            pltpu.VMEM((acc_rows,), jnp.float32),
            pltpu.VMEM_SHARED((acc_rows, _D), jnp.float32),
            pltpu.SemaphoreType.DMA,
        ],
        compiler_params=pltpu.CompilerParams(use_tc_tiling_on_sc=True,
                                             needs_layout_passes=False),
    )
    def seg1(table_hbm, src0_hbm, dst0_hbm, src1_hbm, dst1_hbm,
             out_hbm, outc_hbm,
             src_v, dst_v, rows_v, zbuf, cnt_v, acc_sh, sem):
        c = lax.axis_index("c")
        s = lax.axis_index("s")
        zero16 = jnp.zeros((16,), jnp.float32)
        ones16 = jnp.ones((16,), jnp.float32)

        with jax.named_scope("zero_acc"):
            for r in range(16):
                for col in range(_D // 16):
                    zbuf[r, pl.ds(col * 16, 16)] = zero16

            def zero_cnt(i, carry):
                cnt_v[pl.ds(i * 16, 16)] = zero16
                return carry
            lax.fori_loop(0, acc_rows // 16, zero_cnt, 0)

            def zero_body(j, carry):
                pltpu.sync_copy(zbuf, acc_sh.at[pl.ds(s * rows_per_sub + j * 16, 16)])
                return carry
            lax.fori_loop(0, rows_per_sub // 16, zero_body, 0)
        plsc.subcore_barrier()

        def run(src_hbm, dst_hbm, n_chunks):
            with jax.named_scope("stage_idx"):
                pltpu.sync_copy(src_hbm.at[s], src_v.at[pl.ds(0, n_chunks)])
                pltpu.sync_copy(dst_hbm.at[s], dst_v.at[pl.ds(0, n_chunks)])

            with jax.named_scope("edge_loop"):
                def body(j, carry):
                    pltpu.async_copy(table_hbm.at[src_v.at[j]],
                                     rows_v, sem).wait()
                    pltpu.sync_copy(rows_v, acc_sh.at[dst_v.at[j]], add=True)
                    for k in range(_B // 16):
                        idx = dst_v[j, pl.ds(k * 16, 16)]
                        plsc.addupdate_scatter(cnt_v, [idx], ones16)
                    return carry
                lax.fori_loop(0, n_chunks, body, 0)

        @pl.when(c == 0)
        def _():
            run(src0_hbm, dst0_hbm, ch0)

        @pl.when(c != 0)
        def _():
            run(src1_hbm, dst1_hbm, ch1)

        plsc.subcore_barrier()
        with jax.named_scope("drain"):
            pltpu.sync_copy(acc_sh.at[pl.ds(s * rows_per_sub, rows_per_sub)],
                            out_hbm.at[c, pl.ds(s * rows_per_sub, rows_per_sub)])
            pltpu.sync_copy(cnt_v, outc_hbm.at[c, s])

    return seg1


def _tc_layer1(parts, cnt32, x_full, w1l, w1r, b1e, w2pad):
    def body(parts_ref, cnt_ref, x_ref, w1l_ref, w1r_ref, b1_ref, w2_ref,
             hg_ref, hh_ref):
        agg = parts_ref[0] + parts_ref[1]
        cnt = jnp.sum(cnt_ref[...], axis=1, keepdims=True)
        mean = agg[:_T1, :] / jnp.maximum(cnt[:_T1, :], 1.0)
        h = mean @ w1l_ref[...] + x_ref[:_T1, :] @ w1r_ref[...] + b1_ref[...]
        h = jnp.maximum(h, 0.0)
        hg = h @ w2_ref[...]
        lane = lax.broadcasted_iota(jnp.int32, hg.shape, 1)
        hg_ref[:_T1, :] = jnp.where(lane == _C, 1.0, hg)
        hg_ref[_T1:, :] = jnp.zeros((_T1SH - _T1, _W2), jnp.float32)
        hh_ref[...] = h[:_T2, :]

    return pl.pallas_call(
        body,
        out_shape=(
            jax.ShapeDtypeStruct((_T1SH, _W2), jnp.float32),
            jax.ShapeDtypeStruct((_T2, _D), jnp.float32),
        ),
    )(parts, cnt32, x_full, w1l, w1r, b1e, w2pad)


def _tc_layer2(parts2, h_half, w2r, b2e):
    def body(parts_ref, hh_ref, w2r_ref, b2_ref, out_ref):
        agg = parts_ref[0] + parts_ref[1]
        cnt = agg[:_T2, _C:_C + 1]
        meanw = agg[:_T2, :_C] / jnp.maximum(cnt, 1.0)
        z = meanw + hh_ref[...] @ w2r_ref[...] + b2_ref[...]
        m = jnp.max(z, axis=-1, keepdims=True)
        e = jnp.exp(z - m)
        lse = m + jnp.log(jnp.sum(e, axis=-1, keepdims=True))
        out_ref[...] = z - lse

    return pl.pallas_call(
        body,
        out_shape=jax.ShapeDtypeStruct((_T2, _C), jnp.float32),
    )(parts2, h_half, w2r, b2e)


def _pad_edges(src, dst, ch0, ch1, dummy_row):
    e = src.shape[0]
    e0 = 16 * ch0 * _B
    pad = e0 + 16 * ch1 * _B - e
    src_p = jnp.concatenate([src, jnp.zeros((pad,), jnp.int32)])
    dst_p = jnp.concatenate([dst, jnp.full((pad,), dummy_row, jnp.int32)])
    return (src_p[:e0].reshape(16, ch0, _B), dst_p[:e0].reshape(16, ch0, _B),
            src_p[e0:].reshape(16, ch1, _B), dst_p[e0:].reshape(16, ch1, _B))


def kernel(x, edge_index1, edge_index2, W1_l, W1_r, b1, W2_l, W2_r, b2,
           size1, size2):
    n = x.shape[0]
    e1 = edge_index1.shape[1]
    e2 = edge_index2.shape[1]
    tot1 = -(-e1 // (16 * _B))
    ch1a = round(tot1 * 0.60)
    ch1b = tot1 - ch1a
    tot2 = -(-e2 // (16 * _B))
    ch2a = round(tot2 * 0.637)
    ch2b = tot2 - ch2a

    dev1 = (jnp.asarray(size1, jnp.int32) - _T1).astype(jnp.float32)
    dev2 = (jnp.asarray(size2, jnp.int32) - _T2).astype(jnp.float32)
    b1e = (b1 + dev1).reshape(1, _D).astype(jnp.float32)
    b2e = (b2 + dev2).reshape(1, _C).astype(jnp.float32)

    w2pad = jnp.concatenate([W2_l, jnp.zeros((_D, _W2 - _C), jnp.float32)], axis=1)

    s1a, d1a, s1b, d1b = _pad_edges(edge_index1[0], edge_index1[1],
                                    ch1a, ch1b, _T1)
    s2a, d2a, s2b, d2b = _pad_edges(edge_index2[0], edge_index2[1],
                                    ch2a, ch2b, _T2)

    parts1, cnts1 = _make_seg_sum_l1(ch1a, ch1b, _ACC1)(x, s1a, d1a, s1b, d1b)
    cnt32 = jnp.transpose(cnts1.reshape(2 * 16, _ACC1), (1, 0))
    hg_aug, h_half = _tc_layer1(parts1, cnt32, x, W1_l, W1_r, b1e, w2pad)
    parts2 = _make_seg_sum(ch2a, ch2b, _W2, _ACC2,
                           table_sh_rows=_T1SH)(hg_aug, s2a, d2a, s2b, d2b)
    return _tc_layer2(parts2, h_half, W2_r, b2e)

# --- scband reference (transcript-rebuilt; emitter-appended) ---
"""Pipeline reference for scband-sage-76347338654181 (READ-ONLY COPY).

The authoritative reference and input builder live on the scoring server;
editing this copy changes nothing except your own understanding.
"""

import jax, jax.numpy as jnp
import numpy as np

_SIZE1, _SIZE2 = 5000, 2500


def setup_inputs(seed: int = 0) -> dict:
    key = jax.random.key(seed)
    ks = jax.random.split(key, 12)
    N, d, C = 10000, 128, 47
    size1, size2 = 5000, 2500
    E1, E2 = 320000, 160000
    x = jax.random.normal(ks[0], (N, d), dtype=jnp.float32)
    src1 = jax.random.randint(ks[1], (E1,), 0, N, dtype=jnp.int32)
    dst1 = jax.random.randint(ks[2], (E1,), 0, size1, dtype=jnp.int32)
    edge_index1 = jnp.stack([src1, dst1], axis=0)
    src2 = jax.random.randint(ks[3], (E2,), 0, size1, dtype=jnp.int32)
    dst2 = jax.random.randint(ks[4], (E2,), 0, size2, dtype=jnp.int32)
    edge_index2 = jnp.stack([src2, dst2], axis=0)
    W1_l = jax.random.normal(ks[5], (d, d), dtype=jnp.float32) / np.sqrt(d)
    W1_r = jax.random.normal(ks[6], (d, d), dtype=jnp.float32) / np.sqrt(d)
    b1 = jnp.zeros((d,), dtype=jnp.float32)
    W2_l = jax.random.normal(ks[7], (d, C), dtype=jnp.float32) / np.sqrt(d)
    W2_r = jax.random.normal(ks[8], (d, C), dtype=jnp.float32) / np.sqrt(d)
    b2 = jnp.zeros((C,), dtype=jnp.float32)
    return {"x": x, "edge_index1": edge_index1, "edge_index2": edge_index2,
            "W1_l": W1_l, "W1_r": W1_r, "b1": b1,
            "W2_l": W2_l, "W2_r": W2_r, "b2": b2,
            "size1": size1, "size2": size2}


def _sage_layer(x_src, x_target, edge_index, W_l, W_r, b, num_targets):
    # PyG-style SAGEConv with mean aggregation on a bipartite (x_src, x_target) pair
    src = edge_index[0]
    dst = edge_index[1]
    msg = jnp.take(x_src, src, axis=0)                                  # gather  [E, d]
    agg = jax.ops.segment_sum(msg, dst, num_segments=num_targets)       # scatter-add [T, d]
    cnt = jax.ops.segment_sum(jnp.ones((src.shape[0],), jnp.float32), dst, num_segments=num_targets)
    mean = agg / jnp.maximum(cnt, 1.0)[:, None]
    return mean @ W_l + x_target @ W_r + b


def reference(x, edge_index1, edge_index2, W1_l, W1_r, b1, W2_l, W2_r, b2, size1, size2):
    size1_dev = (jnp.asarray(size1, jnp.int32) - _SIZE1).astype(jnp.float32)
    size2_dev = (jnp.asarray(size2, jnp.int32) - _SIZE2).astype(jnp.float32)
    # layer 1: (x, x[:size1]) -> [size1, hidden]
    x_target1 = x[:_SIZE1]
    h = _sage_layer(x, x_target1, edge_index1, W1_l, W1_r, b1, _SIZE1)
    h = h + size1_dev
    h = jax.nn.relu(h)  # dropout is identity in eval mode
    # layer 2: (h, h[:size2]) -> [size2, out]
    h_target2 = h[:_SIZE2]
    out = _sage_layer(h, h_target2, edge_index2, W2_l, W2_r, b2, _SIZE2)
    out = out + size2_dev
    return jax.nn.log_softmax(out, axis=-1)

if __name__ == "__main__":
    import jax
    _d = setup_inputs()
    print(jax.jit(kernel)(*tuple(_d.values())))

</pallas_src>

<mosaic_0001>
#map = affine_map<(d0, d1) -> (0, 0)>
#map1 = affine_map<(d0, d1) -> (0, 0, 0)>
module attributes {stable_mosaic.version = 14 : i64} {
  func.func @seg_sum(%arg0: i32, %arg1: i32, %arg2: memref<5120x48xf32, #tpu.memory_space<hbm>>, %arg3: memref<16x50x128xi32, #tpu.memory_space<hbm>>, %arg4: memref<16x50x128xi32, #tpu.memory_space<hbm>>, %arg5: memref<16x29x128xi32, #tpu.memory_space<hbm>>, %arg6: memref<16x29x128xi32, #tpu.memory_space<hbm>>, %arg7: memref<2x2560x48xf32, #tpu.memory_space<hbm>>, %arg8: memref<50x128xi32, #tpu.memory_space<vmem>>, %arg9: memref<50x128xi32, #tpu.memory_space<vmem>>, %arg10: memref<128x48xf32, #tpu.memory_space<vmem>>, %arg11: memref<16x48xf32, #tpu.memory_space<vmem>>, %arg12: memref<2560x48xf32, #tpu.memory_space<vmem_shared>>, %arg13: memref<5120x48xf32, #tpu.memory_space<vmem_shared>>, %arg14: memref<!tpu.dma_semaphore, #tpu.memory_space<semaphore_mem>>) attributes {dimension_semantics = [#tpu.dimension_semantics<core_parallel>, #tpu.dimension_semantics<subcore_parallel>], iteration_bounds = array<i64: 2, 16>, scalar_prefetch = 0 : i64, scratch_operands = 7 : i64, tpu.core_type = #tpu.core_type<sc_vector_subcore>, window_params = [{transform_indices = #map}, {transform_indices = #map1}, {transform_indices = #map1}, {transform_indices = #map1}, {transform_indices = #map1}, {transform_indices = #map1}]} {
    %broadcast_in_dim3A = arith.constant 0.000000e+00 : f32
    "tpu.trace_start"() <{level = 10 : i32, message = "zero_acc"}> : () -> ()
    %broadcast_in_dim3A_0 = vector.broadcast %broadcast_in_dim3A : f32 to vector<16xf32>
    %swap3A = arith.constant 0 : i32
    %swap3A_1 = arith.index_cast %swap3A : i32 to index
    %swap3A_2 = arith.constant 0 : index
    %swap3A_3 = tpu.vector_load %arg11[%swap3A_1, %swap3A_2] {strides = array<i32>} : memref<16x48xf32, #tpu.memory_space<vmem>>, vector<1x16xf32>,
    %swap3A_4 = vector.shape_cast %swap3A_3 : vector<1x16xf32> to vector<16xf32>
    %swap3A_5 = vector.shape_cast %broadcast_in_dim3A_0 : vector<16xf32> to vector<1x16xf32>
    tpu.vector_store %arg11[%swap3A_1, %swap3A_2], %swap3A_5 {strides = array<i32>} : memref<16x48xf32, #tpu.memory_space<vmem>>, vector<1x16xf32>,
    %broadcast_in_dim3A_6 = arith.constant 0.000000e+00 : f32
    %broadcast_in_dim3A_7 = vector.broadcast %broadcast_in_dim3A_6 : f32 to vector<16xf32>
    %swap3A_8 = arith.constant 0 : i32
    %swap3A_9 = arith.index_cast %swap3A_8 : i32 to index
    %swap3A_10 = arith.constant 16 : index
    %swap3A_11 = tpu.vector_load %arg11[%swap3A_9, %swap3A_10] {strides = array<i32>} : memref<16x48xf32, #tpu.memory_space<vmem>>, vector<1x16xf32>,
    %swap3A_12 = vector.shape_cast %swap3A_11 : vector<1x16xf32> to vector<16xf32>
    %swap3A_13 = vector.shape_cast %broadcast_in_dim3A_7 : vector<16xf32> to vector<1x16xf32>
    tpu.vector_store %arg11[%swap3A_9, %swap3A_10], %swap3A_13 {strides = array<i32>} : memref<16x48xf32, #tpu.memory_space<vmem>>, vector<1x16xf32>,
    %broadcast_in_dim3A_14 = arith.constant 0.000000e+00 : f32
    %broadcast_in_dim3A_15 = vector.broadcast %broadcast_in_dim3A_14 : f32 to vector<16xf32>
    %swap3A_16 = arith.constant 0 : i32
    %swap3A_17 = arith.index_cast %swap3A_16 : i32 to index
    %swap3A_18 = arith.constant 32 : index
    %swap3A_19 = tpu.vector_load %arg11[%swap3A_17, %swap3A_18] {strides = array<i32>} : memref<16x48xf32, #tpu.memory_space<vmem>>, vector<1x16xf32>,
    %swap3A_20 = vector.shape_cast %swap3A_19 : vector<1x16xf32> to vector<16xf32>
    %swap3A_21 = vector.shape_cast %broadcast_in_dim3A_15 : vector<16xf32> to vector<1x16xf32>
    tpu.vector_store %arg11[%swap3A_17, %swap3A_18], %swap3A_21 {strides = array<i32>} : memref<16x48xf32, #tpu.memory_space<vmem>>, vector<1x16xf32>,
    %broadcast_in_dim3A_22 = arith.constant 0.000000e+00 : f32
    %broadcast_in_dim3A_23 = vector.broadcast %broadcast_in_dim3A_22 : f32 to vector<16xf32>
    %swap3A_24 = arith.constant 1 : i32
    %swap3A_25 = arith.index_cast %swap3A_24 : i32 to index
    %swap3A_26 = arith.constant 0 : index
    %swap3A_27 = tpu.vector_load %arg11[%swap3A_25, %swap3A_26] {strides = array<i32>} : memref<16x48xf32, #tpu.memory_space<vmem>>, vector<1x16xf32>,
    %swap3A_28 = vector.shape_cast %swap3A_27 : vector<1x16xf32> to vector<16xf32>
    %swap3A_29 = vector.shape_cast %broadcast_in_dim3A_23 : vector<16xf32> to vector<1x16xf32>
    tpu.vector_store %arg11[%swap3A_25, %swap3A_26], %swap3A_29 {strides = array<i32>} : memref<16x48xf32, #tpu.memory_space<vmem>>, vector<1x16xf32>,
    %broadcast_in_dim3A_30 = arith.constant 0.000000e+00 : f32
    %broadcast_in_dim3A_31 = vector.broadcast %broadcast_in_dim3A_30 : f32 to vector<16xf32>
    %swap3A_32 = arith.constant 1 : i32
    %swap3A_33 = arith.index_cast %swap3A_32 : i32 to index
    %swap3A_34 = arith.constant 16 : index
    %swap3A_35 = tpu.vector_load %arg11[%swap3A_33, %swap3A_34] {strides = array<i32>} : memref<16x48xf32, #tpu.memory_space<vmem>>, vector<1x16xf32>,
    %swap3A_36 = vector.shape_cast %swap3A_35 : vector<1x16xf32> to vector<16xf32>
    %swap3A_37 = vector.shape_cast %broadcast_in_dim3A_31 : vector<16xf32> to vector<1x16xf32>
    tpu.vector_store %arg11[%swap3A_33, %swap3A_34], %swap3A_37 {strides = array<i32>} : memref<16x48xf32, #tpu.memory_space<vmem>>, vector<1x16xf32>,
    %broadcast_in_dim3A_38 = arith.constant 0.000000e+00 : f32
    %broadcast_in_dim3A_39 = vector.broadcast %broadcast_in_dim3A_38 : f32 to vector<16xf32>
    %swap3A_40 = arith.constant 1 : i32
    %swap3A_41 = arith.index_cast %swap3A_40 : i32 to index
    %swap3A_42 = arith.constant 32 : index
    %swap3A_43 = tpu.vector_load %arg11[%swap3A_41, %swap3A_42] {strides = array<i32>} : memref<16x48xf32, #tpu.memory_space<vmem>>, vector<1x16xf32>,
    %swap3A_44 = vector.shape_cast %swap3A_43 : vector<1x16xf32> to vector<16xf32>
    %swap3A_45 = vector.shape_cast %broadcast_in_dim3A_39 : vector<16xf32> to vector<1x16xf32>
    tpu.vector_store %arg11[%swap3A_41, %swap3A_42], %swap3A_45 {strides = array<i32>} : memref<16x48xf32, #tpu.memory_space<vmem>>, vector<1x16xf32>,
    %broadcast_in_dim3A_46 = arith.constant 0.000000e+00 : f32
    %broadcast_in_dim3A_47 = vector.broadcast %broadcast_in_dim3A_46 : f32 to vector<16xf32>
    %swap3A_48 = arith.constant 2 : i32
    %swap3A_49 = arith.index_cast %swap3A_48 : i32 to index
    %swap3A_50 = arith.constant 0 : index
    %swap3A_51 = tpu.vector_load %arg11[%swap3A_49, %swap3A_50] {strides = array<i32>} : memref<16x48xf32, #tpu.memory_space<vmem>>, vector<1x16xf32>,
    %swap3A_52 = vector.shape_cast %swap3A_51 : vector<1x16xf32> to vector<16xf32>
    %swap3A_53 = vector.shape_cast %broadcast_in_dim3A_47 : vector<16xf32> to vector<1x16xf32>
    tpu.vector_store %arg11[%swap3A_49, %swap3A_50], %swap3A_53 {strides = array<i32>} : memref<16x48xf32, #tpu.memory_space<vmem>>, vector<1x16xf32>,
    %broadcast_in_dim3A_54 = arith.constant 0.000000e+00 : f32
    %broadcast_in_dim3A_55 = vector.broadcast %broadcast_in_dim3A_54 : f32 to vector<16xf32>
    %swap3A_56 = arith.constant 2 : i32
    %swap3A_57 = arith.index_cast %swap3A_56 : i32 to index
    %swap3A_58 = arith.constant 16 : index
    %swap3A_59 = tpu.vector_load %arg11[%swap3A_57, %swap3A_58] {strides = array<i32>} : memref<16x48xf32, #tpu.memory_space<vmem>>, vector<1x16xf32>,
    %swap3A_60 = vector.shape_cast %swap3A_59 : vector<1x16xf32> to vector<16xf32>
    %swap3A_61 = vector.shape_cast %broadcast_in_dim3A_55 : vector<16xf32> to vector<1x16xf32>
    tpu.vector_store %arg11[%swap3A_57, %swap3A_58], %swap3A_61 {strides = array<i32>} : memref<16x48xf32, #tpu.memory_space<vmem>>, vector<1x16xf32>,
    %broadcast_in_dim3A_62 = arith.constant 0.000000e+00 : f32
    %broadcast_in_dim3A_63 = vector.broadcast %broadcast_in_dim3A_62 : f32 to vector<16xf32>
    %swap3A_64 = arith.constant 2 : i32
    %swap3A_65 = arith.index_cast %swap3A_64 : i32 to index
    %swap3A_66 = arith.constant 32 : index
    %swap3A_67 = tpu.vector_load %arg11[%swap3A_65, %swap3A_66] {strides = array<i32>} : memref<16x48xf32, #tpu.memory_space<vmem>>, vector<1x16xf32>,
    %swap3A_68 = vector.shape_cast %swap3A_67 : vector<1x16xf32> to vector<16xf32>
    %swap3A_69 = vector.shape_cast %broadcast_in_dim3A_63 : vector<16xf32> to vector<1x16xf32>
    tpu.vector_store %arg11[%swap3A_65, %swap3A_66], %swap3A_69 {strides = array<i32>} : memref<16x48xf32, #tpu.memory_space<vmem>>, vector<1x16xf32>,
    %broadcast_in_dim3A_70 = arith.constant 0.000000e+00 : f32
    %broadcast_in_dim3A_71 = vector.broadcast %broadcast_in_dim3A_70 : f32 to vector<16xf32>
    %swap3A_72 = arith.constant 3 : i32
    %swap3A_73 = arith.index_cast %swap3A_72 : i32 to index
    %swap3A_74 = arith.constant 0 : index
    %swap3A_75 = tpu.vector_load %arg11[%swap3A_73, %swap3A_74] {strides = array<i32>} : memref<16x48xf32, #tpu.memory_space<vmem>>, vector<1x16xf32>,
    %swap3A_76 = vector.shape_cast %swap3A_75 : vector<1x16xf32> to vector<16xf32>
    %swap3A_77 = vector.shape_cast %broadcast_in_dim3A_71 : vector<16xf32> to vector<1x16xf32>
    tpu.vector_store %arg11[%swap3A_73, %swap3A_74], %swap3A_77 {strides = array<i32>} : memref<16x48xf32, #tpu.memory_space<vmem>>, vector<1x16xf32>,
    %broadcast_in_dim3A_78 = arith.constant 0.000000e+00 : f32
    %broadcast_in_dim3A_79 = vector.broadcast %broadcast_in_dim3A_78 : f32 to vector<16xf32>
    %swap3A_80 = arith.constant 3 : i32
    %swap3A_81 = arith.index_cast %swap3A_80 : i32 to index
    %swap3A_82 = arith.constant 16 : index
    %swap3A_83 = tpu.vector_load %arg11[%swap3A_81, %swap3A_82] {strides = array<i32>} : memref<16x48xf32, #tpu.memory_space<vmem>>, vector<1x16xf32>,
    %swap3A_84 = vector.shape_cast %swap3A_83 : vector<1x16xf32> to vector<16xf32>
    %swap3A_85 = vector.shape_cast %broadcast_in_dim3A_79 : vector<16xf32> to vector<1x16xf32>
    tpu.vector_store %arg11[%swap3A_81, %swap3A_82], %swap3A_85 {strides = array<i32>} : memref<16x48xf32, #tpu.memory_space<vmem>>, vector<1x16xf32>,
    %broadcast_in_dim3A_86 = arith.constant 0.000000e+00 : f32
    %broadcast_in_dim3A_87 = vector.broadcast %broadcast_in_dim3A_86 : f32 to vector<16xf32>
    %swap3A_88 = arith.constant 3 : i32
    %swap3A_89 = arith.index_cast %swap3A_88 : i32 to index
    %swap3A_90 = arith.constant 32 : index
    %swap3A_91 = tpu.vector_load %arg11[%swap3A_89, %swap3A_90] {strides = array<i32>} : memref<16x48xf32, #tpu.memory_space<vmem>>, vector<1x16xf32>,
    %swap3A_92 = vector.shape_cast %swap3A_91 : vector<1x16xf32> to vector<16xf32>
    %swap3A_93 = vector.shape_cast %broadcast_in_dim3A_87 : vector<16xf32> to vector<1x16xf32>
    tpu.vector_store %arg11[%swap3A_89, %swap3A_90], %swap3A_93 {strides = array<i32>} : memref<16x48xf32, #tpu.memory_space<vmem>>, vector<1x16xf32>,
    %broadcast_in_dim3A_94 = arith.constant 0.000000e+00 : f32
    %broadcast_in_dim3A_95 = vector.broadcast %broadcast_in_dim3A_94 : f32 to vector<16xf32>
    %swap3A_96 = arith.constant 4 : i32
    %swap3A_97 = arith.index_cast %swap3A_96 : i32 to index
    %swap3A_98 = arith.constant 0 : index
    %swap3A_99 = tpu.vector_load %arg11[%swap3A_97, %swap3A_98] {strides = array<i32>} : memref<16x48xf32, #tpu.memory_space<vmem>>, vector<1x16xf32>,
    %swap3A_100 = vector.shape_cast %swap3A_99 : vector<1x16xf32> to vector<16xf32>
    %swap3A_101 = vector.shape_cast %broadcast_in_dim3A_95 : vector<16xf32> to vector<1x16xf32>
    tpu.vector_store %arg11[%swap3A_97, %swap3A_98], %swap3A_101 {strides = array<i32>} : memref<16x48xf32, #tpu.memory_space<vmem>>, vector<1x16xf32>,
    %broadcast_in_dim3A_102 = arith.constant 0.000000e+00 : f32
    %broadcast_in_dim3A_103 = vector.broadcast %broadcast_in_dim3A_102 : f32 to vector<16xf32>
    %swap3A_104 = arith.constant 4 : i32
    %swap3A_105 = arith.index_cast %swap3A_104 : i32 to index
    %swap3A_106 = arith.constant 16 : index
    %swap3A_107 = tpu.vector_load %arg11[%swap3A_105, %swap3A_106] {strides = array<i32>} : memref<16x48xf32, #tpu.memory_space<vmem>>, vector<1x16xf32>,
    %swap3A_108 = vector.shape_cast %swap3A_107 : vector<1x16xf32> to vector<16xf32>
    %swap3A_109 = vector.shape_cast %broadcast_in_dim3A_103 : vector<16xf32> to vector<1x16xf32>
    tpu.vector_store %arg11[%swap3A_105, %swap3A_106], %swap3A_109 {strides = array<i32>} : memref<16x48xf32, #tpu.memory_space<vmem>>, vector<1x16xf32>,
    %broadcast_in_dim3A_110 = arith.constant 0.000000e+00 : f32
    %broadcast_in_dim3A_111 = vector.broadcast %broadcast_in_dim3A_110 : f32 to vector<16xf32>
    %swap3A_112 = arith.constant 4 : i32
    %swap3A_113 = arith.index_cast %swap3A_112 : i32 to index
    %swap3A_114 = arith.constant 32 : index
    %swap3A_115 = tpu.vector_load %arg11[%swap3A_113, %swap3A_114] {strides = array<i32>} : memref<16x48xf32, #tpu.memory_space<vmem>>, vector<1x16xf32>,
    %swap3A_116 = vector.shape_cast %swap3A_115 : vector<1x16xf32> to vector<16xf32>
    %swap3A_117 = vector.shape_cast %broadcast_in_dim3A_111 : vector<16xf32> to vector<1x16xf32>
    tpu.vector_store %arg11[%swap3A_113, %swap3A_114], %swap3A_117 {strides = array<i32>} : memref<16x48xf32, #tpu.memory_space<vmem>>, vector<1x16xf32>,
    %broadcast_in_dim3A_118 = arith.constant 0.000000e+00 : f32
    %broadcast_in_dim3A_119 = vector.broadcast %broadcast_in_dim3A_118 : f32 to vector<16xf32>
    %swap3A_120 = arith.constant 5 : i32
    %swap3A_121 = arith.index_cast %swap3A_120 : i32 to index
    %swap3A_122 = arith.constant 0 : index
    %swap3A_123 = tpu.vector_load %arg11[%swap3A_121, %swap3A_122] {strides = array<i32>} : memref<16x48xf32, #tpu.memory_space<vmem>>, vector<1x16xf32>,
    %swap3A_124 = vector.shape_cast %swap3A_123 : vector<1x16xf32> to vector<16xf32>
    %swap3A_125 = vector.shape_cast %broadcast_in_dim3A_119 : vector<16xf32> to vector<1x16xf32>
    tpu.vector_store %arg11[%swap3A_121, %swap3A_122], %swap3A_125 {strides = array<i32>} : memref<16x48xf32, #tpu.memory_space<vmem>>, vector<1x16xf32>,
    %broadcast_in_dim3A_126 = arith.constant 0.000000e+00 : f32
    %broadcast_in_dim3A_127 = vector.broadcast %broadcast_in_dim3A_126 : f32 to vector<16xf32>
    %swap3A_128 = arith.constant 5 : i32
    %swap3A_129 = arith.index_cast %swap3A_128 : i32 to index
    %swap3A_130 = arith.constant 16 : index
    %swap3A_131 = tpu.vector_load %arg11[%swap3A_129, %swap3A_130] {strides = array<i32>} : memref<16x48xf32, #tpu.memory_space<vmem>>, vector<1x16xf32>,
    %swap3A_132 = vector.shape_cast %swap3A_131 : vector<1x16xf32> to vector<16xf32>
    %swap3A_133 = vector.shape_cast %broadcast_in_dim3A_127 : vector<16xf32> to vector<1x16xf32>
    tpu.vector_store %arg11[%swap3A_129, %swap3A_130], %swap3A_133 {strides = array<i32>} : memref<16x48xf32, #tpu.memory_space<vmem>>, vector<1x16xf32>,
    %broadcast_in_dim3A_134 = arith.constant 0.000000e+00 : f32
    %broadcast_in_dim3A_135 = vector.broadcast %broadcast_in_dim3A_134 : f32 to vector<16xf32>
    %swap3A_136 = arith.constant 5 : i32
    %swap3A_137 = arith.index_cast %swap3A_136 : i32 to index
    %swap3A_138 = arith.constant 32 : index
    %swap3A_139 = tpu.vector_load %arg11[%swap3A_137, %swap3A_138] {strides = array<i32>} : memref<16x48xf32, #tpu.memory_space<vmem>>, vector<1x16xf32>,
    %swap3A_140 = vector.shape_cast %swap3A_139 : vector<1x16xf32> to vector<16xf32>
    %swap3A_141 = vector.shape_cast %broadcast_in_dim3A_135 : vector<16xf32> to vector<1x16xf32>
    tpu.vector_store %arg11[%swap3A_137, %swap3A_138], %swap3A_141 {strides = array<i32>} : memref<16x48xf32, #tpu.memory_space<vmem>>, vector<1x16xf32>,
    %broadcast_in_dim3A_142 = arith.constant 0.000000e+00 : f32
    %broadcast_in_dim3A_143 = vector.broadcast %broadcast_in_dim3A_142 : f32 to vector<16xf32>
    %swap3A_144 = arith.constant 6 : i32
    %swap3A_145 = arith.index_cast %swap3A_144 : i32 to index
    %swap3A_146 = arith.constant 0 : index
    %swap3A_147 = tpu.vector_load %arg11[%swap3A_145, %swap3A_146] {strides = array<i32>} : memref<16x48xf32, #tpu.memory_space<vmem>>, vector<1x16xf32>,
    %swap3A_148 = vector.shape_cast %swap3A_147 : vector<1x16xf32> to vector<16xf32>
    %swap3A_149 = vector.shape_cast %broadcast_in_dim3A_143 : vector<16xf32> to vector<1x16xf32>
    tpu.vector_store %arg11[%swap3A_145, %swap3A_146], %swap3A_149 {strides = array<i32>} : memref<16x48xf32, #tpu.memory_space<vmem>>, vector<1x16xf32>,
    %broadcast_in_dim3A_150 = arith.constant 0.000000e+00 : f32
    %broadcast_in_dim3A_151 = vector.broadcast %broadcast_in_dim3A_150 : f32 to vector<16xf32>
    %swap3A_152 = arith.constant 6 : i32
    %swap3A_153 = arith.index_cast %swap3A_152 : i32 to index
    %swap3A_154 = arith.constant 16 : index
    %swap3A_155 = tpu.vector_load %arg11[%swap3A_153, %swap3A_154] {strides = array<i32>} : memref<16x48xf32, #tpu.memory_space<vmem>>, vector<1x16xf32>,
    %swap3A_156 = vector.shape_cast %swap3A_155 : vector<1x16xf32> to vector<16xf32>
    %swap3A_157 = vector.shape_cast %broadcast_in_dim3A_151 : vector<16xf32> to vector<1x16xf32>
    tpu.vector_store %arg11[%swap3A_153, %swap3A_154], %swap3A_157 {strides = array<i32>} : memref<16x48xf32, #tpu.memory_space<vmem>>, vector<1x16xf32>,
    %broadcast_in_dim3A_158 = arith.constant 0.000000e+00 : f32
    %broadcast_in_dim3A_159 = vector.broadcast %broadcast_in_dim3A_158 : f32 to vector<16xf32>
    %swap3A_160 = arith.constant 6 : i32
    %swap3A_161 = arith.index_cast %swap3A_160 : i32 to index
    %swap3A_162 = arith.constant 32 : index
    %swap3A_163 = tpu.vector_load %arg11[%swap3A_161, %swap3A_162] {strides = array<i32>} : memref<16x48xf32, #tpu.memory_space<vmem>>, vector<1x16xf32>,
    %swap3A_164 = vector.shape_cast %swap3A_163 : vector<1x16xf32> to vector<16xf32>
    %swap3A_165 = vector.shape_cast %broadcast_in_dim3A_159 : vector<16xf32> to vector<1x16xf32>
    tpu.vector_store %arg11[%swap3A_161, %swap3A_162], %swap3A_165 {strides = array<i32>} : memref<16x48xf32, #tpu.memory_space<vmem>>, vector<1x16xf32>,
    %broadcast_in_dim3A_166 = arith.constant 0.000000e+00 : f32
    %broadcast_in_dim3A_167 = vector.broadcast %broadcast_in_dim3A_166 : f32 to vector<16xf32>
    %swap3A_168 = arith.constant 7 : i32
    %swap3A_169 = arith.index_cast %swap3A_168 : i32 to index
    %swap3A_170 = arith.constant 0 : index
    %swap3A_171 = tpu.vector_load %arg11[%swap3A_169, %swap3A_170] {strides = array<i32>} : memref<16x48xf32, #tpu.memory_space<vmem>>, vector<1x16xf32>,
    %swap3A_172 = vector.shape_cast %swap3A_171 : vector<1x16xf32> to vector<16xf32>
    %swap3A_173 = vector.shape_cast %broadcast_in_dim3A_167 : vector<16xf32> to vector<1x16xf32>
    tpu.vector_store %arg11[%swap3A_169, %swap3A_170], %swap3A_173 {strides = array<i32>} : memref<16x48xf32, #tpu.memory_space<vmem>>, vector<1x16xf32>,
    %broadcast_in_dim3A_174 = arith.constant 0.000000e+00 : f32
    %broadcast_in_dim3A_175 = vector.broadcast %broadcast_in_dim3A_174 : f32 to vector<16xf32>
    %swap3A_176 = arith.constant 7 : i32
    %swap3A_177 = arith.index_cast %swap3A_176 : i32 to index
    %swap3A_178 = arith.constant 16 : index
    %swap3A_179 = tpu.vector_load %arg11[%swap3A_177, %swap3A_178] {strides = array<i32>} : memref<16x48xf32, #tpu.memory_space<vmem>>, vector<1x16xf32>,
    %swap3A_180 = vector.shape_cast %swap3A_179 : vector<1x16xf32> to vector<16xf32>
    %swap3A_181 = vector.shape_cast %broadcast_in_dim3A_175 : vector<16xf32> to vector<1x16xf32>
    tpu.vector_store %arg11[%swap3A_177, %swap3A_178], %swap3A_181 {strides = array<i32>} : memref<16x48xf32, #tpu.memory_space<vmem>>, vector<1x16xf32>,
    %broadcast_in_dim3A_182 = arith.constant 0.000000e+00 : f32
    %broadcast_in_dim3A_183 = vector.broadcast %broadcast_in_dim3A_182 : f32 to vector<16xf32>
    %swap3A_184 = arith.constant 7 : i32
    %swap3A_185 = arith.index_cast %swap3A_184 : i32 to index
    %swap3A_186 = arith.constant 32 : index
    %swap3A_187 = tpu.vector_load %arg11[%swap3A_185, %swap3A_186] {strides = array<i32>} : memref<16x48xf32, #tpu.memory_space<vmem>>, vector<1x16xf32>,
    %swap3A_188 = vector.shape_cast %swap3A_187 : vector<1x16xf32> to vector<16xf32>
    %swap3A_189 = vector.shape_cast %broadcast_in_dim3A_183 : vector<16xf32> to vector<1x16xf32>
    tpu.vector_store %arg11[%swap3A_185, %swap3A_186], %swap3A_189 {strides = array<i32>} : memref<16x48xf32, #tpu.memory_space<vmem>>, vector<1x16xf32>,
    %broadcast_in_dim3A_190 = arith.constant 0.000000e+00 : f32
    %broadcast_in_dim3A_191 = vector.broadcast %broadcast_in_dim3A_190 : f32 to vector<16xf32>
    %swap3A_192 = arith.constant 8 : i32
    %swap3A_193 = arith.index_cast %swap3A_192 : i32 to index
    %swap3A_194 = arith.constant 0 : index
    %swap3A_195 = tpu.vector_load %arg11[%swap3A_193, %swap3A_194] {strides = array<i32>} : memref<16x48xf32, #tpu.memory_space<vmem>>, vector<1x16xf32>,
    %swap3A_196 = vector.shape_cast %swap3A_195 : vector<1x16xf32> to vector<16xf32>
    %swap3A_197 = vector.shape_cast %broadcast_in_dim3A_191 : vector<16xf32> to vector<1x16xf32>
    tpu.vector_store %arg11[%swap3A_193, %swap3A_194], %swap3A_197 {strides = array<i32>} : memref<16x48xf32, #tpu.memory_space<vmem>>, vector<1x16xf32>,
    %broadcast_in_dim3A_198 = arith.constant 0.000000e+00 : f32
    %broadcast_in_dim3A_199 = vector.broadcast %broadcast_in_dim3A_198 : f32 to vector<16xf32>
    %swap3A_200 = arith.constant 8 : i32
    %swap3A_201 = arith.index_cast %swap3A_200 : i32 to index
    %swap3A_202 = arith.constant 16 : index
    %swap3A_203 = tpu.vector_load %arg11[%swap3A_201, %swap3A_202] {strides = array<i32>} : memref<16x48xf32, #tpu.memory_space<vmem>>, vector<1x16xf32>,
    %swap3A_204 = vector.shape_cast %swap3A_203 : vector<1x16xf32> to vector<16xf32>
    %swap3A_205 = vector.shape_cast %broadcast_in_dim3A_199 : vector<16xf32> to vector<1x16xf32>
    tpu.vector_store %arg11[%swap3A_201, %swap3A_202], %swap3A_205 {strides = array<i32>} : memref<16x48xf32, #tpu.memory_space<vmem>>, vector<1x16xf32>,
    %broadcast_in_dim3A_206 = arith.constant 0.000000e+00 : f32
    %broadcast_in_dim3A_207 = vector.broadcast %broadcast_in_dim3A_206 : f32 to vector<16xf32>
    %swap3A_208 = arith.constant 8 : i32
    %swap3A_209 = arith.index_cast %swap3A_208 : i32 to index
    %swap3A_210 = arith.constant 32 : index
    %swap3A_211 = tpu.vector_load %arg11[%swap3A_209, %swap3A_210] {strides = array<i32>} : memref<16x48xf32, #tpu.memory_space<vmem>>, vector<1x16xf32>,
    %swap3A_212 = vector.shape_cast %swap3A_211 : vector<1x16xf32> to vector<16xf32>
    %swap3A_213 = vector.shape_cast %broadcast_in_dim3A_207 : vector<16xf32> to vector<1x16xf32>
    tpu.vector_store %arg11[%swap3A_209, %swap3A_210], %swap3A_213 {strides = array<i32>} : memref<16x48xf32, #tpu.memory_space<vmem>>, vector<1x16xf32>,
    %broadcast_in_dim3A_214 = arith.constant 0.000000e+00 : f32
    %broadcast_in_dim3A_215 = vector.broadcast %broadcast_in_dim3A_214 : f32 to vector<16xf32>
    %swap3A_216 = arith.constant 9 : i32
    %swap3A_217 = arith.index_cast %swap3A_216 : i32 to index
    %swap3A_218 = arith.constant 0 : index
    %swap3A_219 = tpu.vector_load %arg11[%swap3A_217, %swap3A_218] {strides = array<i32>} : memref<16x48xf32, #tpu.memory_space<vmem>>, vector<1x16xf32>,
    %swap3A_220 = vector.shape_cast %swap3A_219 : vector<1x16xf32> to vector<16xf32>
    %swap3A_221 = vector.shape_cast %broadcast_in_dim3A_215 : vector<16xf32> to vector<1x16xf32>
    tpu.vector_store %arg11[%swap3A_217, %swap3A_218], %swap3A_221 {strides = array<i32>} : memref<16x48xf32, #tpu.memory_space<vmem>>, vector<1x16xf32>,
    %broadcast_in_dim3A_222 = arith.constant 0.000000e+00 : f32
    %broadcast_in_dim3A_223 = vector.broadcast %broadcast_in_dim3A_222 : f32 to vector<16xf32>
    %swap3A_224 = arith.constant 9 : i32
    %swap3A_225 = arith.index_cast %swap3A_224 : i32 to index
    %swap3A_226 = arith.constant 16 : index
    %swap3A_227 = tpu.vector_load %arg11[%swap3A_225, %swap3A_226] {strides = array<i32>} : memref<16x48xf32, #tpu.memory_space<vmem>>, vector<1x16xf32>,
    %swap3A_228 = vector.shape_cast %swap3A_227 : vector<1x16xf32> to vector<16xf32>
    %swap3A_229 = vector.shape_cast %broadcast_in_dim3A_223 : vector<16xf32> to vector<1x16xf32>
    tpu.vector_store %arg11[%swap3A_225, %swap3A_226], %swap3A_229 {strides = array<i32>} : memref<16x48xf32, #tpu.memory_space<vmem>>, vector<1x16xf32>,
    %broadcast_in_dim3A_230 = arith.constant 0.000000e+00 : f32
    %broadcast_in_dim3A_231 = vector.broadcast %broadcast_in_dim3A_230 : f32 to vector<16xf32>
    %swap3A_232 = arith.constant 9 : i32
    %swap3A_233 = arith.index_cast %swap3A_232 : i32 to index
    %swap3A_234 = arith.constant 32 : index
    %swap3A_235 = tpu.vector_load %arg11[%swap3A_233, %swap3A_234] {strides = array<i32>} : memref<16x48xf32, #tpu.memory_space<vmem>>, vector<1x16xf32>,
    %swap3A_236 = vector.shape_cast %swap3A_235 : vector<1x16xf32> to vector<16xf32>
    %swap3A_237 = vector.shape_cast %broadcast_in_dim3A_231 : vector<16xf32> to vector<1x16xf32>
    tpu.vector_store %arg11[%swap3A_233, %swap3A_234], %swap3A_237 {strides = array<i32>} : memref<16x48xf32, #tpu.memory_space<vmem>>, vector<1x16xf32>,
    %broadcast_in_dim3A_238 = arith.constant 0.000000e+00 : f32
    %broadcast_in_dim3A_239 = vector.broadcast %broadcast_in_dim3A_238 : f32 to vector<16xf32>
    %swap3A_240 = arith.constant 10 : i32
    %swap3A_241 = arith.index_cast %swap3A_240 : i32 to index
    %swap3A_242 = arith.constant 0 : index
    %swap3A_243 = tpu.vector_load %arg11[%swap3A_241, %swap3A_242] {strides = array<i32>} : memref<16x48xf32, #tpu.memory_space<vmem>>, vector<1x16xf32>,
    %swap3A_244 = vector.shape_cast %swap3A_243 : vector<1x16xf32> to vector<16xf32>
    %swap3A_245 = vector.shape_cast %broadcast_in_dim3A_239 : vector<16xf32> to vector<1x16xf32>
    tpu.vector_store %arg11[%swap3A_241, %swap3A_242], %swap3A_245 {strides = array<i32>} : memref<16x48xf32, #tpu.memory_space<vmem>>, vector<1x16xf32>,
    %broadcast_in_dim3A_246 = arith.constant 0.000000e+00 : f32
    %broadcast_in_dim3A_247 = vector.broadcast %broadcast_in_dim3A_246 : f32 to vector<16xf32>
    %swap3A_248 = arith.constant 10 : i32
    %swap3A_249 = arith.index_cast %swap3A_248 : i32 to index
    %swap3A_250 = arith.constant 16 : index
    %swap3A_251 = tpu.vector_load %arg11[%swap3A_249, %swap3A_250] {strides = array<i32>} : memref<16x48xf32, #tpu.memory_space<vmem>>, vector<1x16xf32>,
    %swap3A_252 = vector.shape_cast %swap3A_251 : vector<1x16xf32> to vector<16xf32>
    %swap3A_253 = vector.shape_cast %broadcast_in_dim3A_247 : vector<16xf32> to vector<1x16xf32>
    tpu.vector_store %arg11[%swap3A_249, %swap3A_250], %swap3A_253 {strides = array<i32>} : memref<16x48xf32, #tpu.memory_space<vmem>>, vector<1x16xf32>,
    %broadcast_in_dim3A_254 = arith.constant 0.000000e+00 : f32
    %broadcast_in_dim3A_255 = vector.broadcast %broadcast_in_dim3A_254 : f32 to vector<16xf32>
    %swap3A_256 = arith.constant 10 : i32
    %swap3A_257 = arith.index_cast %swap3A_256 : i32 to index
    %swap3A_258 = arith.constant 32 : index
    %swap3A_259 = tpu.vector_load %arg11[%swap3A_257, %swap3A_258] {strides = array<i32>} : memref<16x48xf32, #tpu.memory_space<vmem>>, vector<1x16xf32>,
    %swap3A_260 = vector.shape_cast %swap3A_259 : vector<1x16xf32> to vector<16xf32>
    %swap3A_261 = vector.shape_cast %broadcast_in_dim3A_255 : vector<16xf32> to vector<1x16xf32>
    tpu.vector_store %arg11[%swap3A_257, %swap3A_258], %swap3A_261 {strides = array<i32>} : memref<16x48xf32, #tpu.memory_space<vmem>>, vector<1x16xf32>,
    %broadcast_in_dim3A_262 = arith.constant 0.000000e+00 : f32
    %broadcast_in_dim3A_263 = vector.broadcast %broadcast_in_dim3A_262 : f32 to vector<16xf32>
    %swap3A_264 = arith.constant 11 : i32
    %swap3A_265 = arith.index_cast %swap3A_264 : i32 to index
    %swap3A_266 = arith.constant 0 : index
    %swap3A_267 = tpu.vector_load %arg11[%swap3A_265, %swap3A_266] {strides = array<i32>} : memref<16x48xf32, #tpu.memory_space<vmem>>, vector<1x16xf32>,
    %swap3A_268 = vector.shape_cast %swap3A_267 : vector<1x16xf32> to vector<16xf32>
    %swap3A_269 = vector.shape_cast %broadcast_in_dim3A_263 : vector<16xf32> to vector<1x16xf32>
    tpu.vector_store %arg11[%swap3A_265, %swap3A_266], %swap3A_269 {strides = array<i32>} : memref<16x48xf32, #tpu.memory_space<vmem>>, vector<1x16xf32>,
    %broadcast_in_dim3A_270 = arith.constant 0.000000e+00 : f32
    %broadcast_in_dim3A_271 = vector.broadcast %broadcast_in_dim3A_270 : f32 to vector<16xf32>
    %swap3A_272 = arith.constant 11 : i32
    %swap3A_273 = arith.index_cast %swap3A_272 : i32 to index
    %swap3A_274 = arith.constant 16 : index
    %swap3A_275 = tpu.vector_load %arg11[%swap3A_273, %swap3A_274] {strides = array<i32>} : memref<16x48xf32, #tpu.memory_space<vmem>>, vector<1x16xf32>,
    %swap3A_276 = vector.shape_cast %swap3A_275 : vector<1x16xf32> to vector<16xf32>
    %swap3A_277 = vector.shape_cast %broadcast_in_dim3A_271 : vector<16xf32> to vector<1x16xf32>
    tpu.vector_store %arg11[%swap3A_273, %swap3A_274], %swap3A_277 {strides = array<i32>} : memref<16x48xf32, #tpu.memory_space<vmem>>, vector<1x16xf32>,
    %broadcast_in_dim3A_278 = arith.constant 0.000000e+00 : f32
    %broadcast_in_dim3A_279 = vector.broadcast %broadcast_in_dim3A_278 : f32 to vector<16xf32>
    %swap3A_280 = arith.constant 11 : i32
    %swap3A_281 = arith.index_cast %swap3A_280 : i32 to index
    %swap3A_282 = arith.constant 32 : index
    %swap3A_283 = tpu.vector_load %arg11[%swap3A_281, %swap3A_282] {strides = array<i32>} : memref<16x48xf32, #tpu.memory_space<vmem>>, vector<1x16xf32>,
    %swap3A_284 = vector.shape_cast %swap3A_283 : vector<1x16xf32> to vector<16xf32>
    %swap3A_285 = vector.shape_cast %broadcast_in_dim3A_279 : vector<16xf32> to vector<1x16xf32>
    tpu.vector_store %arg11[%swap3A_281, %swap3A_282], %swap3A_285 {strides = array<i32>} : memref<16x48xf32, #tpu.memory_space<vmem>>, vector<1x16xf32>,
    %broadcast_in_dim3A_286 = arith.constant 0.000000e+00 : f32
    %broadcast_in_dim3A_287 = vector.broadcast %broadcast_in_dim3A_286 : f32 to vector<16xf32>
    %swap3A_288 = arith.constant 12 : i32
    %swap3A_289 = arith.index_cast %swap3A_288 : i32 to index
    %swap3A_290 = arith.constant 0 : index
    %swap3A_291 = tpu.vector_load %arg11[%swap3A_289, %swap3A_290] {strides = array<i32>} : memref<16x48xf32, #tpu.memory_space<vmem>>, vector<1x16xf32>,
    %swap3A_292 = vector.shape_cast %swap3A_291 : vector<1x16xf32> to vector<16xf32>
    %swap3A_293 = vector.shape_cast %broadcast_in_dim3A_287 : vector<16xf32> to vector<1x16xf32>
    tpu.vector_store %arg11[%swap3A_289, %swap3A_290], %swap3A_293 {strides = array<i32>} : memref<16x48xf32, #tpu.memory_space<vmem>>, vector<1x16xf32>,
    %broadcast_in_dim3A_294 = arith.constant 0.000000e+00 : f32
    %broadcast_in_dim3A_295 = vector.broadcast %broadcast_in_dim3A_294 : f32 to vector<16xf32>
    %swap3A_296 = arith.constant 12 : i32
    %swap3A_297 = arith.index_cast %swap3A_296 : i32 to index
    %swap3A_298 = arith.constant 16 : index
    %swap3A_299 = tpu.vector_load %arg11[%swap3A_297, %swap3A_298] {strides = array<i32>} : memref<16x48xf32, #tpu.memory_space<vmem>>, vector<1x16xf32>,
    %swap3A_300 = vector.shape_cast %swap3A_299 : vector<1x16xf32> to vector<16xf32>
    %swap3A_301 = vector.shape_cast %broadcast_in_dim3A_295 : vector<16xf32> to vector<1x16xf32>
    tpu.vector_store %arg11[%swap3A_297, %swap3A_298], %swap3A_301 {strides = array<i32>} : memref<16x48xf32, #tpu.memory_space<vmem>>, vector<1x16xf32>,
    %broadcast_in_dim3A_302 = arith.constant 0.000000e+00 : f32
    %broadcast_in_dim3A_303 = vector.broadcast %broadcast_in_dim3A_302 : f32 to vector<16xf32>
    %swap3A_304 = arith.constant 12 : i32
    %swap3A_305 = arith.index_cast %swap3A_304 : i32 to index
    %swap3A_306 = arith.constant 32 : index
    %swap3A_307 = tpu.vector_load %arg11[%swap3A_305, %swap3A_306] {strides = array<i32>} : memref<16x48xf32, #tpu.memory_space<vmem>>, vector<1x16xf32>,
    %swap3A_308 = vector.shape_cast %swap3A_307 : vector<1x16xf32> to vector<16xf32>
    %swap3A_309 = vector.shape_cast %broadcast_in_dim3A_303 : vector<16xf32> to vector<1x16xf32>
    tpu.vector_store %arg11[%swap3A_305, %swap3A_306], %swap3A_309 {strides = array<i32>} : memref<16x48xf32, #tpu.memory_space<vmem>>, vector<1x16xf32>,
    %broadcast_in_dim3A_310 = arith.constant 0.000000e+00 : f32
    %broadcast_in_dim3A_311 = vector.broadcast %broadcast_in_dim3A_310 : f32 to vector<16xf32>
    %swap3A_312 = arith.constant 13 : i32
    %swap3A_313 = arith.index_cast %swap3A_312 : i32 to index
    %swap3A_314 = arith.constant 0 : index
    %swap3A_315 = tpu.vector_load %arg11[%swap3A_313, %swap3A_314] {strides = array<i32>} : memref<16x48xf32, #tpu.memory_space<vmem>>, vector<1x16xf32>,
    %swap3A_316 = vector.shape_cast %swap3A_315 : vector<1x16xf32> to vector<16xf32>
    %swap3A_317 = vector.shape_cast %broadcast_in_dim3A_311 : vector<16xf32> to vector<1x16xf32>
    tpu.vector_store %arg11[%swap3A_313, %swap3A_314], %swap3A_317 {strides = array<i32>} : memref<16x48xf32, #tpu.memory_space<vmem>>, vector<1x16xf32>,
    %broadcast_in_dim3A_318 = arith.constant 0.000000e+00 : f32
    %broadcast_in_dim3A_319 = vector.broadcast %broadcast_in_dim3A_318 : f32 to vector<16xf32>
    %swap3A_320 = arith.constant 13 : i32
    %swap3A_321 = arith.index_cast %swap3A_320 : i32 to index
    %swap3A_322 = arith.constant 16 : index
    %swap3A_323 = tpu.vector_load %arg11[%swap3A_321, %swap3A_322] {strides = array<i32>} : memref<16x48xf32, #tpu.memory_space<vmem>>, vector<1x16xf32>,
    %swap3A_324 = vector.shape_cast %swap3A_323 : vector<1x16xf32> to vector<16xf32>
    %swap3A_325 = vector.shape_cast %broadcast_in_dim3A_319 : vector<16xf32> to vector<1x16xf32>
    tpu.vector_store %arg11[%swap3A_321, %swap3A_322], %swap3A_325 {strides = array<i32>} : memref<16x48xf32, #tpu.memory_space<vmem>>, vector<1x16xf32>,
    %broadcast_in_dim3A_326 = arith.constant 0.000000e+00 : f32
    %broadcast_in_dim3A_327 = vector.broadcast %broadcast_in_dim3A_326 : f32 to vector<16xf32>
    %swap3A_328 = arith.constant 13 : i32
    %swap3A_329 = arith.index_cast %swap3A_328 : i32 to index
    %swap3A_330 = arith.constant 32 : index
    %swap3A_331 = tpu.vector_load %arg11[%swap3A_329, %swap3A_330] {strides = array<i32>} : memref<16x48xf32, #tpu.memory_space<vmem>>, vector<1x16xf32>,
    %swap3A_332 = vector.shape_cast %swap3A_331 : vector<1x16xf32> to vector<16xf32>
    %swap3A_333 = vector.shape_cast %broadcast_in_dim3A_327 : vector<16xf32> to vector<1x16xf32>
    tpu.vector_store %arg11[%swap3A_329, %swap3A_330], %swap3A_333 {strides = array<i32>} : memref<16x48xf32, #tpu.memory_space<vmem>>, vector<1x16xf32>,
    %broadcast_in_dim3A_334 = arith.constant 0.000000e+00 : f32
    %broadcast_in_dim3A_335 = vector.broadcast %broadcast_in_dim3A_334 : f32 to vector<16xf32>
    %swap3A_336 = arith.constant 14 : i32
    %swap3A_337 = arith.index_cast %swap3A_336 : i32 to index
    %swap3A_338 = arith.constant 0 : index
    %swap3A_339 = tpu.vector_load %arg11[%swap3A_337, %swap3A_338] {strides = array<i32>} : memref<16x48xf32, #tpu.memory_space<vmem>>, vector<1x16xf32>,
    %swap3A_340 = vector.shape_cast %swap3A_339 : vector<1x16xf32> to vector<16xf32>
    %swap3A_341 = vector.shape_cast %broadcast_in_dim3A_335 : vector<16xf32> to vector<1x16xf32>
    tpu.vector_store %arg11[%swap3A_337, %swap3A_338], %swap3A_341 {strides = array<i32>} : memref<16x48xf32, #tpu.memory_space<vmem>>, vector<1x16xf32>,
    %broadcast_in_dim3A_342 = arith.constant 0.000000e+00 : f32
    %broadcast_in_dim3A_343 = vector.broadcast %broadcast_in_dim3A_342 : f32 to vector<16xf32>
    %swap3A_344 = arith.constant 14 : i32
    %swap3A_345 = arith.index_cast %swap3A_344 : i32 to index
    %swap3A_346 = arith.constant 16 : index
    %swap3A_347 = tpu.vector_load %arg11[%swap3A_345, %swap3A_346] {strides = array<i32>} : memref<16x48xf32, #tpu.memory_space<vmem>>, vector<1x16xf32>,
    %swap3A_348 = vector.shape_cast %swap3A_347 : vector<1x16xf32> to vector<16xf32>
    %swap3A_349 = vector.shape_cast %broadcast_in_dim3A_343 : vector<16xf32> to vector<1x16xf32>
    tpu.vector_store %arg11[%swap3A_345, %swap3A_346], %swap3A_349 {strides = array<i32>} : memref<16x48xf32, #tpu.memory_space<vmem>>, vector<1x16xf32>,
    %broadcast_in_dim3A_350 = arith.constant 0.000000e+00 : f32
    %broadcast_in_dim3A_351 = vector.broadcast %broadcast_in_dim3A_350 : f32 to vector<16xf32>
    %swap3A_352 = arith.constant 14 : i32
    %swap3A_353 = arith.index_cast %swap3A_352 : i32 to index
    %swap3A_354 = arith.constant 32 : index
    %swap3A_355 = tpu.vector_load %arg11[%swap3A_353, %swap3A_354] {strides = array<i32>} : memref<16x48xf32, #tpu.memory_space<vmem>>, vector<1x16xf32>,
    %swap3A_356 = vector.shape_cast %swap3A_355 : vector<1x16xf32> to vector<16xf32>
    %swap3A_357 = vector.shape_cast %broadcast_in_dim3A_351 : vector<16xf32> to vector<1x16xf32>
    tpu.vector_store %arg11[%swap3A_353, %swap3A_354], %swap3A_357 {strides = array<i32>} : memref<16x48xf32, #tpu.memory_space<vmem>>, vector<1x16xf32>,
    %broadcast_in_dim3A_358 = arith.constant 0.000000e+00 : f32
    %broadcast_in_dim3A_359 = vector.broadcast %broadcast_in_dim3A_358 : f32 to vector<16xf32>
    %swap3A_360 = arith.constant 15 : i32
    %swap3A_361 = arith.index_cast %swap3A_360 : i32 to index
    %swap3A_362 = arith.constant 0 : index
    %swap3A_363 = tpu.vector_load %arg11[%swap3A_361, %swap3A_362] {strides = array<i32>} : memref<16x48xf32, #tpu.memory_space<vmem>>, vector<1x16xf32>,
    %swap3A_364 = vector.shape_cast %swap3A_363 : vector<1x16xf32> to vector<16xf32>
    %swap3A_365 = vector.shape_cast %broadcast_in_dim3A_359 : vector<16xf32> to vector<1x16xf32>
    tpu.vector_store %arg11[%swap3A_361, %swap3A_362], %swap3A_365 {strides = array<i32>} : memref<16x48xf32, #tpu.memory_space<vmem>>, vector<1x16xf32>,
    %broadcast_in_dim3A_366 = arith.constant 0.000000e+00 : f32
    %broadcast_in_dim3A_367 = vector.broadcast %broadcast_in_dim3A_366 : f32 to vector<16xf32>
    %swap3A_368 = arith.constant 15 : i32
    %swap3A_369 = arith.index_cast %swap3A_368 : i32 to index
    %swap3A_370 = arith.constant 16 : index
    %swap3A_371 = tpu.vector_load %arg11[%swap3A_369, %swap3A_370] {strides = array<i32>} : memref<16x48xf32, #tpu.memory_space<vmem>>, vector<1x16xf32>,
    %swap3A_372 = vector.shape_cast %swap3A_371 : vector<1x16xf32> to vector<16xf32>
    %swap3A_373 = vector.shape_cast %broadcast_in_dim3A_367 : vector<16xf32> to vector<1x16xf32>
    tpu.vector_store %arg11[%swap3A_369, %swap3A_370], %swap3A_373 {strides = array<i32>} : memref<16x48xf32, #tpu.memory_space<vmem>>, vector<1x16xf32>,
    %broadcast_in_dim3A_374 = arith.constant 0.000000e+00 : f32
    %broadcast_in_dim3A_375 = vector.broadcast %broadcast_in_dim3A_374 : f32 to vector<16xf32>
    %swap3A_376 = arith.constant 15 : i32
    %swap3A_377 = arith.index_cast %swap3A_376 : i32 to index
    %swap3A_378 = arith.constant 32 : index
    %swap3A_379 = tpu.vector_load %arg11[%swap3A_377, %swap3A_378] {strides = array<i32>} : memref<16x48xf32, #tpu.memory_space<vmem>>, vector<1x16xf32>,
    %swap3A_380 = vector.shape_cast %swap3A_379 : vector<1x16xf32> to vector<16xf32>
    %swap3A_381 = vector.shape_cast %broadcast_in_dim3A_375 : vector<16xf32> to vector<1x16xf32>
    tpu.vector_store %arg11[%swap3A_377, %swap3A_378], %swap3A_381 {strides = array<i32>} : memref<16x48xf32, #tpu.memory_space<vmem>>, vector<1x16xf32>,
    %scan3A = arith.constant 0 : i32
    %scan3A_382 = arith.constant 0 : i32
    %scan3A_383 = arith.constant 10 : i32
    %scan3A_384 = arith.addi %scan3A_382, %scan3A_383 : i32
    %scan3A_385 = arith.constant 1 : i32
    scf.for %scan3A_401 = %scan3A_382 to %scan3A_384 step %scan3A_385  : i32 {
      %mul3A_402 = arith.constant 160 : i32
      %mul3A_403 = arith.muli %arg1, %mul3A_402 : i32
      %mul3A_404 = arith.constant 16 : i32
      %mul3A_405 = arith.muli %scan3A_401, %mul3A_404 : i32
      %add3A = arith.addi %mul3A_403, %mul3A_405 : i32
      "tpu.region"() ({
        %run_scoped3A = tpu.sem_alloc : memref<!tpu.dma_semaphore, #tpu.memory_space<semaphore_mem>>
        %dma_start3A = arith.constant 0 : i32
        %dma_start3A_406 = tpu.memref_slice %arg12[%add3A, %dma_start3A] : memref<2560x48xf32, #tpu.memory_space<vmem_shared>> -> memref<16x48xf32, #tpu.memory_space<vmem_shared>>
        %dma_start3A_407 = arith.constant 0 : i32
        %dma_start3A_408 = tpu.memref_slice %arg12[%add3A, %dma_start3A_407] : memref<2560x48xf32, #tpu.memory_space<vmem_shared>> -> memref<16x48xf32, #tpu.memory_space<vmem_shared>>
        tpu.enqueue_dma source(%arg11 : memref<16x48xf32, #tpu.memory_space<vmem>>) target(%dma_start3A_408 : memref<16x48xf32, #tpu.memory_space<vmem_shared>>) target_semaphore(%run_scoped3A : memref<!tpu.dma_semaphore, #tpu.memory_space<semaphore_mem>>)
        %dma_wait3A = arith.constant 0 : i32
        %dma_wait3A_409 = tpu.memref_slice %arg12[%add3A, %dma_wait3A] : memref<2560x48xf32, #tpu.memory_space<vmem_shared>> -> memref<16x48xf32, #tpu.memory_space<vmem_shared>>
        %dma_wait3A_410 = arith.constant 0 : i32
        %dma_wait3A_411 = tpu.memref_slice %arg12[%add3A, %dma_wait3A_410] : memref<2560x48xf32, #tpu.memory_space<vmem_shared>> -> memref<16x48xf32, #tpu.memory_space<vmem_shared>>
        tpu.wait_dma2 semaphore(%run_scoped3A : memref<!tpu.dma_semaphore, #tpu.memory_space<semaphore_mem>>) src(%arg11 : memref<16x48xf32, #tpu.memory_space<vmem>>) dst(%dma_wait3A_411 : memref<16x48xf32, #tpu.memory_space<vmem_shared>>)
        tpu.yield
      }) : () -> ()
    }
    %scan3A_386 = arith.constant 10 : i32
    "tpu.trace_stop"() : () -> ()
    "tpu.trace_start"() <{level = 10 : i32, message = "stage_table"}> : () -> ()
    %mul3A = arith.constant 320 : i32
    %mul3A_387 = arith.muli %arg1, %mul3A : i32
    %mul3A_388 = arith.constant 320 : i32
    %mul3A_389 = arith.muli %arg1, %mul3A_388 : i32
    "tpu.region"() ({
      %run_scoped3A = tpu.sem_alloc : memref<!tpu.dma_semaphore, #tpu.memory_space<semaphore_mem>>
      %dma_start3A = arith.constant 0 : i32
      %dma_start3A_401 = tpu.memref_slice %arg13[%mul3A_389, %dma_start3A] : memref<5120x48xf32, #tpu.memory_space<vmem_shared>> -> memref<320x48xf32, #tpu.memory_space<vmem_shared>>
      %dma_start3A_402 = arith.constant 0 : i32
      %dma_start3A_403 = tpu.memref_slice %arg2[%mul3A_387, %dma_start3A_402] : memref<5120x48xf32, #tpu.memory_space<hbm>> -> memref<320x48xf32, #tpu.memory_space<hbm>>
      tpu.enqueue_dma source(%dma_start3A_403 : memref<320x48xf32, #tpu.memory_space<hbm>>) target(%dma_start3A_401 : memref<320x48xf32, #tpu.memory_space<vmem_shared>>) target_semaphore(%run_scoped3A : memref<!tpu.dma_semaphore, #tpu.memory_space<semaphore_mem>>)
      %dma_wait3A = arith.constant 0 : i32
      %dma_wait3A_404 = tpu.memref_slice %arg13[%mul3A_389, %dma_wait3A] : memref<5120x48xf32, #tpu.memory_space<vmem_shared>> -> memref<320x48xf32, #tpu.memory_space<vmem_shared>>
      %dma_wait3A_405 = arith.constant 0 : i32
      %dma_wait3A_406 = tpu.memref_slice %arg2[%mul3A_387, %dma_wait3A_405] : memref<5120x48xf32, #tpu.memory_space<hbm>> -> memref<320x48xf32, #tpu.memory_space<hbm>>
      tpu.wait_dma2 semaphore(%run_scoped3A : memref<!tpu.dma_semaphore, #tpu.memory_space<semaphore_mem>>) src(%dma_wait3A_406 : memref<320x48xf32, #tpu.memory_space<hbm>>) dst(%dma_wait3A_404 : memref<320x48xf32, #tpu.memory_space<vmem_shared>>)
      tpu.yield
    }) : () -> ()
    "tpu.trace_stop"() : () -> ()
    %barrier3A = arith.constant 0 : index
    tpu.barrier barrier_id(%barrier3A)
    %eq3A = arith.constant 0 : i32
    %eq3A_390 = arith.cmpi eq, %arg0, %eq3A : i32
    %convert_element_type3A = arith.extui %eq3A_390 : i1 to i32
    %cond3A = arith.constant 0 : i32
    %cond3A_391 = arith.cmpi ne, %convert_element_type3A, %cond3A : i32
    scf.if %cond3A_391 {
      "tpu.trace_start"() <{level = 10 : i32, message = "stage_idx"}> : () -> ()
      "tpu.region"() ({
        %run_scoped3A = tpu.sem_alloc : memref<!tpu.dma_semaphore, #tpu.memory_space<semaphore_mem>>
        %dma_start3A = arith.constant 0 : i32
        %dma_start3A_407 = arith.constant 0 : i32
        %dma_start3A_408 = tpu.memref_slice %arg8[%dma_start3A, %dma_start3A_407] : memref<50x128xi32, #tpu.memory_space<vmem>> -> memref<50x128xi32, #tpu.memory_space<vmem>>
        %dma_start3A_409 = arith.constant 0 : i32
        %dma_start3A_410 = arith.constant 0 : i32
        %dma_start3A_411 = tpu.memref_slice %arg3[%arg1, %dma_start3A_409, %dma_start3A_410] : memref<16x50x128xi32, #tpu.memory_space<hbm>> -> memref<1x50x128xi32, #tpu.memory_space<hbm>>
        %dma_start3A_412 = tpu.memref_squeeze %dma_start3A_411 : memref<1x50x128xi32, #tpu.memory_space<hbm>> -> memref<50x128xi32, #tpu.memory_space<hbm>>
        %dma_start3A_413 = arith.constant 0 : i32
        %dma_start3A_414 = arith.constant 0 : i32
        %dma_start3A_415 = tpu.memref_slice %arg8[%dma_start3A_413, %dma_start3A_414] : memref<50x128xi32, #tpu.memory_space<vmem>> -> memref<50x128xi32, #tpu.memory_space<vmem>>
        %dma_start3A_416 = arith.constant 0 : i32
        %dma_start3A_417 = arith.constant 0 : i32
        %dma_start3A_418 = tpu.memref_slice %arg3[%arg1, %dma_start3A_416, %dma_start3A_417] : memref<16x50x128xi32, #tpu.memory_space<hbm>> -> memref<1x50x128xi32, #tpu.memory_space<hbm>>
        %dma_start3A_419 = tpu.memref_squeeze %dma_start3A_418 : memref<1x50x128xi32, #tpu.memory_space<hbm>> -> memref<50x128xi32, #tpu.memory_space<hbm>>
        tpu.enqueue_dma source(%dma_start3A_419 : memref<50x128xi32, #tpu.memory_space<hbm>>) target(%dma_start3A_415 : memref<50x128xi32, #tpu.memory_space<vmem>>) target_semaphore(%run_scoped3A : memref<!tpu.dma_semaphore, #tpu.memory_space<semaphore_mem>>)
        %dma_wait3A = arith.constant 0 : i32
        %dma_wait3A_420 = arith.constant 0 : i32
        %dma_wait3A_421 = tpu.memref_slice %arg8[%dma_wait3A, %dma_wait3A_420] : memref<50x128xi32, #tpu.memory_space<vmem>> -> memref<50x128xi32, #tpu.memory_space<vmem>>
        %dma_wait3A_422 = arith.constant 0 : i32
        %dma_wait3A_423 = arith.constant 0 : i32
        %dma_wait3A_424 = tpu.memref_slice %arg3[%arg1, %dma_wait3A_422, %dma_wait3A_423] : memref<16x50x128xi32, #tpu.memory_space<hbm>> -> memref<1x50x128xi32, #tpu.memory_space<hbm>>
        %dma_wait3A_425 = tpu.memref_squeeze %dma_wait3A_424 : memref<1x50x128xi32, #tpu.memory_space<hbm>> -> memref<50x128xi32, #tpu.memory_space<hbm>>
        %dma_wait3A_426 = arith.constant 0 : i32
        %dma_wait3A_427 = arith.constant 0 : i32
        %dma_wait3A_428 = tpu.memref_slice %arg8[%dma_wait3A_426, %dma_wait3A_427] : memref<50x128xi32, #tpu.memory_space<vmem>> -> memref<50x128xi32, #tpu.memory_space<vmem>>
        %dma_wait3A_429 = arith.constant 0 : i32
        %dma_wait3A_430 = arith.constant 0 : i32
        %dma_wait3A_431 = tpu.memref_slice %arg3[%arg1, %dma_wait3A_429, %dma_wait3A_430] : memref<16x50x128xi32, #tpu.memory_space<hbm>> -> memref<1x50x128xi32, #tpu.memory_space<hbm>>
        %dma_wait3A_432 = tpu.memref_squeeze %dma_wait3A_431 : memref<1x50x128xi32, #tpu.memory_space<hbm>> -> memref<50x128xi32, #tpu.memory_space<hbm>>
        tpu.wait_dma2 semaphore(%run_scoped3A : memref<!tpu.dma_semaphore, #tpu.memory_space<semaphore_mem>>) src(%dma_wait3A_432 : memref<50x128xi32, #tpu.memory_space<hbm>>) dst(%dma_wait3A_428 : memref<50x128xi32, #tpu.memory_space<vmem>>)
        tpu.yield
      }) : () -> ()
      "tpu.region"() ({
        %run_scoped3A = tpu.sem_alloc : memref<!tpu.dma_semaphore, #tpu.memory_space<semaphore_mem>>
        %dma_start3A = arith.constant 0 : i32
        %dma_start3A_407 = arith.constant 0 : i32
        %dma_start3A_408 = tpu.memref_slice %arg9[%dma_start3A, %dma_start3A_407] : memref<50x128xi32, #tpu.memory_space<vmem>> -> memref<50x128xi32, #tpu.memory_space<vmem>>
        %dma_start3A_409 = arith.constant 0 : i32
        %dma_start3A_410 = arith.constant 0 : i32
        %dma_start3A_411 = tpu.memref_slice %arg4[%arg1, %dma_start3A_409, %dma_start3A_410] : memref<16x50x128xi32, #tpu.memory_space<hbm>> -> memref<1x50x128xi32, #tpu.memory_space<hbm>>
        %dma_start3A_412 = tpu.memref_squeeze %dma_start3A_411 : memref<1x50x128xi32, #tpu.memory_space<hbm>> -> memref<50x128xi32, #tpu.memory_space<hbm>>
        %dma_start3A_413 = arith.constant 0 : i32
        %dma_start3A_414 = arith.constant 0 : i32
        %dma_start3A_415 = tpu.memref_slice %arg9[%dma_start3A_413, %dma_start3A_414] : memref<50x128xi32, #tpu.memory_space<vmem>> -> memref<50x128xi32, #tpu.memory_space<vmem>>
        %dma_start3A_416 = arith.constant 0 : i32
        %dma_start3A_417 = arith.constant 0 : i32
        %dma_start3A_418 = tpu.memref_slice %arg4[%arg1, %dma_start3A_416, %dma_start3A_417] : memref<16x50x128xi32, #tpu.memory_space<hbm>> -> memref<1x50x128xi32, #tpu.memory_space<hbm>>
        %dma_start3A_419 = tpu.memref_squeeze %dma_start3A_418 : memref<1x50x128xi32, #tpu.memory_space<hbm>> -> memref<50x128xi32, #tpu.memory_space<hbm>>
        tpu.enqueue_dma source(%dma_start3A_419 : memref<50x128xi32, #tpu.memory_space<hbm>>) target(%dma_start3A_415 : memref<50x128xi32, #tpu.memory_space<vmem>>) target_semaphore(%run_scoped3A : memref<!tpu.dma_semaphore, #tpu.memory_space<semaphore_mem>>)
        %dma_wait3A = arith.constant 0 : i32
        %dma_wait3A_420 = arith.constant 0 : i32
        %dma_wait3A_421 = tpu.memref_slice %arg9[%dma_wait3A, %dma_wait3A_420] : memref<50x128xi32, #tpu.memory_space<vmem>> -> memref<50x128xi32, #tpu.memory_space<vmem>>
        %dma_wait3A_422 = arith.constant 0 : i32
        %dma_wait3A_423 = arith.constant 0 : i32
        %dma_wait3A_424 = tpu.memref_slice %arg4[%arg1, %dma_wait3A_422, %dma_wait3A_423] : memref<16x50x128xi32, #tpu.memory_space<hbm>> -> memref<1x50x128xi32, #tpu.memory_space<hbm>>
        %dma_wait3A_425 = tpu.memref_squeeze %dma_wait3A_424 : memref<1x50x128xi32, #tpu.memory_space<hbm>> -> memref<50x128xi32, #tpu.memory_space<hbm>>
        %dma_wait3A_426 = arith.constant 0 : i32
        %dma_wait3A_427 = arith.constant 0 : i32
        %dma_wait3A_428 = tpu.memref_slice %arg9[%dma_wait3A_426, %dma_wait3A_427] : memref<50x128xi32, #tpu.memory_space<vmem>> -> memref<50x128xi32, #tpu.memory_space<vmem>>
        %dma_wait3A_429 = arith.constant 0 : i32
        %dma_wait3A_430 = arith.constant 0 : i32
        %dma_wait3A_431 = tpu.memref_slice %arg4[%arg1, %dma_wait3A_429, %dma_wait3A_430] : memref<16x50x128xi32, #tpu.memory_space<hbm>> -> memref<1x50x128xi32, #tpu.memory_space<hbm>>
        %dma_wait3A_432 = tpu.memref_squeeze %dma_wait3A_431 : memref<1x50x128xi32, #tpu.memory_space<hbm>> -> memref<50x128xi32, #tpu.memory_space<hbm>>
        tpu.wait_dma2 semaphore(%run_scoped3A : memref<!tpu.dma_semaphore, #tpu.memory_space<semaphore_mem>>) src(%dma_wait3A_432 : memref<50x128xi32, #tpu.memory_space<hbm>>) dst(%dma_wait3A_428 : memref<50x128xi32, #tpu.memory_space<vmem>>)
        tpu.yield
      }) : () -> ()
      "tpu.trace_stop"() : () -> ()
      "tpu.trace_start"() <{level = 10 : i32, message = "edge_loop"}> : () -> ()
      %scan3A_401 = arith.constant 0 : i32
      %scan3A_402 = arith.constant 0 : i32
      %scan3A_403 = arith.constant 50 : i32
      %scan3A_404 = arith.addi %scan3A_402, %scan3A_403 : i32
      %scan3A_405 = arith.constant 1 : i32
      scf.for %scan3A_407 = %scan3A_402 to %scan3A_404 step %scan3A_405  : i32 {
        %dma_start3A = arith.constant 0 : i32
        %dma_start3A_408 = tpu.memref_slice %arg8[%scan3A_407, %dma_start3A] : memref<50x128xi32, #tpu.memory_space<vmem>> -> memref<1x128xi32, #tpu.memory_space<vmem>>
        %dma_start3A_409 = tpu.memref_squeeze %dma_start3A_408 : memref<1x128xi32, #tpu.memory_space<vmem>> -> memref<128xi32, #tpu.memory_space<vmem>>
        %dma_start3A_410 = arith.constant 0 : i32
        %dma_start3A_411 = arith.constant 0 : i32
        %dma_start3A_412 = tpu.memref_slice %arg13[%dma_start3A_410, %dma_start3A_411] : memref<5120x48xf32, #tpu.memory_space<vmem_shared>> -> memref<5120x48xf32, #tpu.memory_space<vmem_shared>>
        tpu.enqueue_indirect_dma source(%dma_start3A_412 : memref<5120x48xf32, #tpu.memory_space<vmem_shared>>) target(%arg10 : memref<128x48xf32, #tpu.memory_space<vmem>>) offsets(%dma_start3A_409 : memref<128xi32, #tpu.memory_space<vmem>>) semaphore(%arg14 : memref<!tpu.dma_semaphore, #tpu.memory_space<semaphore_mem>>)
        %dma_wait3A = arith.constant 0 : i32
        %dma_wait3A_413 = tpu.memref_slice %arg8[%scan3A_407, %dma_wait3A] : memref<50x128xi32, #tpu.memory_space<vmem>> -> memref<1x128xi32, #tpu.memory_space<vmem>>
        %dma_wait3A_414 = tpu.memref_squeeze %dma_wait3A_413 : memref<1x128xi32, #tpu.memory_space<vmem>> -> memref<128xi32, #tpu.memory_space<vmem>>
        %dma_wait3A_415 = arith.constant 0 : i32
        %dma_wait3A_416 = arith.constant 0 : i32
        %dma_wait3A_417 = tpu.memref_slice %arg13[%dma_wait3A_415, %dma_wait3A_416] : memref<5120x48xf32, #tpu.memory_space<vmem_shared>> -> memref<5120x48xf32, #tpu.memory_space<vmem_shared>>
        tpu.wait_indirect_dma semaphore(%arg14 : memref<!tpu.dma_semaphore, #tpu.memory_space<semaphore_mem>>) src(%dma_wait3A_417 : memref<5120x48xf32, #tpu.memory_space<vmem_shared>>) dst(%arg10 : memref<128x48xf32, #tpu.memory_space<vmem>>)
        "tpu.region"() ({
          %run_scoped3A = tpu.sem_alloc : memref<!tpu.dma_semaphore, #tpu.memory_space<semaphore_mem>>
          %dma_start3A_418 = arith.constant 0 : i32
          %dma_start3A_419 = tpu.memref_slice %arg9[%scan3A_407, %dma_start3A_418] : memref<50x128xi32, #tpu.memory_space<vmem>> -> memref<1x128xi32, #tpu.memory_space<vmem>>
          %dma_start3A_420 = tpu.memref_squeeze %dma_start3A_419 : memref<1x128xi32, #tpu.memory_space<vmem>> -> memref<128xi32, #tpu.memory_space<vmem>>
          %dma_start3A_421 = arith.constant 0 : i32
          %dma_start3A_422 = arith.constant 0 : i32
          %dma_start3A_423 = tpu.memref_slice %arg12[%dma_start3A_421, %dma_start3A_422] : memref<2560x48xf32, #tpu.memory_space<vmem_shared>> -> memref<2560x48xf32, #tpu.memory_space<vmem_shared>>
          tpu.enqueue_indirect_dma source(%arg10 : memref<128x48xf32, #tpu.memory_space<vmem>>) target(%dma_start3A_423 : memref<2560x48xf32, #tpu.memory_space<vmem_shared>>) offsets(%dma_start3A_420 : memref<128xi32, #tpu.memory_space<vmem>>) semaphore(%run_scoped3A : memref<!tpu.dma_semaphore, #tpu.memory_space<semaphore_mem>>) {add = true}
          %dma_wait3A_424 = arith.constant 0 : i32
          %dma_wait3A_425 = tpu.memref_slice %arg9[%scan3A_407, %dma_wait3A_424] : memref<50x128xi32, #tpu.memory_space<vmem>> -> memref<1x128xi32, #tpu.memory_space<vmem>>
          %dma_wait3A_426 = tpu.memref_squeeze %dma_wait3A_425 : memref<1x128xi32, #tpu.memory_space<vmem>> -> memref<128xi32, #tpu.memory_space<vmem>>
          %dma_wait3A_427 = arith.constant 0 : i32
          %dma_wait3A_428 = arith.constant 0 : i32
          %dma_wait3A_429 = tpu.memref_slice %arg12[%dma_wait3A_427, %dma_wait3A_428] : memref<2560x48xf32, #tpu.memory_space<vmem_shared>> -> memref<2560x48xf32, #tpu.memory_space<vmem_shared>>
          tpu.wait_indirect_dma semaphore(%run_scoped3A : memref<!tpu.dma_semaphore, #tpu.memory_space<semaphore_mem>>) src(%arg10 : memref<128x48xf32, #tpu.memory_space<vmem>>) dst(%dma_wait3A_429 : memref<2560x48xf32, #tpu.memory_space<vmem_shared>>)
          tpu.yield
        }) : () -> ()
      }
      %scan3A_406 = arith.constant 50 : i32
      "tpu.trace_stop"() : () -> ()
    } else {
    }
    %ne3A = arith.constant 0 : i32
    %ne3A_392 = arith.cmpi ne, %arg0, %ne3A : i32
    %convert_element_type3A_393 = arith.extui %ne3A_392 : i1 to i32
    %cond3A_394 = arith.constant 0 : i32
    %cond3A_395 = arith.cmpi ne, %convert_element_type3A_393, %cond3A_394 : i32
    scf.if %cond3A_395 {
      "tpu.trace_start"() <{level = 10 : i32, message = "stage_idx"}> : () -> ()
      "tpu.region"() ({
        %run_scoped3A = tpu.sem_alloc : memref<!tpu.dma_semaphore, #tpu.memory_space<semaphore_mem>>
        %dma_start3A = arith.constant 0 : i32
        %dma_start3A_407 = arith.constant 0 : i32
        %dma_start3A_408 = tpu.memref_slice %arg8[%dma_start3A, %dma_start3A_407] : memref<50x128xi32, #tpu.memory_space<vmem>> -> memref<29x128xi32, #tpu.memory_space<vmem>>
        %dma_start3A_409 = arith.constant 0 : i32
        %dma_start3A_410 = arith.constant 0 : i32
        %dma_start3A_411 = tpu.memref_slice %arg5[%arg1, %dma_start3A_409, %dma_start3A_410] : memref<16x29x128xi32, #tpu.memory_space<hbm>> -> memref<1x29x128xi32, #tpu.memory_space<hbm>>
        %dma_start3A_412 = tpu.memref_squeeze %dma_start3A_411 : memref<1x29x128xi32, #tpu.memory_space<hbm>> -> memref<29x128xi32, #tpu.memory_space<hbm>>
        %dma_start3A_413 = arith.constant 0 : i32
        %dma_start3A_414 = arith.constant 0 : i32
        %dma_start3A_415 = tpu.memref_slice %arg8[%dma_start3A_413, %dma_start3A_414] : memref<50x128xi32, #tpu.memory_space<vmem>> -> memref<29x128xi32, #tpu.memory_space<vmem>>
        %dma_start3A_416 = arith.constant 0 : i32
        %dma_start3A_417 = arith.constant 0 : i32
        %dma_start3A_418 = tpu.memref_slice %arg5[%arg1, %dma_start3A_416, %dma_start3A_417] : memref<16x29x128xi32, #tpu.memory_space<hbm>> -> memref<1x29x128xi32, #tpu.memory_space<hbm>>
        %dma_start3A_419 = tpu.memref_squeeze %dma_start3A_418 : memref<1x29x128xi32, #tpu.memory_space<hbm>> -> memref<29x128xi32, #tpu.memory_space<hbm>>
        tpu.enqueue_dma source(%dma_start3A_419 : memref<29x128xi32, #tpu.memory_space<hbm>>) target(%dma_start3A_415 : memref<29x128xi32, #tpu.memory_space<vmem>>) target_semaphore(%run_scoped3A : memref<!tpu.dma_semaphore, #tpu.memory_space<semaphore_mem>>)
        %dma_wait3A = arith.constant 0 : i32
        %dma_wait3A_420 = arith.constant 0 : i32
        %dma_wait3A_421 = tpu.memref_slice %arg8[%dma_wait3A, %dma_wait3A_420] : memref<50x128xi32, #tpu.memory_space<vmem>> -> memref<29x128xi32, #tpu.memory_space<vmem>>
        %dma_wait3A_422 = arith.constant 0 : i32
        %dma_wait3A_423 = arith.constant 0 : i32
        %dma_wait3A_424 = tpu.memref_slice %arg5[%arg1, %dma_wait3A_422, %dma_wait3A_423] : memref<16x29x128xi32, #tpu.memory_space<hbm>> -> memref<1x29x128xi32, #tpu.memory_space<hbm>>
        %dma_wait3A_425 = tpu.memref_squeeze %dma_wait3A_424 : memref<1x29x128xi32, #tpu.memory_space<hbm>> -> memref<29x128xi32, #tpu.memory_space<hbm>>
        %dma_wait3A_426 = arith.constant 0 : i32
        %dma_wait3A_427 = arith.constant 0 : i32
        %dma_wait3A_428 = tpu.memref_slice %arg8[%dma_wait3A_426, %dma_wait3A_427] : memref<50x128xi32, #tpu.memory_space<vmem>> -> memref<29x128xi32, #tpu.memory_space<vmem>>
        %dma_wait3A_429 = arith.constant 0 : i32
        %dma_wait3A_430 = arith.constant 0 : i32
        %dma_wait3A_431 = tpu.memref_slice %arg5[%arg1, %dma_wait3A_429, %dma_wait3A_430] : memref<16x29x128xi32, #tpu.memory_space<hbm>> -> memref<1x29x128xi32, #tpu.memory_space<hbm>>
        %dma_wait3A_432 = tpu.memref_squeeze %dma_wait3A_431 : memref<1x29x128xi32, #tpu.memory_space<hbm>> -> memref<29x128xi32, #tpu.memory_space<hbm>>
        tpu.wait_dma2 semaphore(%run_scoped3A : memref<!tpu.dma_semaphore, #tpu.memory_space<semaphore_mem>>) src(%dma_wait3A_432 : memref<29x128xi32, #tpu.memory_space<hbm>>) dst(%dma_wait3A_428 : memref<29x128xi32, #tpu.memory_space<vmem>>)
        tpu.yield
      }) : () -> ()
      "tpu.region"() ({
        %run_scoped3A = tpu.sem_alloc : memref<!tpu.dma_semaphore, #tpu.memory_space<semaphore_mem>>
        %dma_start3A = arith.constant 0 : i32
        %dma_start3A_407 = arith.constant 0 : i32
        %dma_start3A_408 = tpu.memref_slice %arg9[%dma_start3A, %dma_start3A_407] : memref<50x128xi32, #tpu.memory_space<vmem>> -> memref<29x128xi32, #tpu.memory_space<vmem>>
        %dma_start3A_409 = arith.constant 0 : i32
        %dma_start3A_410 = arith.constant 0 : i32
        %dma_start3A_411 = tpu.memref_slice %arg6[%arg1, %dma_start3A_409, %dma_start3A_410] : memref<16x29x128xi32, #tpu.memory_space<hbm>> -> memref<1x29x128xi32, #tpu.memory_space<hbm>>
        %dma_start3A_412 = tpu.memref_squeeze %dma_start3A_411 : memref<1x29x128xi32, #tpu.memory_space<hbm>> -> memref<29x128xi32, #tpu.memory_space<hbm>>
        %dma_start3A_413 = arith.constant 0 : i32
        %dma_start3A_414 = arith.constant 0 : i32
        %dma_start3A_415 = tpu.memref_slice %arg9[%dma_start3A_413, %dma_start3A_414] : memref<50x128xi32, #tpu.memory_space<vmem>> -> memref<29x128xi32, #tpu.memory_space<vmem>>
        %dma_start3A_416 = arith.constant 0 : i32
        %dma_start3A_417 = arith.constant 0 : i32
        %dma_start3A_418 = tpu.memref_slice %arg6[%arg1, %dma_start3A_416, %dma_start3A_417] : memref<16x29x128xi32, #tpu.memory_space<hbm>> -> memref<1x29x128xi32, #tpu.memory_space<hbm>>
        %dma_start3A_419 = tpu.memref_squeeze %dma_start3A_418 : memref<1x29x128xi32, #tpu.memory_space<hbm>> -> memref<29x128xi32, #tpu.memory_space<hbm>>
        tpu.enqueue_dma source(%dma_start3A_419 : memref<29x128xi32, #tpu.memory_space<hbm>>) target(%dma_start3A_415 : memref<29x128xi32, #tpu.memory_space<vmem>>) target_semaphore(%run_scoped3A : memref<!tpu.dma_semaphore, #tpu.memory_space<semaphore_mem>>)
        %dma_wait3A = arith.constant 0 : i32
        %dma_wait3A_420 = arith.constant 0 : i32
        %dma_wait3A_421 = tpu.memref_slice %arg9[%dma_wait3A, %dma_wait3A_420] : memref<50x128xi32, #tpu.memory_space<vmem>> -> memref<29x128xi32, #tpu.memory_space<vmem>>
        %dma_wait3A_422 = arith.constant 0 : i32
        %dma_wait3A_423 = arith.constant 0 : i32
        %dma_wait3A_424 = tpu.memref_slice %arg6[%arg1, %dma_wait3A_422, %dma_wait3A_423] : memref<16x29x128xi32, #tpu.memory_space<hbm>> -> memref<1x29x128xi32, #tpu.memory_space<hbm>>
        %dma_wait3A_425 = tpu.memref_squeeze %dma_wait3A_424 : memref<1x29x128xi32, #tpu.memory_space<hbm>> -> memref<29x128xi32, #tpu.memory_space<hbm>>
        %dma_wait3A_426 = arith.constant 0 : i32
        %dma_wait3A_427 = arith.constant 0 : i32
        %dma_wait3A_428 = tpu.memref_slice %arg9[%dma_wait3A_426, %dma_wait3A_427] : memref<50x128xi32, #tpu.memory_space<vmem>> -> memref<29x128xi32, #tpu.memory_space<vmem>>
        %dma_wait3A_429 = arith.constant 0 : i32
        %dma_wait3A_430 = arith.constant 0 : i32
        %dma_wait3A_431 = tpu.memref_slice %arg6[%arg1, %dma_wait3A_429, %dma_wait3A_430] : memref<16x29x128xi32, #tpu.memory_space<hbm>> -> memref<1x29x128xi32, #tpu.memory_space<hbm>>
        %dma_wait3A_432 = tpu.memref_squeeze %dma_wait3A_431 : memref<1x29x128xi32, #tpu.memory_space<hbm>> -> memref<29x128xi32, #tpu.memory_space<hbm>>
        tpu.wait_dma2 semaphore(%run_scoped3A : memref<!tpu.dma_semaphore, #tpu.memory_space<semaphore_mem>>) src(%dma_wait3A_432 : memref<29x128xi32, #tpu.memory_space<hbm>>) dst(%dma_wait3A_428 : memref<29x128xi32, #tpu.memory_space<vmem>>)
        tpu.yield
      }) : () -> ()
      "tpu.trace_stop"() : () -> ()
      "tpu.trace_start"() <{level = 10 : i32, message = "edge_loop"}> : () -> ()
      %scan3A_401 = arith.constant 0 : i32
      %scan3A_402 = arith.constant 0 : i32
      %scan3A_403 = arith.constant 29 : i32
      %scan3A_404 = arith.addi %scan3A_402, %scan3A_403 : i32
      %scan3A_405 = arith.constant 1 : i32
      scf.for %scan3A_407 = %scan3A_402 to %scan3A_404 step %scan3A_405  : i32 {
        %dma_start3A = arith.constant 0 : i32
        %dma_start3A_408 = tpu.memref_slice %arg8[%scan3A_407, %dma_start3A] : memref<50x128xi32, #tpu.memory_space<vmem>> -> memref<1x128xi32, #tpu.memory_space<vmem>>
        %dma_start3A_409 = tpu.memref_squeeze %dma_start3A_408 : memref<1x128xi32, #tpu.memory_space<vmem>> -> memref<128xi32, #tpu.memory_space<vmem>>
        %dma_start3A_410 = arith.constant 0 : i32
        %dma_start3A_411 = arith.constant 0 : i32
        %dma_start3A_412 = tpu.memref_slice %arg13[%dma_start3A_410, %dma_start3A_411] : memref<5120x48xf32, #tpu.memory_space<vmem_shared>> -> memref<5120x48xf32, #tpu.memory_space<vmem_shared>>
        tpu.enqueue_indirect_dma source(%dma_start3A_412 : memref<5120x48xf32, #tpu.memory_space<vmem_shared>>) target(%arg10 : memref<128x48xf32, #tpu.memory_space<vmem>>) offsets(%dma_start3A_409 : memref<128xi32, #tpu.memory_space<vmem>>) semaphore(%arg14 : memref<!tpu.dma_semaphore, #tpu.memory_space<semaphore_mem>>)
        %dma_wait3A = arith.constant 0 : i32
        %dma_wait3A_413 = tpu.memref_slice %arg8[%scan3A_407, %dma_wait3A] : memref<50x128xi32, #tpu.memory_space<vmem>> -> memref<1x128xi32, #tpu.memory_space<vmem>>
        %dma_wait3A_414 = tpu.memref_squeeze %dma_wait3A_413 : memref<1x128xi32, #tpu.memory_space<vmem>> -> memref<128xi32, #tpu.memory_space<vmem>>
        %dma_wait3A_415 = arith.constant 0 : i32
        %dma_wait3A_416 = arith.constant 0 : i32
        %dma_wait3A_417 = tpu.memref_slice %arg13[%dma_wait3A_415, %dma_wait3A_416] : memref<5120x48xf32, #tpu.memory_space<vmem_shared>> -> memref<5120x48xf32, #tpu.memory_space<vmem_shared>>
        tpu.wait_indirect_dma semaphore(%arg14 : memref<!tpu.dma_semaphore, #tpu.memory_space<semaphore_mem>>) src(%dma_wait3A_417 : memref<5120x48xf32, #tpu.memory_space<vmem_shared>>) dst(%arg10 : memref<128x48xf32, #tpu.memory_space<vmem>>)
        "tpu.region"() ({
          %run_scoped3A = tpu.sem_alloc : memref<!tpu.dma_semaphore, #tpu.memory_space<semaphore_mem>>
          %dma_start3A_418 = arith.constant 0 : i32
          %dma_start3A_419 = tpu.memref_slice %arg9[%scan3A_407, %dma_start3A_418] : memref<50x128xi32, #tpu.memory_space<vmem>> -> memref<1x128xi32, #tpu.memory_space<vmem>>
          %dma_start3A_420 = tpu.memref_squeeze %dma_start3A_419 : memref<1x128xi32, #tpu.memory_space<vmem>> -> memref<128xi32, #tpu.memory_space<vmem>>
          %dma_start3A_421 = arith.constant 0 : i32
          %dma_start3A_422 = arith.constant 0 : i32
          %dma_start3A_423 = tpu.memref_slice %arg12[%dma_start3A_421, %dma_start3A_422] : memref<2560x48xf32, #tpu.memory_space<vmem_shared>> -> memref<2560x48xf32, #tpu.memory_space<vmem_shared>>
          tpu.enqueue_indirect_dma source(%arg10 : memref<128x48xf32, #tpu.memory_space<vmem>>) target(%dma_start3A_423 : memref<2560x48xf32, #tpu.memory_space<vmem_shared>>) offsets(%dma_start3A_420 : memref<128xi32, #tpu.memory_space<vmem>>) semaphore(%run_scoped3A : memref<!tpu.dma_semaphore, #tpu.memory_space<semaphore_mem>>) {add = true}
          %dma_wait3A_424 = arith.constant 0 : i32
          %dma_wait3A_425 = tpu.memref_slice %arg9[%scan3A_407, %dma_wait3A_424] : memref<50x128xi32, #tpu.memory_space<vmem>> -> memref<1x128xi32, #tpu.memory_space<vmem>>
          %dma_wait3A_426 = tpu.memref_squeeze %dma_wait3A_425 : memref<1x128xi32, #tpu.memory_space<vmem>> -> memref<128xi32, #tpu.memory_space<vmem>>
          %dma_wait3A_427 = arith.constant 0 : i32
          %dma_wait3A_428 = arith.constant 0 : i32
          %dma_wait3A_429 = tpu.memref_slice %arg12[%dma_wait3A_427, %dma_wait3A_428] : memref<2560x48xf32, #tpu.memory_space<vmem_shared>> -> memref<2560x48xf32, #tpu.memory_space<vmem_shared>>
          tpu.wait_indirect_dma semaphore(%run_scoped3A : memref<!tpu.dma_semaphore, #tpu.memory_space<semaphore_mem>>) src(%arg10 : memref<128x48xf32, #tpu.memory_space<vmem>>) dst(%dma_wait3A_429 : memref<2560x48xf32, #tpu.memory_space<vmem_shared>>)
          tpu.yield
        }) : () -> ()
      }
      %scan3A_406 = arith.constant 29 : i32
      "tpu.trace_stop"() : () -> ()
    } else {
    }
    %barrier3A_396 = arith.constant 0 : index
    tpu.barrier barrier_id(%barrier3A_396)
    "tpu.trace_start"() <{level = 10 : i32, message = "drain"}> : () -> ()
    %mul3A_397 = arith.constant 160 : i32
    %mul3A_398 = arith.muli %arg1, %mul3A_397 : i32
    %mul3A_399 = arith.constant 160 : i32
    %mul3A_400 = arith.muli %arg1, %mul3A_399 : i32
    "tpu.region"() ({
      %run_scoped3A = tpu.sem_alloc : memref<!tpu.dma_semaphore, #tpu.memory_space<semaphore_mem>>
      %dma_start3A = arith.constant 0 : i32
      %dma_start3A_401 = tpu.memref_slice %arg7[%arg0, %mul3A_400, %dma_start3A] : memref<2x2560x48xf32, #tpu.memory_space<hbm>> -> memref<1x160x48xf32, #tpu.memory_space<hbm>>
      %dma_start3A_402 = tpu.memref_squeeze %dma_start3A_401 : memref<1x160x48xf32, #tpu.memory_space<hbm>> -> memref<160x48xf32, #tpu.memory_space<hbm>>
      %dma_start3A_403 = arith.constant 0 : i32
      %dma_start3A_404 = tpu.memref_slice %arg12[%mul3A_398, %dma_start3A_403] : memref<2560x48xf32, #tpu.memory_space<vmem_shared>> -> memref<160x48xf32, #tpu.memory_space<vmem_shared>>
      tpu.enqueue_dma source(%dma_start3A_404 : memref<160x48xf32, #tpu.memory_space<vmem_shared>>) target(%dma_start3A_402 : memref<160x48xf32, #tpu.memory_space<hbm>>) target_semaphore(%run_scoped3A : memref<!tpu.dma_semaphore, #tpu.memory_space<semaphore_mem>>)
      %dma_wait3A = arith.constant 0 : i32
      %dma_wait3A_405 = tpu.memref_slice %arg7[%arg0, %mul3A_400, %dma_wait3A] : memref<2x2560x48xf32, #tpu.memory_space<hbm>> -> memref<1x160x48xf32, #tpu.memory_space<hbm>>
      %dma_wait3A_406 = tpu.memref_squeeze %dma_wait3A_405 : memref<1x160x48xf32, #tpu.memory_space<hbm>> -> memref<160x48xf32, #tpu.memory_space<hbm>>
      %dma_wait3A_407 = arith.constant 0 : i32
      %dma_wait3A_408 = tpu.memref_slice %arg12[%mul3A_398, %dma_wait3A_407] : memref<2560x48xf32, #tpu.memory_space<vmem_shared>> -> memref<160x48xf32, #tpu.memory_space<vmem_shared>>
      tpu.wait_dma2 semaphore(%run_scoped3A : memref<!tpu.dma_semaphore, #tpu.memory_space<semaphore_mem>>) src(%dma_wait3A_408 : memref<160x48xf32, #tpu.memory_space<vmem_shared>>) dst(%dma_wait3A_406 : memref<160x48xf32, #tpu.memory_space<hbm>>)
      tpu.yield
    }) : () -> ()
    "tpu.trace_stop"() : () -> ()
    return
  }
}

#map = affine_map<(d0, d1) -> (0, 0)>
#map1 = affine_map<(d0, d1) -> (0, 0, 0)>
module attributes {stable_mosaic.version = 14 : i64} {
  func.func @seg1(%arg0: i32, %arg1: i32, %arg2: memref<10000x128xf32, #tpu.memory_space<hbm>>, %arg3: memref<16x94x128xi32, #tpu.memory_space<hbm>>, %arg4: memref<16x94x128xi32, #tpu.memory_space<hbm>>, %arg5: memref<16x63x128xi32, #tpu.memory_space<hbm>>, %arg6: memref<16x63x128xi32, #tpu.memory_space<hbm>>, %arg7: memref<2x5120x128xf32, #tpu.memory_space<hbm>>, %arg8: memref<2x16x5120xf32, #tpu.memory_space<hbm>>, %arg9: memref<94x128xi32, #tpu.memory_space<vmem>>, %arg10: memref<94x128xi32, #tpu.memory_space<vmem>>, %arg11: memref<128x128xf32, #tpu.memory_space<vmem>>, %arg12: memref<16x128xf32, #tpu.memory_space<vmem>>, %arg13: memref<5120xf32, #tpu.memory_space<vmem>>, %arg14: memref<5120x128xf32, #tpu.memory_space<vmem_shared>>, %arg15: memref<!tpu.dma_semaphore, #tpu.memory_space<semaphore_mem>>) attributes {dimension_semantics = [#tpu.dimension_semantics<core_parallel>, #tpu.dimension_semantics<subcore_parallel>], iteration_bounds = array<i64: 2, 16>, scalar_prefetch = 0 : i64, scratch_operands = 7 : i64, tpu.core_type = #tpu.core_type<sc_vector_subcore>, window_params = [{transform_indices = #map}, {transform_indices = #map1}, {transform_indices = #map1}, {transform_indices = #map1}, {transform_indices = #map1}, {transform_indices = #map1}, {transform_indices = #map1}]} {
    %broadcast_in_dim3A = arith.constant 0.000000e+00 : f32
    %broadcast_in_dim3A_0 = vector.broadcast %broadcast_in_dim3A : f32 to vector<16xf32>
    %broadcast_in_dim3A_1 = arith.constant 1.000000e+00 : f32
    %broadcast_in_dim3A_2 = vector.broadcast %broadcast_in_dim3A_1 : f32 to vector<16xf32>
    %swap3A = arith.constant 0 : i32
    "tpu.trace_start"() <{level = 10 : i32, message = "zero_acc"}> : () -> ()
    %swap3A_3 = arith.index_cast %swap3A : i32 to index
    %swap3A_4 = arith.constant 0 : index
    %swap3A_5 = tpu.vector_load %arg12[%swap3A_3, %swap3A_4] {strides = array<i32>} : memref<16x128xf32, #tpu.memory_space<vmem>>, vector<16xf32>,
    tpu.vector_store %arg12[%swap3A_3, %swap3A_4], %broadcast_in_dim3A_0 {strides = array<i32>} : memref<16x128xf32, #tpu.memory_space<vmem>>, vector<16xf32>,
    %swap3A_6 = arith.constant 0 : i32
    %swap3A_7 = arith.index_cast %swap3A_6 : i32 to index
    %swap3A_8 = arith.constant 16 : index
    %swap3A_9 = tpu.vector_load %arg12[%swap3A_7, %swap3A_8] {strides = array<i32>} : memref<16x128xf32, #tpu.memory_space<vmem>>, vector<16xf32>,
    tpu.vector_store %arg12[%swap3A_7, %swap3A_8], %broadcast_in_dim3A_0 {strides = array<i32>} : memref<16x128xf32, #tpu.memory_space<vmem>>, vector<16xf32>,
    %swap3A_10 = arith.constant 0 : i32
    %swap3A_11 = arith.index_cast %swap3A_10 : i32 to index
    %swap3A_12 = arith.constant 32 : index
    %swap3A_13 = tpu.vector_load %arg12[%swap3A_11, %swap3A_12] {strides = array<i32>} : memref<16x128xf32, #tpu.memory_space<vmem>>, vector<16xf32>,
    tpu.vector_store %arg12[%swap3A_11, %swap3A_12], %broadcast_in_dim3A_0 {strides = array<i32>} : memref<16x128xf32, #tpu.memory_space<vmem>>, vector<16xf32>,
    %swap3A_14 = arith.constant 0 : i32
    %swap3A_15 = arith.index_cast %swap3A_14 : i32 to index
    %swap3A_16 = arith.constant 48 : index
    %swap3A_17 = tpu.vector_load %arg12[%swap3A_15, %swap3A_16] {strides = array<i32>} : memref<16x128xf32, #tpu.memory_space<vmem>>, vector<16xf32>,
    tpu.vector_store %arg12[%swap3A_15, %swap3A_16], %broadcast_in_dim3A_0 {strides = array<i32>} : memref<16x128xf32, #tpu.memory_space<vmem>>, vector<16xf32>,
    %swap3A_18 = arith.constant 0 : i32
    %swap3A_19 = arith.index_cast %swap3A_18 : i32 to index
    %swap3A_20 = arith.constant 64 : index
    %swap3A_21 = tpu.vector_load %arg12[%swap3A_19, %swap3A_20] {strides = array<i32>} : memref<16x128xf32, #tpu.memory_space<vmem>>, vector<16xf32>,
    tpu.vector_store %arg12[%swap3A_19, %swap3A_20], %broadcast_in_dim3A_0 {strides = array<i32>} : memref<16x128xf32, #tpu.memory_space<vmem>>, vector<16xf32>,
    %swap3A_22 = arith.constant 0 : i32
    %swap3A_23 = arith.index_cast %swap3A_22 : i32 to index
    %swap3A_24 = arith.constant 80 : index
    %swap3A_25 = tpu.vector_load %arg12[%swap3A_23, %swap3A_24] {strides = array<i32>} : memref<16x128xf32, #tpu.memory_space<vmem>>, vector<16xf32>,
    tpu.vector_store %arg12[%swap3A_23, %swap3A_24], %broadcast_in_dim3A_0 {strides = array<i32>} : memref<16x128xf32, #tpu.memory_space<vmem>>, vector<16xf32>,
    %swap3A_26 = arith.constant 0 : i32
    %swap3A_27 = arith.index_cast %swap3A_26 : i32 to index
    %swap3A_28 = arith.constant 96 : index
    %swap3A_29 = tpu.vector_load %arg12[%swap3A_27, %swap3A_28] {strides = array<i32>} : memref<16x128xf32, #tpu.memory_space<vmem>>, vector<16xf32>,
    tpu.vector_store %arg12[%swap3A_27, %swap3A_28], %broadcast_in_dim3A_0 {strides = array<i32>} : memref<16x128xf32, #tpu.memory_space<vmem>>, vector<16xf32>,
    %swap3A_30 = arith.constant 0 : i32
    %swap3A_31 = arith.index_cast %swap3A_30 : i32 to index
    %swap3A_32 = arith.constant 112 : index
    %swap3A_33 = tpu.vector_load %arg12[%swap3A_31, %swap3A_32] {strides = array<i32>} : memref<16x128xf32, #tpu.memory_space<vmem>>, vector<16xf32>,
    tpu.vector_store %arg12[%swap3A_31, %swap3A_32], %broadcast_in_dim3A_0 {strides = array<i32>} : memref<16x128xf32, #tpu.memory_space<vmem>>, vector<16xf32>,
    %swap3A_34 = arith.constant 1 : i32
    %swap3A_35 = arith.index_cast %swap3A_34 : i32 to index
    %swap3A_36 = arith.constant 0 : index
    %swap3A_37 = tpu.vector_load %arg12[%swap3A_35, %swap3A_36] {strides = array<i32>} : memref<16x128xf32, #tpu.memory_space<vmem>>, vector<16xf32>,
    tpu.vector_store %arg12[%swap3A_35, %swap3A_36], %broadcast_in_dim3A_0 {strides = array<i32>} : memref<16x128xf32, #tpu.memory_space<vmem>>, vector<16xf32>,
    %swap3A_38 = arith.constant 1 : i32
    %swap3A_39 = arith.index_cast %swap3A_38 : i32 to index
    %swap3A_40 = arith.constant 16 : index
    %swap3A_41 = tpu.vector_load %arg12[%swap3A_39, %swap3A_40] {strides = array<i32>} : memref<16x128xf32, #tpu.memory_space<vmem>>, vector<16xf32>,
    tpu.vector_store %arg12[%swap3A_39, %swap3A_40], %broadcast_in_dim3A_0 {strides = array<i32>} : memref<16x128xf32, #tpu.memory_space<vmem>>, vector<16xf32>,
    %swap3A_42 = arith.constant 1 : i32
    %swap3A_43 = arith.index_cast %swap3A_42 : i32 to index
    %swap3A_44 = arith.constant 32 : index
    %swap3A_45 = tpu.vector_load %arg12[%swap3A_43, %swap3A_44] {strides = array<i32>} : memref<16x128xf32, #tpu.memory_space<vmem>>, vector<16xf32>,
    tpu.vector_store %arg12[%swap3A_43, %swap3A_44], %broadcast_in_dim3A_0 {strides = array<i32>} : memref<16x128xf32, #tpu.memory_space<vmem>>, vector<16xf32>,
    %swap3A_46 = arith.constant 1 : i32
    %swap3A_47 = arith.index_cast %swap3A_46 : i32 to index
    %swap3A_48 = arith.constant 48 : index
    %swap3A_49 = tpu.vector_load %arg12[%swap3A_47, %swap3A_48] {strides = array<i32>} : memref<16x128xf32, #tpu.memory_space<vmem>>, vector<16xf32>,
    tpu.vector_store %arg12[%swap3A_47, %swap3A_48], %broadcast_in_dim3A_0 {strides = array<i32>} : memref<16x128xf32, #tpu.memory_space<vmem>>, vector<16xf32>,
    %swap3A_50 = arith.constant 1 : i32
    %swap3A_51 = arith.index_cast %swap3A_50 : i32 to index
    %swap3A_52 = arith.constant 64 : index
    %swap3A_53 = tpu.vector_load %arg12[%swap3A_51, %swap3A_52] {strides = array<i32>} : memref<16x128xf32, #tpu.memory_space<vmem>>, vector<16xf32>,
    tpu.vector_store %arg12[%swap3A_51, %swap3A_52], %broadcast_in_dim3A_0 {strides = array<i32>} : memref<16x128xf32, #tpu.memory_space<vmem>>, vector<16xf32>,
    %swap3A_54 = arith.constant 1 : i32
    %swap3A_55 = arith.index_cast %swap3A_54 : i32 to index
    %swap3A_56 = arith.constant 80 : index
    %swap3A_57 = tpu.vector_load %arg12[%swap3A_55, %swap3A_56] {strides = array<i32>} : memref<16x128xf32, #tpu.memory_space<vmem>>, vector<16xf32>,
    tpu.vector_store %arg12[%swap3A_55, %swap3A_56], %broadcast_in_dim3A_0 {strides = array<i32>} : memref<16x128xf32, #tpu.memory_space<vmem>>, vector<16xf32>,
    %swap3A_58 = arith.constant 1 : i32
    %swap3A_59 = arith.index_cast %swap3A_58 : i32 to index
    %swap3A_60 = arith.constant 96 : index
    %swap3A_61 = tpu.vector_load %arg12[%swap3A_59, %swap3A_60] {strides = array<i32>} : memref<16x128xf32, #tpu.memory_space<vmem>>, vector<16xf32>,
    tpu.vector_store %arg12[%swap3A_59, %swap3A_60], %broadcast_in_dim3A_0 {strides = array<i32>} : memref<16x128xf32, #tpu.memory_space<vmem>>, vector<16xf32>,
    %swap3A_62 = arith.constant 1 : i32
    %swap3A_63 = arith.index_cast %swap3A_62 : i32 to index
    %swap3A_64 = arith.constant 112 : index
    %swap3A_65 = tpu.vector_load %arg12[%swap3A_63, %swap3A_64] {strides = array<i32>} : memref<16x128xf32, #tpu.memory_space<vmem>>, vector<16xf32>,
    tpu.vector_store %arg12[%swap3A_63, %swap3A_64], %broadcast_in_dim3A_0 {strides = array<i32>} : memref<16x128xf32, #tpu.memory_space<vmem>>, vector<16xf32>,
    %swap3A_66 = arith.constant 2 : i32
    %swap3A_67 = arith.index_cast %swap3A_66 : i32 to index
    %swap3A_68 = arith.constant 0 : index
    %swap3A_69 = tpu.vector_load %arg12[%swap3A_67, %swap3A_68] {strides = array<i32>} : memref<16x128xf32, #tpu.memory_space<vmem>>, vector<16xf32>,
    tpu.vector_store %arg12[%swap3A_67, %swap3A_68], %broadcast_in_dim3A_0 {strides = array<i32>} : memref<16x128xf32, #tpu.memory_space<vmem>>, vector<16xf32>,
    %swap3A_70 = arith.constant 2 : i32
    %swap3A_71 = arith.index_cast %swap3A_70 : i32 to index
    %swap3A_72 = arith.constant 16 : index
    %swap3A_73 = tpu.vector_load %arg12[%swap3A_71, %swap3A_72] {strides = array<i32>} : memref<16x128xf32, #tpu.memory_space<vmem>>, vector<16xf32>,
    tpu.vector_store %arg12[%swap3A_71, %swap3A_72], %broadcast_in_dim3A_0 {strides = array<i32>} : memref<16x128xf32, #tpu.memory_space<vmem>>, vector<16xf32>,
    %swap3A_74 = arith.constant 2 : i32
    %swap3A_75 = arith.index_cast %swap3A_74 : i32 to index
    %swap3A_76 = arith.constant 32 : index
    %swap3A_77 = tpu.vector_load %arg12[%swap3A_75, %swap3A_76] {strides = array<i32>} : memref<16x128xf32, #tpu.memory_space<vmem>>, vector<16xf32>,
    tpu.vector_store %arg12[%swap3A_75, %swap3A_76], %broadcast_in_dim3A_0 {strides = array<i32>} : memref<16x128xf32, #tpu.memory_space<vmem>>, vector<16xf32>,
    %swap3A_78 = arith.constant 2 : i32
    %swap3A_79 = arith.index_cast %swap3A_78 : i32 to index
    %swap3A_80 = arith.constant 48 : index
    %swap3A_81 = tpu.vector_load %arg12[%swap3A_79, %swap3A_80] {strides = array<i32>} : memref<16x128xf32, #tpu.memory_space<vmem>>, vector<16xf32>,
    tpu.vector_store %arg12[%swap3A_79, %swap3A_80], %broadcast_in_dim3A_0 {strides = array<i32>} : memref<16x128xf32, #tpu.memory_space<vmem>>, vector<16xf32>,
    %swap3A_82 = arith.constant 2 : i32
    %swap3A_83 = arith.index_cast %swap3A_82 : i32 to index
    %swap3A_84 = arith.constant 64 : index
    %swap3A_85 = tpu.vector_load %arg12[%swap3A_83, %swap3A_84] {strides = array<i32>} : memref<16x128xf32, #tpu.memory_space<vmem>>, vector<16xf32>,
    tpu.vector_store %arg12[%swap3A_83, %swap3A_84], %broadcast_in_dim3A_0 {strides = array<i32>} : memref<16x128xf32, #tpu.memory_space<vmem>>, vector<16xf32>,
    %swap3A_86 = arith.constant 2 : i32
    %swap3A_87 = arith.index_cast %swap3A_86 : i32 to index
    %swap3A_88 = arith.constant 80 : index
    %swap3A_89 = tpu.vector_load %arg12[%swap3A_87, %swap3A_88] {strides = array<i32>} : memref<16x128xf32, #tpu.memory_space<vmem>>, vector<16xf32>,
    tpu.vector_store %arg12[%swap3A_87, %swap3A_88], %broadcast_in_dim3A_0 {strides = array<i32>} : memref<16x128xf32, #tpu.memory_space<vmem>>, vector<16xf32>,
    %swap3A_90 = arith.constant 2 : i32
    %swap3A_91 = arith.index_cast %swap3A_90 : i32 to index
    %swap3A_92 = arith.constant 96 : index
    %swap3A_93 = tpu.vector_load %arg12[%swap3A_91, %swap3A_92] {strides = array<i32>} : memref<16x128xf32, #tpu.memory_space<vmem>>, vector<16xf32>,
    tpu.vector_store %arg12[%swap3A_91, %swap3A_92], %broadcast_in_dim3A_0 {strides = array<i32>} : memref<16x128xf32, #tpu.memory_space<vmem>>, vector<16xf32>,
    %swap3A_94 = arith.constant 2 : i32
    %swap3A_95 = arith.index_cast %swap3A_94 : i32 to index
    %swap3A_96 = arith.constant 112 : index
    %swap3A_97 = tpu.vector_load %arg12[%swap3A_95, %swap3A_96] {strides = array<i32>} : memref<16x128xf32, #tpu.memory_space<vmem>>, vector<16xf32>,
    tpu.vector_store %arg12[%swap3A_95, %swap3A_96], %broadcast_in_dim3A_0 {strides = array<i32>} : memref<16x128xf32, #tpu.memory_space<vmem>>, vector<16xf32>,
    %swap3A_98 = arith.constant 3 : i32
    %swap3A_99 = arith.index_cast %swap3A_98 : i32 to index
    %swap3A_100 = arith.constant 0 : index
    %swap3A_101 = tpu.vector_load %arg12[%swap3A_99, %swap3A_100] {strides = array<i32>} : memref<16x128xf32, #tpu.memory_space<vmem>>, vector<16xf32>,
    tpu.vector_store %arg12[%swap3A_99, %swap3A_100], %broadcast_in_dim3A_0 {strides = array<i32>} : memref<16x128xf32, #tpu.memory_space<vmem>>, vector<16xf32>,
    %swap3A_102 = arith.constant 3 : i32
    %swap3A_103 = arith.index_cast %swap3A_102 : i32 to index
    %swap3A_104 = arith.constant 16 : index
    %swap3A_105 = tpu.vector_load %arg12[%swap3A_103, %swap3A_104] {strides = array<i32>} : memref<16x128xf32, #tpu.memory_space<vmem>>, vector<16xf32>,
    tpu.vector_store %arg12[%swap3A_103, %swap3A_104], %broadcast_in_dim3A_0 {strides = array<i32>} : memref<16x128xf32, #tpu.memory_space<vmem>>, vector<16xf32>,
    %swap3A_106 = arith.constant 3 : i32
    %swap3A_107 = arith.index_cast %swap3A_106 : i32 to index
    %swap3A_108 = arith.constant 32 : index
    %swap3A_109 = tpu.vector_load %arg12[%swap3A_107, %swap3A_108] {strides = array<i32>} : memref<16x128xf32, #tpu.memory_space<vmem>>, vector<16xf32>,
    tpu.vector_store %arg12[%swap3A_107, %swap3A_108], %broadcast_in_dim3A_0 {strides = array<i32>} : memref<16x128xf32, #tpu.memory_space<vmem>>, vector<16xf32>,
    %swap3A_110 = arith.constant 3 : i32
    %swap3A_111 = arith.index_cast %swap3A_110 : i32 to index
    %swap3A_112 = arith.constant 48 : index
    %swap3A_113 = tpu.vector_load %arg12[%swap3A_111, %swap3A_112] {strides = array<i32>} : memref<16x128xf32, #tpu.memory_space<vmem>>, vector<16xf32>,
    tpu.vector_store %arg12[%swap3A_111, %swap3A_112], %broadcast_in_dim3A_0 {strides = array<i32>} : memref<16x128xf32, #tpu.memory_space<vmem>>, vector<16xf32>,
    %swap3A_114 = arith.constant 3 : i32
    %swap3A_115 = arith.index_cast %swap3A_114 : i32 to index
    %swap3A_116 = arith.constant 64 : index
    %swap3A_117 = tpu.vector_load %arg12[%swap3A_115, %swap3A_116] {strides = array<i32>} : memref<16x128xf32, #tpu.memory_space<vmem>>, vector<16xf32>,
    tpu.vector_store %arg12[%swap3A_115, %swap3A_116], %broadcast_in_dim3A_0 {strides = array<i32>} : memref<16x128xf32, #tpu.memory_space<vmem>>, vector<16xf32>,
    %swap3A_118 = arith.constant 3 : i32
    %swap3A_119 = arith.index_cast %swap3A_118 : i32 to index
    %swap3A_120 = arith.constant 80 : index
    %swap3A_121 = tpu.vector_load %arg12[%swap3A_119, %swap3A_120] {strides = array<i32>} : memref<16x128xf32, #tpu.memory_space<vmem>>, vector<16xf32>,
    tpu.vector_store %arg12[%swap3A_119, %swap3A_120], %broadcast_in_dim3A_0 {strides = array<i32>} : memref<16x128xf32, #tpu.memory_space<vmem>>, vector<16xf32>,
    %swap3A_122 = arith.constant 3 : i32
    %swap3A_123 = arith.index_cast %swap3A_122 : i32 to index
    %swap3A_124 = arith.constant 96 : index
    %swap3A_125 = tpu.vector_load %arg12[%swap3A_123, %swap3A_124] {strides = array<i32>} : memref<16x128xf32, #tpu.memory_space<vmem>>, vector<16xf32>,
    tpu.vector_store %arg12[%swap3A_123, %swap3A_124], %broadcast_in_dim3A_0 {strides = array<i32>} : memref<16x128xf32, #tpu.memory_space<vmem>>, vector<16xf32>,
    %swap3A_126 = arith.constant 3 : i32
    %swap3A_127 = arith.index_cast %swap3A_126 : i32 to index
    %swap3A_128 = arith.constant 112 : index
    %swap3A_129 = tpu.vector_load %arg12[%swap3A_127, %swap3A_128] {strides = array<i32>} : memref<16x128xf32, #tpu.memory_space<vmem>>, vector<16xf32>,
    tpu.vector_store %arg12[%swap3A_127, %swap3A_128], %broadcast_in_dim3A_0 {strides = array<i32>} : memref<16x128xf32, #tpu.memory_space<vmem>>, vector<16xf32>,
    %swap3A_130 = arith.constant 4 : i32
    %swap3A_131 = arith.index_cast %swap3A_130 : i32 to index
    %swap3A_132 = arith.constant 0 : index
    %swap3A_133 = tpu.vector_load %arg12[%swap3A_131, %swap3A_132] {strides = array<i32>} : memref<16x128xf32, #tpu.memory_space<vmem>>, vector<16xf32>,
    tpu.vector_store %arg12[%swap3A_131, %swap3A_132], %broadcast_in_dim3A_0 {strides = array<i32>} : memref<16x128xf32, #tpu.memory_space<vmem>>, vector<16xf32>,
    %swap3A_134 = arith.constant 4 : i32
    %swap3A_135 = arith.index_cast %swap3A_134 : i32 to index
    %swap3A_136 = arith.constant 16 : index
    %swap3A_137 = tpu.vector_load %arg12[%swap3A_135, %swap3A_136] {strides = array<i32>} : memref<16x128xf32, #tpu.memory_space<vmem>>, vector<16xf32>,
    tpu.vector_store %arg12[%swap3A_135, %swap3A_136], %broadcast_in_dim3A_0 {strides = array<i32>} : memref<16x128xf32, #tpu.memory_space<vmem>>, vector<16xf32>,
    %swap3A_138 = arith.constant 4 : i32
    %swap3A_139 = arith.index_cast %swap3A_138 : i32 to index
    %swap3A_140 = arith.constant 32 : index
    %swap3A_141 = tpu.vector_load %arg12[%swap3A_139, %swap3A_140] {strides = array<i32>} : memref<16x128xf32, #tpu.memory_space<vmem>>, vector<16xf32>,
    tpu.vector_store %arg12[%swap3A_139, %swap3A_140], %broadcast_in_dim3A_0 {strides = array<i32>} : memref<16x128xf32, #tpu.memory_space<vmem>>, vector<16xf32>,
    %swap3A_142 = arith.constant 4 : i32
    %swap3A_143 = arith.index_cast %swap3A_142 : i32 to index
    %swap3A_144 = arith.constant 48 : index
    %swap3A_145 = tpu.vector_load %arg12[%swap3A_143, %swap3A_144] {strides = array<i32>} : memref<16x128xf32, #tpu.memory_space<vmem>>, vector<16xf32>,
    tpu.vector_store %arg12[%swap3A_143, %swap3A_144], %broadcast_in_dim3A_0 {strides = array<i32>} : memref<16x128xf32, #tpu.memory_space<vmem>>, vector<16xf32>,
    %swap3A_146 = arith.constant 4 : i32
    %swap3A_147 = arith.index_cast %swap3A_146 : i32 to index
    %swap3A_148 = arith.constant 64 : index
    %swap3A_149 = tpu.vector_load %arg12[%swap3A_147, %swap3A_148] {strides = array<i32>} : memref<16x128xf32, #tpu.memory_space<vmem>>, vector<16xf32>,
    tpu.vector_store %arg12[%swap3A_147, %swap3A_148], %broadcast_in_dim3A_0 {strides = array<i32>} : memref<16x128xf32, #tpu.memory_space<vmem>>, vector<16xf32>,
    %swap3A_150 = arith.constant 4 : i32
    %swap3A_151 = arith.index_cast %swap3A_150 : i32 to index
    %swap3A_152 = arith.constant 80 : index
    %swap3A_153 = tpu.vector_load %arg12[%swap3A_151, %swap3A_152] {strides = array<i32>} : memref<16x128xf32, #tpu.memory_space<vmem>>, vector<16xf32>,
    tpu.vector_store %arg12[%swap3A_151, %swap3A_152], %broadcast_in_dim3A_0 {strides = array<i32>} : memref<16x128xf32, #tpu.memory_space<vmem>>, vector<16xf32>,
    %swap3A_154 = arith.constant 4 : i32
    %swap3A_155 = arith.index_cast %swap3A_154 : i32 to index
    %swap3A_156 = arith.constant 96 : index
    %swap3A_157 = tpu.vector_load %arg12[%swap3A_155, %swap3A_156] {strides = array<i32>} : memref<16x128xf32, #tpu.memory_space<vmem>>, vector<16xf32>,
    tpu.vector_store %arg12[%swap3A_155, %swap3A_156], %broadcast_in_dim3A_0 {strides = array<i32>} : memref<16x128xf32, #tpu.memory_space<vmem>>, vector<16xf32>,
    %swap3A_158 = arith.constant 4 : i32
    %swap3A_159 = arith.index_cast %swap3A_158 : i32 to index
    %swap3A_160 = arith.constant 112 : index
    %swap3A_161 = tpu.vector_load %arg12[%swap3A_159, %swap3A_160] {strides = array<i32>} : memref<16x128xf32, #tpu.memory_space<vmem>>, vector<16xf32>,
    tpu.vector_store %arg12[%swap3A_159, %swap3A_160], %broadcast_in_dim3A_0 {strides = array<i32>} : memref<16x128xf32, #tpu.memory_space<vmem>>, vector<16xf32>,
    %swap3A_162 = arith.constant 5 : i32
    %swap3A_163 = arith.index_cast %swap3A_162 : i32 to index
    %swap3A_164 = arith.constant 0 : index
    %swap3A_165 = tpu.vector_load %arg12[%swap3A_163, %swap3A_164] {strides = array<i32>} : memref<16x128xf32, #tpu.memory_space<vmem>>, vector<16xf32>,
    tpu.vector_store %arg12[%swap3A_163, %swap3A_164], %broadcast_in_dim3A_0 {strides = array<i32>} : memref<16x128xf32, #tpu.memory_space<vmem>>, vector<16xf32>,
    %swap3A_166 = arith.constant 5 : i32
    %swap3A_167 = arith.index_cast %swap3A_166 : i32 to index
    %swap3A_168 = arith.constant 16 : index
    %swap3A_169 = tpu.vector_load %arg12[%swap3A_167, %swap3A_168] {strides = array<i32>} : memref<16x128xf32, #tpu.memory_space<vmem>>, vector<16xf32>,
    tpu.vector_store %arg12[%swap3A_167, %swap3A_168], %broadcast_in_dim3A_0 {strides = array<i32>} : memref<16x128xf32, #tpu.memory_space<vmem>>, vector<16xf32>,
    %swap3A_170 = arith.constant 5 : i32
    %swap3A_171 = arith.index_cast %swap3A_170 : i32 to index
    %swap3A_172 = arith.constant 32 : index
    %swap3A_173 = tpu.vector_load %arg12[%swap3A_171, %swap3A_172] {strides = array<i32>} : memref<16x128xf32, #tpu.memory_space<vmem>>, vector<16xf32>,
    tpu.vector_store %arg12[%swap3A_171, %swap3A_172], %broadcast_in_dim3A_0 {strides = array<i32>} : memref<16x128xf32, #tpu.memory_space<vmem>>, vector<16xf32>,
    %swap3A_174 = arith.constant 5 : i32
    %swap3A_175 = arith.index_cast %swap3A_174 : i32 to index
    %swap3A_176 = arith.constant 48 : index
    %swap3A_177 = tpu.vector_load %arg12[%swap3A_175, %swap3A_176] {strides = array<i32>} : memref<16x128xf32, #tpu.memory_space<vmem>>, vector<16xf32>,
    tpu.vector_store %arg12[%swap3A_175, %swap3A_176], %broadcast_in_dim3A_0 {strides = array<i32>} : memref<16x128xf32, #tpu.memory_space<vmem>>, vector<16xf32>,
    %swap3A_178 = arith.constant 5 : i32
    %swap3A_179 = arith.index_cast %swap3A_178 : i32 to index
    %swap3A_180 = arith.constant 64 : index
    %swap3A_181 = tpu.vector_load %arg12[%swap3A_179, %swap3A_180] {strides = array<i32>} : memref<16x128xf32, #tpu.memory_space<vmem>>, vector<16xf32>,
    tpu.vector_store %arg12[%swap3A_179, %swap3A_180], %broadcast_in_dim3A_0 {strides = array<i32>} : memref<16x128xf32, #tpu.memory_space<vmem>>, vector<16xf32>,
    %swap3A_182 = arith.constant 5 : i32
    %swap3A_183 = arith.index_cast %swap3A_182 : i32 to index
    %swap3A_184 = arith.constant 80 : index
    %swap3A_185 = tpu.vector_load %arg12[%swap3A_183, %swap3A_184] {strides = array<i32>} : memref<16x128xf32, #tpu.memory_space<vmem>>, vector<16xf32>,
    tpu.vector_store %arg12[%swap3A_183, %swap3A_184], %broadcast_in_dim3A_0 {strides = array<i32>} : memref<16x128xf32, #tpu.memory_space<vmem>>, vector<16xf32>,
    %swap3A_186 = arith.constant 5 : i32
    %swap3A_187 = arith.index_cast %swap3A_186 : i32 to index
    %swap3A_188 = arith.constant 96 : index
    %swap3A_189 = tpu.vector_load %arg12[%swap3A_187, %swap3A_188] {strides = array<i32>} : memref<16x128xf32, #tpu.memory_space<vmem>>, vector<16xf32>,
    tpu.vector_store %arg12[%swap3A_187, %swap3A_188], %broadcast_in_dim3A_0 {strides = array<i32>} : memref<16x128xf32, #tpu.memory_space<vmem>>, vector<16xf32>,
    %swap3A_190 = arith.constant 5 : i32
    %swap3A_191 = arith.index_cast %swap3A_190 : i32 to index
    %swap3A_192 = arith.constant 112 : index
    %swap3A_193 = tpu.vector_load %arg12[%swap3A_191, %swap3A_192] {strides = array<i32>} : memref<16x128xf32, #tpu.memory_space<vmem>>, vector<16xf32>,
    tpu.vector_store %arg12[%swap3A_191, %swap3A_192], %broadcast_in_dim3A_0 {strides = array<i32>} : memref<16x128xf32, #tpu.memory_space<vmem>>, vector<16xf32>,
    %swap3A_194 = arith.constant 6 : i32
    %swap3A_195 = arith.index_cast %swap3A_194 : i32 to index
    %swap3A_196 = arith.constant 0 : index
    %swap3A_197 = tpu.vector_load %arg12[%swap3A_195, %swap3A_196] {strides = array<i32>} : memref<16x128xf32, #tpu.memory_space<vmem>>, vector<16xf32>,
    tpu.vector_store %arg12[%swap3A_195, %swap3A_196], %broadcast_in_dim3A_0 {strides = array<i32>} : memref<16x128xf32, #tpu.memory_space<vmem>>, vector<16xf32>,
    %swap3A_198 = arith.constant 6 : i32
    %swap3A_199 = arith.index_cast %swap3A_198 : i32 to index
    %swap3A_200 = arith.constant 16 : index
    %swap3A_201 = tpu.vector_load %arg12[%swap3A_199, %swap3A_200] {strides = array<i32>} : memref<16x128xf32, #tpu.memory_space<vmem>>, vector<16xf32>,
    tpu.vector_store %arg12[%swap3A_199, %swap3A_200], %broadcast_in_dim3A_0 {strides = array<i32>} : memref<16x128xf32, #tpu.memory_space<vmem>>, vector<16xf32>,
    %swap3A_202 = arith.constant 6 : i32
    %swap3A_203 = arith.index_cast %swap3A_202 : i32 to index
    %swap3A_204 = arith.constant 32 : index
    %swap3A_205 = tpu.vector_load %arg12[%swap3A_203, %swap3A_204] {strides = array<i32>} : memref<16x128xf32, #tpu.memory_space<vmem>>, vector<16xf32>,
    tpu.vector_store %arg12[%swap3A_203, %swap3A_204], %broadcast_in_dim3A_0 {strides = array<i32>} : memref<16x128xf32, #tpu.memory_space<vmem>>, vector<16xf32>,
    %swap3A_206 = arith.constant 6 : i32
    %swap3A_207 = arith.index_cast %swap3A_206 : i32 to index
    %swap3A_208 = arith.constant 48 : index
    %swap3A_209 = tpu.vector_load %arg12[%swap3A_207, %swap3A_208] {strides = array<i32>} : memref<16x128xf32, #tpu.memory_space<vmem>>, vector<16xf32>,
    tpu.vector_store %arg12[%swap3A_207, %swap3A_208], %broadcast_in_dim3A_0 {strides = array<i32>} : memref<16x128xf32, #tpu.memory_space<vmem>>, vector<16xf32>,
    %swap3A_210 = arith.constant 6 : i32
    %swap3A_211 = arith.index_cast %swap3A_210 : i32 to index
    %swap3A_212 = arith.constant 64 : index
    %swap3A_213 = tpu.vector_load %arg12[%swap3A_211, %swap3A_212] {strides = array<i32>} : memref<16x128xf32, #tpu.memory_space<vmem>>, vector<16xf32>,
    tpu.vector_store %arg12[%swap3A_211, %swap3A_212], %broadcast_in_dim3A_0 {strides = array<i32>} : memref<16x128xf32, #tpu.memory_space<vmem>>, vector<16xf32>,
    %swap3A_214 = arith.constant 6 : i32
    %swap3A_215 = arith.index_cast %swap3A_214 : i32 to index
    %swap3A_216 = arith.constant 80 : index
    %swap3A_217 = tpu.vector_load %arg12[%swap3A_215, %swap3A_216] {strides = array<i32>} : memref<16x128xf32, #tpu.memory_space<vmem>>, vector<16xf32>,
    tpu.vector_store %arg12[%swap3A_215, %swap3A_216], %broadcast_in_dim3A_0 {strides = array<i32>} : memref<16x128xf32, #tpu.memory_space<vmem>>, vector<16xf32>,
    %swap3A_218 = arith.constant 6 : i32
    %swap3A_219 = arith.index_cast %swap3A_218 : i32 to index
    %swap3A_220 = arith.constant 96 : index
    %swap3A_221 = tpu.vector_load %arg12[%swap3A_219, %swap3A_220] {strides = array<i32>} : memref<16x128xf32, #tpu.memory_space<vmem>>, vector<16xf32>,
    tpu.vector_store %arg12[%swap3A_219, %swap3A_220], %broadcast_in_dim3A_0 {strides = array<i32>} : memref<16x128xf32, #tpu.memory_space<vmem>>, vector<16xf32>,
    %swap3A_222 = arith.constant 6 : i32
    %swap3A_223 = arith.index_cast %swap3A_222 : i32 to index
    %swap3A_224 = arith.constant 112 : index
    %swap3A_225 = tpu.vector_load %arg12[%swap3A_223, %swap3A_224] {strides = array<i32>} : memref<16x128xf32, #tpu.memory_space<vmem>>, vector<16xf32>,
    tpu.vector_store %arg12[%swap3A_223, %swap3A_224], %broadcast_in_dim3A_0 {strides = array<i32>} : memref<16x128xf32, #tpu.memory_space<vmem>>, vector<16xf32>,
    %swap3A_226 = arith.constant 7 : i32
    %swap3A_227 = arith.index_cast %swap3A_226 : i32 to index
    %swap3A_228 = arith.constant 0 : index
    %swap3A_229 = tpu.vector_load %arg12[%swap3A_227, %swap3A_228] {strides = array<i32>} : memref<16x128xf32, #tpu.memory_space<vmem>>, vector<16xf32>,
    tpu.vector_store %arg12[%swap3A_227, %swap3A_228], %broadcast_in_dim3A_0 {strides = array<i32>} : memref<16x128xf32, #tpu.memory_space<vmem>>, vector<16xf32>,
    %swap3A_230 = arith.constant 7 : i32
    %swap3A_231 = arith.index_cast %swap3A_230 : i32 to index
    %swap3A_232 = arith.constant 16 : index
    %swap3A_233 = tpu.vector_load %arg12[%swap3A_231, %swap3A_232] {strides = array<i32>} : memref<16x128xf32, #tpu.memory_space<vmem>>, vector<16xf32>,
    tpu.vector_store %arg12[%swap3A_231, %swap3A_232], %broadcast_in_dim3A_0 {strides = array<i32>} : memref<16x128xf32, #tpu.memory_space<vmem>>, vector<16xf32>,
    %swap3A_234 = arith.constant 7 : i32
    %swap3A_235 = arith.index_cast %swap3A_234 : i32 to index
    %swap3A_236 = arith.constant 32 : index
    %swap3A_237 = tpu.vector_load %arg12[%swap3A_235, %swap3A_236] {strides = array<i32>} : memref<16x128xf32, #tpu.memory_space<vmem>>, vector<16xf32>,
    tpu.vector_store %arg12[%swap3A_235, %swap3A_236], %broadcast_in_dim3A_0 {strides = array<i32>} : memref<16x128xf32, #tpu.memory_space<vmem>>, vector<16xf32>,
    %swap3A_238 = arith.constant 7 : i32
    %swap3A_239 = arith.index_cast %swap3A_238 : i32 to index
    %swap3A_240 = arith.constant 48 : index
    %swap3A_241 = tpu.vector_load %arg12[%swap3A_239, %swap3A_240] {strides = array<i32>} : memref<16x128xf32, #tpu.memory_space<vmem>>, vector<16xf32>,
    tpu.vector_store %arg12[%swap3A_239, %swap3A_240], %broadcast_in_dim3A_0 {strides = array<i32>} : memref<16x128xf32, #tpu.memory_space<vmem>>, vector<16xf32>,
    %swap3A_242 = arith.constant 7 : i32
    %swap3A_243 = arith.index_cast %swap3A_242 : i32 to index
    %swap3A_244 = arith.constant 64 : index
    %swap3A_245 = tpu.vector_load %arg12[%swap3A_243, %swap3A_244] {strides = array<i32>} : memref<16x128xf32, #tpu.memory_space<vmem>>, vector<16xf32>,
    tpu.vector_store %arg12[%swap3A_243, %swap3A_244], %broadcast_in_dim3A_0 {strides = array<i32>} : memref<16x128xf32, #tpu.memory_space<vmem>>, vector<16xf32>,
    %swap3A_246 = arith.constant 7 : i32
    %swap3A_247 = arith.index_cast %swap3A_246 : i32 to index
    %swap3A_248 = arith.constant 80 : index
    %swap3A_249 = tpu.vector_load %arg12[%swap3A_247, %swap3A_248] {strides = array<i32>} : memref<16x128xf32, #tpu.memory_space<vmem>>, vector<16xf32>,
    tpu.vector_store %arg12[%swap3A_247, %swap3A_248], %broadcast_in_dim3A_0 {strides = array<i32>} : memref<16x128xf32, #tpu.memory_space<vmem>>, vector<16xf32>,
    %swap3A_250 = arith.constant 7 : i32
    %swap3A_251 = arith.index_cast %swap3A_250 : i32 to index
    %swap3A_252 = arith.constant 96 : index
    %swap3A_253 = tpu.vector_load %arg12[%swap3A_251, %swap3A_252] {strides = array<i32>} : memref<16x128xf32, #tpu.memory_space<vmem>>, vector<16xf32>,
    tpu.vector_store %arg12[%swap3A_251, %swap3A_252], %broadcast_in_dim3A_0 {strides = array<i32>} : memref<16x128xf32, #tpu.memory_space<vmem>>, vector<16xf32>,
    %swap3A_254 = arith.constant 7 : i32
    %swap3A_255 = arith.index_cast %swap3A_254 : i32 to index
    %swap3A_256 = arith.constant 112 : index
    %swap3A_257 = tpu.vector_load %arg12[%swap3A_255, %swap3A_256] {strides = array<i32>} : memref<16x128xf32, #tpu.memory_space<vmem>>, vector<16xf32>,
    tpu.vector_store %arg12[%swap3A_255, %swap3A_256], %broadcast_in_dim3A_0 {strides = array<i32>} : memref<16x128xf32, #tpu.memory_space<vmem>>, vector<16xf32>,
    %swap3A_258 = arith.constant 8 : i32
    %swap3A_259 = arith.index_cast %swap3A_258 : i32 to index
    %swap3A_260 = arith.constant 0 : index
    %swap3A_261 = tpu.vector_load %arg12[%swap3A_259, %swap3A_260] {strides = array<i32>} : memref<16x128xf32, #tpu.memory_space<vmem>>, vector<16xf32>,
    tpu.vector_store %arg12[%swap3A_259, %swap3A_260], %broadcast_in_dim3A_0 {strides = array<i32>} : memref<16x128xf32, #tpu.memory_space<vmem>>, vector<16xf32>,
    %swap3A_262 = arith.constant 8 : i32
    %swap3A_263 = arith.index_cast %swap3A_262 : i32 to index
    %swap3A_264 = arith.constant 16 : index
    %swap3A_265 = tpu.vector_load %arg12[%swap3A_263, %swap3A_264] {strides = array<i32>} : memref<16x128xf32, #tpu.memory_space<vmem>>, vector<16xf32>,
    tpu.vector_store %arg12[%swap3A_263, %swap3A_264], %broadcast_in_dim3A_0 {strides = array<i32>} : memref<16x128xf32, #tpu.memory_space<vmem>>, vector<16xf32>,
    %swap3A_266 = arith.constant 8 : i32
    %swap3A_267 = arith.index_cast %swap3A_266 : i32 to index
    %swap3A_268 = arith.constant 32 : index
    %swap3A_269 = tpu.vector_load %arg12[%swap3A_267, %swap3A_268] {strides = array<i32>} : memref<16x128xf32, #tpu.memory_space<vmem>>, vector<16xf32>,
    tpu.vector_store %arg12[%swap3A_267, %swap3A_268], %broadcast_in_dim3A_0 {strides = array<i32>} : memref<16x128xf32, #tpu.memory_space<vmem>>, vector<16xf32>,
    %swap3A_270 = arith.constant 8 : i32
    %swap3A_271 = arith.index_cast %swap3A_270 : i32 to index
    %swap3A_272 = arith.constant 48 : index
    %swap3A_273 = tpu.vector_load %arg12[%swap3A_271, %swap3A_272] {strides = array<i32>} : memref<16x128xf32, #tpu.memory_space<vmem>>, vector<16xf32>,
    tpu.vector_store %arg12[%swap3A_271, %swap3A_272], %broadcast_in_dim3A_0 {strides = array<i32>} : memref<16x128xf32, #tpu.memory_space<vmem>>, vector<16xf32>,
    %swap3A_274 = arith.constant 8 : i32
    %swap3A_275 = arith.index_cast %swap3A_274 : i32 to index
    %swap3A_276 = arith.constant 64 : index
    %swap3A_277 = tpu.vector_load %arg12[%swap3A_275, %swap3A_276] {strides = array<i32>} : memref<16x128xf32, #tpu.memory_space<vmem>>, vector<16xf32>,
    tpu.vector_store %arg12[%swap3A_275, %swap3A_276], %broadcast_in_dim3A_0 {strides = array<i32>} : memref<16x128xf32, #tpu.memory_space<vmem>>, vector<16xf32>,
    %swap3A_278 = arith.constant 8 : i32
    %swap3A_279 = arith.index_cast %swap3A_278 : i32 to index
    %swap3A_280 = arith.constant 80 : index
    %swap3A_281 = tpu.vector_load %arg12[%swap3A_279, %swap3A_280] {strides = array<i32>} : memref<16x128xf32, #tpu.memory_space<vmem>>, vector<16xf32>,
    tpu.vector_store %arg12[%swap3A_279, %swap3A_280], %broadcast_in_dim3A_0 {strides = array<i32>} : memref<16x128xf32, #tpu.memory_space<vmem>>, vector<16xf32>,
    %swap3A_282 = arith.constant 8 : i32
    %swap3A_283 = arith.index_cast %swap3A_282 : i32 to index
    %swap3A_284 = arith.constant 96 : index
    %swap3A_285 = tpu.vector_load %arg12[%swap3A_283, %swap3A_284] {strides = array<i32>} : memref<16x128xf32, #tpu.memory_space<vmem>>, vector<16xf32>,
    tpu.vector_store %arg12[%swap3A_283, %swap3A_284], %broadcast_in_dim3A_0 {strides = array<i32>} : memref<16x128xf32, #tpu.memory_space<vmem>>, vector<16xf32>,
    %swap3A_286 = arith.constant 8 : i32
    %swap3A_287 = arith.index_cast %swap3A_286 : i32 to index
    %swap3A_288 = arith.constant 112 : index
    %swap3A_289 = tpu.vector_load %arg12[%swap3A_287, %swap3A_288] {strides = array<i32>} : memref<16x128xf32, #tpu.memory_space<vmem>>, vector<16xf32>,
    tpu.vector_store %arg12[%swap3A_287, %swap3A_288], %broadcast_in_dim3A_0 {strides = array<i32>} : memref<16x128xf32, #tpu.memory_space<vmem>>, vector<16xf32>,
    %swap3A_290 = arith.constant 9 : i32
    %swap3A_291 = arith.index_cast %swap3A_290 : i32 to index
    %swap3A_292 = arith.constant 0 : index
    %swap3A_293 = tpu.vector_load %arg12[%swap3A_291, %swap3A_292] {strides = array<i32>} : memref<16x128xf32, #tpu.memory_space<vmem>>, vector<16xf32>,
    tpu.vector_store %arg12[%swap3A_291, %swap3A_292], %broadcast_in_dim3A_0 {strides = array<i32>} : memref<16x128xf32, #tpu.memory_space<vmem>>, vector<16xf32>,
    %swap3A_294 = arith.constant 9 : i32
    %swap3A_295 = arith.index_cast %swap3A_294 : i32 to index
    %swap3A_296 = arith.constant 16 : index
    %swap3A_297 = tpu.vector_load %arg12[%swap3A_295, %swap3A_296] {strides = array<i32>} : memref<16x128xf32, #tpu.memory_space<vmem>>, vector<16xf32>,
    tpu.vector_store %arg12[%swap3A_295, %swap3A_296], %broadcast_in_dim3A_0 {strides = array<i32>} : memref<16x128xf32, #tpu.memory_space<vmem>>, vector<16xf32>,
    %swap3A_298 = arith.constant 9 : i32
    %swap3A_299 = arith.index_cast %swap3A_298 : i32 to index
    %swap3A_300 = arith.constant 32 : index
    %swap3A_301 = tpu.vector_load %arg12[%swap3A_299, %swap3A_300] {strides = array<i32>} : memref<16x128xf32, #tpu.memory_space<vmem>>, vector<16xf32>,
    tpu.vector_store %arg12[%swap3A_299, %swap3A_300], %broadcast_in_dim3A_0 {strides = array<i32>} : memref<16x128xf32, #tpu.memory_space<vmem>>, vector<16xf32>,
    %swap3A_302 = arith.constant 9 : i32
    %swap3A_303 = arith.index_cast %swap3A_302 : i32 to index
    %swap3A_304 = arith.constant 48 : index
    %swap3A_305 = tpu.vector_load %arg12[%swap3A_303, %swap3A_304] {strides = array<i32>} : memref<16x128xf32, #tpu.memory_space<vmem>>, vector<16xf32>,
    tpu.vector_store %arg12[%swap3A_303, %swap3A_304], %broadcast_in_dim3A_0 {strides = array<i32>} : memref<16x128xf32, #tpu.memory_space<vmem>>, vector<16xf32>,
    %swap3A_306 = arith.constant 9 : i32
    %swap3A_307 = arith.index_cast %swap3A_306 : i32 to index
    %swap3A_308 = arith.constant 64 : index
    %swap3A_309 = tpu.vector_load %arg12[%swap3A_307, %swap3A_308] {strides = array<i32>} : memref<16x128xf32, #tpu.memory_space<vmem>>, vector<16xf32>,
    tpu.vector_store %arg12[%swap3A_307, %swap3A_308], %broadcast_in_dim3A_0 {strides = array<i32>} : memref<16x128xf32, #tpu.memory_space<vmem>>, vector<16xf32>,
    %swap3A_310 = arith.constant 9 : i32
    %swap3A_311 = arith.index_cast %swap3A_310 : i32 to index
    %swap3A_312 = arith.constant 80 : index
    %swap3A_313 = tpu.vector_load %arg12[%swap3A_311, %swap3A_312] {strides = array<i32>} : memref<16x128xf32, #tpu.memory_space<vmem>>, vector<16xf32>,
    tpu.vector_store %arg12[%swap3A_311, %swap3A_312], %broadcast_in_dim3A_0 {strides = array<i32>} : memref<16x128xf32, #tpu.memory_space<vmem>>, vector<16xf32>,
    %swap3A_314 = arith.constant 9 : i32
    %swap3A_315 = arith.index_cast %swap3A_314 : i32 to index
    %swap3A_316 = arith.constant 96 : index
    %swap3A_317 = tpu.vector_load %arg12[%swap3A_315, %swap3A_316] {strides = array<i32>} : memref<16x128xf32, #tpu.memory_space<vmem>>, vector<16xf32>,
    tpu.vector_store %arg12[%swap3A_315, %swap3A_316], %broadcast_in_dim3A_0 {strides = array<i32>} : memref<16x128xf32, #tpu.memory_space<vmem>>, vector<16xf32>,
    %swap3A_318 = arith.constant 9 : i32
    %swap3A_319 = arith.index_cast %swap3A_318 : i32 to index
    %swap3A_320 = arith.constant 112 : index
    %swap3A_321 = tpu.vector_load %arg12[%swap3A_319, %swap3A_320] {strides = array<i32>} : memref<16x128xf32, #tpu.memory_space<vmem>>, vector<16xf32>,
    tpu.vector_store %arg12[%swap3A_319, %swap3A_320], %broadcast_in_dim3A_0 {strides = array<i32>} : memref<16x128xf32, #tpu.memory_space<vmem>>, vector<16xf32>,
    %swap3A_322 = arith.constant 10 : i32
    %swap3A_323 = arith.index_cast %swap3A_322 : i32 to index
    %swap3A_324 = arith.constant 0 : index
    %swap3A_325 = tpu.vector_load %arg12[%swap3A_323, %swap3A_324] {strides = array<i32>} : memref<16x128xf32, #tpu.memory_space<vmem>>, vector<16xf32>,
    tpu.vector_store %arg12[%swap3A_323, %swap3A_324], %broadcast_in_dim3A_0 {strides = array<i32>} : memref<16x128xf32, #tpu.memory_space<vmem>>, vector<16xf32>,
    %swap3A_326 = arith.constant 10 : i32
    %swap3A_327 = arith.index_cast %swap3A_326 : i32 to index
    %swap3A_328 = arith.constant 16 : index
    %swap3A_329 = tpu.vector_load %arg12[%swap3A_327, %swap3A_328] {strides = array<i32>} : memref<16x128xf32, #tpu.memory_space<vmem>>, vector<16xf32>,
    tpu.vector_store %arg12[%swap3A_327, %swap3A_328], %broadcast_in_dim3A_0 {strides = array<i32>} : memref<16x128xf32, #tpu.memory_space<vmem>>, vector<16xf32>,
    %swap3A_330 = arith.constant 10 : i32
    %swap3A_331 = arith.index_cast %swap3A_330 : i32 to index
    %swap3A_332 = arith.constant 32 : index
    %swap3A_333 = tpu.vector_load %arg12[%swap3A_331, %swap3A_332] {strides = array<i32>} : memref<16x128xf32, #tpu.memory_space<vmem>>, vector<16xf32>,
    tpu.vector_store %arg12[%swap3A_331, %swap3A_332], %broadcast_in_dim3A_0 {strides = array<i32>} : memref<16x128xf32, #tpu.memory_space<vmem>>, vector<16xf32>,
    %swap3A_334 = arith.constant 10 : i32
    %swap3A_335 = arith.index_cast %swap3A_334 : i32 to index
    %swap3A_336 = arith.constant 48 : index
    %swap3A_337 = tpu.vector_load %arg12[%swap3A_335, %swap3A_336] {strides = array<i32>} : memref<16x128xf32, #tpu.memory_space<vmem>>, vector<16xf32>,
    tpu.vector_store %arg12[%swap3A_335, %swap3A_336], %broadcast_in_dim3A_0 {strides = array<i32>} : memref<16x128xf32, #tpu.memory_space<vmem>>, vector<16xf32>,
    %swap3A_338 = arith.constant 10 : i32
    %swap3A_339 = arith.index_cast %swap3A_338 : i32 to index
    %swap3A_340 = arith.constant 64 : index
    %swap3A_341 = tpu.vector_load %arg12[%swap3A_339, %swap3A_340] {strides = array<i32>} : memref<16x128xf32, #tpu.memory_space<vmem>>, vector<16xf32>,
    tpu.vector_store %arg12[%swap3A_339, %swap3A_340], %broadcast_in_dim3A_0 {strides = array<i32>} : memref<16x128xf32, #tpu.memory_space<vmem>>, vector<16xf32>,
    %swap3A_342 = arith.constant 10 : i32
    %swap3A_343 = arith.index_cast %swap3A_342 : i32 to index
    %swap3A_344 = arith.constant 80 : index
    %swap3A_345 = tpu.vector_load %arg12[%swap3A_343, %swap3A_344] {strides = array<i32>} : memref<16x128xf32, #tpu.memory_space<vmem>>, vector<16xf32>,
    tpu.vector_store %arg12[%swap3A_343, %swap3A_344], %broadcast_in_dim3A_0 {strides = array<i32>} : memref<16x128xf32, #tpu.memory_space<vmem>>, vector<16xf32>,
    %swap3A_346 = arith.constant 10 : i32
    %swap3A_347 = arith.index_cast %swap3A_346 : i32 to index
    %swap3A_348 = arith.constant 96 : index
    %swap3A_349 = tpu.vector_load %arg12[%swap3A_347, %swap3A_348] {strides = array<i32>} : memref<16x128xf32, #tpu.memory_space<vmem>>, vector<16xf32>,
    tpu.vector_store %arg12[%swap3A_347, %swap3A_348], %broadcast_in_dim3A_0 {strides = array<i32>} : memref<16x128xf32, #tpu.memory_space<vmem>>, vector<16xf32>,
    %swap3A_350 = arith.constant 10 : i32
    %swap3A_351 = arith.index_cast %swap3A_350 : i32 to index
    %swap3A_352 = arith.constant 112 : index
    %swap3A_353 = tpu.vector_load %arg12[%swap3A_351, %swap3A_352] {strides = array<i32>} : memref<16x128xf32, #tpu.memory_space<vmem>>, vector<16xf32>,
    tpu.vector_store %arg12[%swap3A_351, %swap3A_352], %broadcast_in_dim3A_0 {strides = array<i32>} : memref<16x128xf32, #tpu.memory_space<vmem>>, vector<16xf32>,
    %swap3A_354 = arith.constant 11 : i32
    %swap3A_355 = arith.index_cast %swap3A_354 : i32 to index
    %swap3A_356 = arith.constant 0 : index
    %swap3A_357 = tpu.vector_load %arg12[%swap3A_355, %swap3A_356] {strides = array<i32>} : memref<16x128xf32, #tpu.memory_space<vmem>>, vector<16xf32>,
    tpu.vector_store %arg12[%swap3A_355, %swap3A_356], %broadcast_in_dim3A_0 {strides = array<i32>} : memref<16x128xf32, #tpu.memory_space<vmem>>, vector<16xf32>,
    %swap3A_358 = arith.constant 11 : i32
    %swap3A_359 = arith.index_cast %swap3A_358 : i32 to index
    %swap3A_360 = arith.constant 16 : index
    %swap3A_361 = tpu.vector_load %arg12[%swap3A_359, %swap3A_360] {strides = array<i32>} : memref<16x128xf32, #tpu.memory_space<vmem>>, vector<16xf32>,
    tpu.vector_store %arg12[%swap3A_359, %swap3A_360], %broadcast_in_dim3A_0 {strides = array<i32>} : memref<16x128xf32, #tpu.memory_space<vmem>>, vector<16xf32>,
    %swap3A_362 = arith.constant 11 : i32
    %swap3A_363 = arith.index_cast %swap3A_362 : i32 to index
    %swap3A_364 = arith.constant 32 : index
    %swap3A_365 = tpu.vector_load %arg12[%swap3A_363, %swap3A_364] {strides = array<i32>} : memref<16x128xf32, #tpu.memory_space<vmem>>, vector<16xf32>,
    tpu.vector_store %arg12[%swap3A_363, %swap3A_364], %broadcast_in_dim3A_0 {strides = array<i32>} : memref<16x128xf32, #tpu.memory_space<vmem>>, vector<16xf32>,
    %swap3A_366 = arith.constant 11 : i32
    %swap3A_367 = arith.index_cast %swap3A_366 : i32 to index
    %swap3A_368 = arith.constant 48 : index
    %swap3A_369 = tpu.vector_load %arg12[%swap3A_367, %swap3A_368] {strides = array<i32>} : memref<16x128xf32, #tpu.memory_space<vmem>>, vector<16xf32>,
    tpu.vector_store %arg12[%swap3A_367, %swap3A_368], %broadcast_in_dim3A_0 {strides = array<i32>} : memref<16x128xf32, #tpu.memory_space<vmem>>, vector<16xf32>,
    %swap3A_370 = arith.constant 11 : i32
    %swap3A_371 = arith.index_cast %swap3A_370 : i32 to index
    %swap3A_372 = arith.constant 64 : index
    %swap3A_373 = tpu.vector_load %arg12[%swap3A_371, %swap3A_372] {strides = array<i32>} : memref<16x128xf32, #tpu.memory_space<vmem>>, vector<16xf32>,
    tpu.vector_store %arg12[%swap3A_371, %swap3A_372], %broadcast_in_dim3A_0 {strides = array<i32>} : memref<16x128xf32, #tpu.memory_space<vmem>>, vector<16xf32>,
    %swap3A_374 = arith.constant 11 : i32
    %swap3A_375 = arith.index_cast %swap3A_374 : i32 to index
    %swap3A_376 = arith.constant 80 : index
    %swap3A_377 = tpu.vector_load %arg12[%swap3A_375, %swap3A_376] {strides = array<i32>} : memref<16x128xf32, #tpu.memory_space<vmem>>, vector<16xf32>,
    tpu.vector_store %arg12[%swap3A_375, %swap3A_376], %broadcast_in_dim3A_0 {strides = array<i32>} : memref<16x128xf32, #tpu.memory_space<vmem>>, vector<16xf32>,
    %swap3A_378 = arith.constant 11 : i32
    %swap3A_379 = arith.index_cast %swap3A_378 : i32 to index
    %swap3A_380 = arith.constant 96 : index
    %swap3A_381 = tpu.vector_load %arg12[%swap3A_379, %swap3A_380] {strides = array<i32>} : memref<16x128xf32, #tpu.memory_space<vmem>>, vector<16xf32>,
    tpu.vector_store %arg12[%swap3A_379, %swap3A_380], %broadcast_in_dim3A_0 {strides = array<i32>} : memref<16x128xf32, #tpu.memory_space<vmem>>, vector<16xf32>,
    %swap3A_382 = arith.constant 11 : i32
    %swap3A_383 = arith.index_cast %swap3A_382 : i32 to index
    %swap3A_384 = arith.constant 112 : index
    %swap3A_385 = tpu.vector_load %arg12[%swap3A_383, %swap3A_384] {strides = array<i32>} : memref<16x128xf32, #tpu.memory_space<vmem>>, vector<16xf32>,
    tpu.vector_store %arg12[%swap3A_383, %swap3A_384], %broadcast_in_dim3A_0 {strides = array<i32>} : memref<16x128xf32, #tpu.memory_space<vmem>>, vector<16xf32>,
    %swap3A_386 = arith.constant 12 : i32
    %swap3A_387 = arith.index_cast %swap3A_386 : i32 to index
    %swap3A_388 = arith.constant 0 : index
    %swap3A_389 = tpu.vector_load %arg12[%swap3A_387, %swap3A_388] {strides = array<i32>} : memref<16x128xf32, #tpu.memory_space<vmem>>, vector<16xf32>,
    tpu.vector_store %arg12[%swap3A_387, %swap3A_388], %broadcast_in_dim3A_0 {strides = array<i32>} : memref<16x128xf32, #tpu.memory_space<vmem>>, vector<16xf32>,
    %swap3A_390 = arith.constant 12 : i32
    %swap3A_391 = arith.index_cast %swap3A_390 : i32 to index
    %swap3A_392 = arith.constant 16 : index
    %swap3A_393 = tpu.vector_load %arg12[%swap3A_391, %swap3A_392] {strides = array<i32>} : memref<16x128xf32, #tpu.memory_space<vmem>>, vector<16xf32>,
    tpu.vector_store %arg12[%swap3A_391, %swap3A_392], %broadcast_in_dim3A_0 {strides = array<i32>} : memref<16x128xf32, #tpu.memory_space<vmem>>, vector<16xf32>,
    %swap3A_394 = arith.constant 12 : i32
    %swap3A_395 = arith.index_cast %swap3A_394 : i32 to index
    %swap3A_396 = arith.constant 32 : index
    %swap3A_397 = tpu.vector_load %arg12[%swap3A_395, %swap3A_396] {strides = array<i32>} : memref<16x128xf32, #tpu.memory_space<vmem>>, vector<16xf32>,
    tpu.vector_store %arg12[%swap3A_395, %swap3A_396], %broadcast_in_dim3A_0 {strides = array<i32>} : memref<16x128xf32, #tpu.memory_space<vmem>>, vector<16xf32>,
    %swap3A_398 = arith.constant 12 : i32
    %swap3A_399 = arith.index_cast %swap3A_398 : i32 to index
    %swap3A_400 = arith.constant 48 : index
    %swap3A_401 = tpu.vector_load %arg12[%swap3A_399, %swap3A_400] {strides = array<i32>} : memref<16x128xf32, #tpu.memory_space<vmem>>, vector<16xf32>,
    tpu.vector_store %arg12[%swap3A_399, %swap3A_400], %broadcast_in_dim3A_0 {strides = array<i32>} : memref<16x128xf32, #tpu.memory_space<vmem>>, vector<16xf32>,
    %swap3A_402 = arith.constant 12 : i32
    %swap3A_403 = arith.index_cast %swap3A_402 : i32 to index
    %swap3A_404 = arith.constant 64 : index
    %swap3A_405 = tpu.vector_load %arg12[%swap3A_403, %swap3A_404] {strides = array<i32>} : memref<16x128xf32, #tpu.memory_space<vmem>>, vector<16xf32>,
    tpu.vector_store %arg12[%swap3A_403, %swap3A_404], %broadcast_in_dim3A_0 {strides = array<i32>} : memref<16x128xf32, #tpu.memory_space<vmem>>, vector<16xf32>,
    %swap3A_406 = arith.constant 12 : i32
    %swap3A_407 = arith.index_cast %swap3A_406 : i32 to index
    %swap3A_408 = arith.constant 80 : index
    %swap3A_409 = tpu.vector_load %arg12[%swap3A_407, %swap3A_408] {strides = array<i32>} : memref<16x128xf32, #tpu.memory_space<vmem>>, vector<16xf32>,
    tpu.vector_store %arg12[%swap3A_407, %swap3A_408], %broadcast_in_dim3A_0 {strides = array<i32>} : memref<16x128xf32, #tpu.memory_space<vmem>>, vector<16xf32>,
    %swap3A_410 = arith.constant 12 : i32
    %swap3A_411 = arith.index_cast %swap3A_410 : i32 to index
    %swap3A_412 = arith.constant 96 : index
    %swap3A_413 = tpu.vector_load %arg12[%swap3A_411, %swap3A_412] {strides = array<i32>} : memref<16x128xf32, #tpu.memory_space<vmem>>, vector<16xf32>,
    tpu.vector_store %arg12[%swap3A_411, %swap3A_412], %broadcast_in_dim3A_0 {strides = array<i32>} : memref<16x128xf32, #tpu.memory_space<vmem>>, vector<16xf32>,
    %swap3A_414 = arith.constant 12 : i32
    %swap3A_415 = arith.index_cast %swap3A_414 : i32 to index
    %swap3A_416 = arith.constant 112 : index
    %swap3A_417 = tpu.vector_load %arg12[%swap3A_415, %swap3A_416] {strides = array<i32>} : memref<16x128xf32, #tpu.memory_space<vmem>>, vector<16xf32>,
    tpu.vector_store %arg12[%swap3A_415, %swap3A_416], %broadcast_in_dim3A_0 {strides = array<i32>} : memref<16x128xf32, #tpu.memory_space<vmem>>, vector<16xf32>,
    %swap3A_418 = arith.constant 13 : i32
    %swap3A_419 = arith.index_cast %swap3A_418 : i32 to index
    %swap3A_420 = arith.constant 0 : index
    %swap3A_421 = tpu.vector_load %arg12[%swap3A_419, %swap3A_420] {strides = array<i32>} : memref<16x128xf32, #tpu.memory_space<vmem>>, vector<16xf32>,
    tpu.vector_store %arg12[%swap3A_419, %swap3A_420], %broadcast_in_dim3A_0 {strides = array<i32>} : memref<16x128xf32, #tpu.memory_space<vmem>>, vector<16xf32>,
    %swap3A_422 = arith.constant 13 : i32
    %swap3A_423 = arith.index_cast %swap3A_422 : i32 to index
    %swap3A_424 = arith.constant 16 : index
    %swap3A_425 = tpu.vector_load %arg12[%swap3A_423, %swap3A_424] {strides = array<i32>} : memref<16x128xf32, #tpu.memory_space<vmem>>, vector<16xf32>,
    tpu.vector_store %arg12[%swap3A_423, %swap3A_424], %broadcast_in_dim3A_0 {strides = array<i32>} : memref<16x128xf32, #tpu.memory_space<vmem>>, vector<16xf32>,
    %swap3A_426 = arith.constant 13 : i32
    %swap3A_427 = arith.index_cast %swap3A_426 : i32 to index
    %swap3A_428 = arith.constant 32 : index
    %swap3A_429 = tpu.vector_load %arg12[%swap3A_427, %swap3A_428] {strides = array<i32>} : memref<16x128xf32, #tpu.memory_space<vmem>>, vector<16xf32>,
    tpu.vector_store %arg12[%swap3A_427, %swap3A_428], %broadcast_in_dim3A_0 {strides = array<i32>} : memref<16x128xf32, #tpu.memory_space<vmem>>, vector<16xf32>,
    %swap3A_430 = arith.constant 13 : i32
    %swap3A_431 = arith.index_cast %swap3A_430 : i32 to index
    %swap3A_432 = arith.constant 48 : index
    %swap3A_433 = tpu.vector_load %arg12[%swap3A_431, %swap3A_432] {strides = array<i32>} : memref<16x128xf32, #tpu.memory_space<vmem>>, vector<16xf32>,
    tpu.vector_store %arg12[%swap3A_431, %swap3A_432], %broadcast_in_dim3A_0 {strides = array<i32>} : memref<16x128xf32, #tpu.memory_space<vmem>>, vector<16xf32>,
    %swap3A_434 = arith.constant 13 : i32
    %swap3A_435 = arith.index_cast %swap3A_434 : i32 to index
    %swap3A_436 = arith.constant 64 : index
    %swap3A_437 = tpu.vector_load %arg12[%swap3A_435, %swap3A_436] {strides = array<i32>} : memref<16x128xf32, #tpu.memory_space<vmem>>, vector<16xf32>,
    tpu.vector_store %arg12[%swap3A_435, %swap3A_436], %broadcast_in_dim3A_0 {strides = array<i32>} : memref<16x128xf32, #tpu.memory_space<vmem>>, vector<16xf32>,
    %swap3A_438 = arith.constant 13 : i32
    %swap3A_439 = arith.index_cast %swap3A_438 : i32 to index
    %swap3A_440 = arith.constant 80 : index
    %swap3A_441 = tpu.vector_load %arg12[%swap3A_439, %swap3A_440] {strides = array<i32>} : memref<16x128xf32, #tpu.memory_space<vmem>>, vector<16xf32>,
    tpu.vector_store %arg12[%swap3A_439, %swap3A_440], %broadcast_in_dim3A_0 {strides = array<i32>} : memref<16x128xf32, #tpu.memory_space<vmem>>, vector<16xf32>,
    %swap3A_442 = arith.constant 13 : i32
    %swap3A_443 = arith.index_cast %swap3A_442 : i32 to index
    %swap3A_444 = arith.constant 96 : index
    %swap3A_445 = tpu.vector_load %arg12[%swap3A_443, %swap3A_444] {strides = array<i32>} : memref<16x128xf32, #tpu.memory_space<vmem>>, vector<16xf32>,
    tpu.vector_store %arg12[%swap3A_443, %swap3A_444], %broadcast_in_dim3A_0 {strides = array<i32>} : memref<16x128xf32, #tpu.memory_space<vmem>>, vector<16xf32>,
    %swap3A_446 = arith.constant 13 : i32
    %swap3A_447 = arith.index_cast %swap3A_446 : i32 to index
    %swap3A_448 = arith.constant 112 : index
    %swap3A_449 = tpu.vector_load %arg12[%swap3A_447, %swap3A_448] {strides = array<i32>} : memref<16x128xf32, #tpu.memory_space<vmem>>, vector<16xf32>,
    tpu.vector_store %arg12[%swap3A_447, %swap3A_448], %broadcast_in_dim3A_0 {strides = array<i32>} : memref<16x128xf32, #tpu.memory_space<vmem>>, vector<16xf32>,
    %swap3A_450 = arith.constant 14 : i32
    %swap3A_451 = arith.index_cast %swap3A_450 : i32 to index
    %swap3A_452 = arith.constant 0 : index
    %swap3A_453 = tpu.vector_load %arg12[%swap3A_451, %swap3A_452] {strides = array<i32>} : memref<16x128xf32, #tpu.memory_space<vmem>>, vector<16xf32>,
    tpu.vector_store %arg12[%swap3A_451, %swap3A_452], %broadcast_in_dim3A_0 {strides = array<i32>} : memref<16x128xf32, #tpu.memory_space<vmem>>, vector<16xf32>,
    %swap3A_454 = arith.constant 14 : i32
    %swap3A_455 = arith.index_cast %swap3A_454 : i32 to index
    %swap3A_456 = arith.constant 16 : index
    %swap3A_457 = tpu.vector_load %arg12[%swap3A_455, %swap3A_456] {strides = array<i32>} : memref<16x128xf32, #tpu.memory_space<vmem>>, vector<16xf32>,
    tpu.vector_store %arg12[%swap3A_455, %swap3A_456], %broadcast_in_dim3A_0 {strides = array<i32>} : memref<16x128xf32, #tpu.memory_space<vmem>>, vector<16xf32>,
    %swap3A_458 = arith.constant 14 : i32
    %swap3A_459 = arith.index_cast %swap3A_458 : i32 to index
    %swap3A_460 = arith.constant 32 : index
    %swap3A_461 = tpu.vector_load %arg12[%swap3A_459, %swap3A_460] {strides = array<i32>} : memref<16x128xf32, #tpu.memory_space<vmem>>, vector<16xf32>,
    tpu.vector_store %arg12[%swap3A_459, %swap3A_460], %broadcast_in_dim3A_0 {strides = array<i32>} : memref<16x128xf32, #tpu.memory_space<vmem>>, vector<16xf32>,
    %swap3A_462 = arith.constant 14 : i32
    %swap3A_463 = arith.index_cast %swap3A_462 : i32 to index
    %swap3A_464 = arith.constant 48 : index
    %swap3A_465 = tpu.vector_load %arg12[%swap3A_463, %swap3A_464] {strides = array<i32>} : memref<16x128xf32, #tpu.memory_space<vmem>>, vector<16xf32>,
    tpu.vector_store %arg12[%swap3A_463, %swap3A_464], %broadcast_in_dim3A_0 {strides = array<i32>} : memref<16x128xf32, #tpu.memory_space<vmem>>, vector<16xf32>,
    %swap3A_466 = arith.constant 14 : i32
    %swap3A_467 = arith.index_cast %swap3A_466 : i32 to index
    %swap3A_468 = arith.constant 64 : index
    %swap3A_469 = tpu.vector_load %arg12[%swap3A_467, %swap3A_468] {strides = array<i32>} : memref<16x128xf32, #tpu.memory_space<vmem>>, vector<16xf32>,
    tpu.vector_store %arg12[%swap3A_467, %swap3A_468], %broadcast_in_dim3A_0 {strides = array<i32>} : memref<16x128xf32, #tpu.memory_space<vmem>>, vector<16xf32>,
    %swap3A_470 = arith.constant 14 : i32
    %swap3A_471 = arith.index_cast %swap3A_470 : i32 to index
    %swap3A_472 = arith.constant 80 : index
    %swap3A_473 = tpu.vector_load %arg12[%swap3A_471, %swap3A_472] {strides = array<i32>} : memref<16x128xf32, #tpu.memory_space<vmem>>, vector<16xf32>,
    tpu.vector_store %arg12[%swap3A_471, %swap3A_472], %broadcast_in_dim3A_0 {strides = array<i32>} : memref<16x128xf32, #tpu.memory_space<vmem>>, vector<16xf32>,
    %swap3A_474 = arith.constant 14 : i32
    %swap3A_475 = arith.index_cast %swap3A_474 : i32 to index
    %swap3A_476 = arith.constant 96 : index
    %swap3A_477 = tpu.vector_load %arg12[%swap3A_475, %swap3A_476] {strides = array<i32>} : memref<16x128xf32, #tpu.memory_space<vmem>>, vector<16xf32>,
    tpu.vector_store %arg12[%swap3A_475, %swap3A_476], %broadcast_in_dim3A_0 {strides = array<i32>} : memref<16x128xf32, #tpu.memory_space<vmem>>, vector<16xf32>,
    %swap3A_478 = arith.constant 14 : i32
    %swap3A_479 = arith.index_cast %swap3A_478 : i32 to index
    %swap3A_480 = arith.constant 112 : index
    %swap3A_481 = tpu.vector_load %arg12[%swap3A_479, %swap3A_480] {strides = array<i32>} : memref<16x128xf32, #tpu.memory_space<vmem>>, vector<16xf32>,
    tpu.vector_store %arg12[%swap3A_479, %swap3A_480], %broadcast_in_dim3A_0 {strides = array<i32>} : memref<16x128xf32, #tpu.memory_space<vmem>>, vector<16xf32>,
    %swap3A_482 = arith.constant 15 : i32
    %swap3A_483 = arith.index_cast %swap3A_482 : i32 to index
    %swap3A_484 = arith.constant 0 : index
    %swap3A_485 = tpu.vector_load %arg12[%swap3A_483, %swap3A_484] {strides = array<i32>} : memref<16x128xf32, #tpu.memory_space<vmem>>, vector<16xf32>,
    tpu.vector_store %arg12[%swap3A_483, %swap3A_484], %broadcast_in_dim3A_0 {strides = array<i32>} : memref<16x128xf32, #tpu.memory_space<vmem>>, vector<16xf32>,
    %swap3A_486 = arith.constant 15 : i32
    %swap3A_487 = arith.index_cast %swap3A_486 : i32 to index
    %swap3A_488 = arith.constant 16 : index
    %swap3A_489 = tpu.vector_load %arg12[%swap3A_487, %swap3A_488] {strides = array<i32>} : memref<16x128xf32, #tpu.memory_space<vmem>>, vector<16xf32>,
    tpu.vector_store %arg12[%swap3A_487, %swap3A_488], %broadcast_in_dim3A_0 {strides = array<i32>} : memref<16x128xf32, #tpu.memory_space<vmem>>, vector<16xf32>,
    %swap3A_490 = arith.constant 15 : i32
    %swap3A_491 = arith.index_cast %swap3A_490 : i32 to index
    %swap3A_492 = arith.constant 32 : index
    %swap3A_493 = tpu.vector_load %arg12[%swap3A_491, %swap3A_492] {strides = array<i32>} : memref<16x128xf32, #tpu.memory_space<vmem>>, vector<16xf32>,
    tpu.vector_store %arg12[%swap3A_491, %swap3A_492], %broadcast_in_dim3A_0 {strides = array<i32>} : memref<16x128xf32, #tpu.memory_space<vmem>>, vector<16xf32>,
    %swap3A_494 = arith.constant 15 : i32
    %swap3A_495 = arith.index_cast %swap3A_494 : i32 to index
    %swap3A_496 = arith.constant 48 : index
    %swap3A_497 = tpu.vector_load %arg12[%swap3A_495, %swap3A_496] {strides = array<i32>} : memref<16x128xf32, #tpu.memory_space<vmem>>, vector<16xf32>,
    tpu.vector_store %arg12[%swap3A_495, %swap3A_496], %broadcast_in_dim3A_0 {strides = array<i32>} : memref<16x128xf32, #tpu.memory_space<vmem>>, vector<16xf32>,
    %swap3A_498 = arith.constant 15 : i32
    %swap3A_499 = arith.index_cast %swap3A_498 : i32 to index
    %swap3A_500 = arith.constant 64 : index
    %swap3A_501 = tpu.vector_load %arg12[%swap3A_499, %swap3A_500] {strides = array<i32>} : memref<16x128xf32, #tpu.memory_space<vmem>>, vector<16xf32>,
    tpu.vector_store %arg12[%swap3A_499, %swap3A_500], %broadcast_in_dim3A_0 {strides = array<i32>} : memref<16x128xf32, #tpu.memory_space<vmem>>, vector<16xf32>,
    %swap3A_502 = arith.constant 15 : i32
    %swap3A_503 = arith.index_cast %swap3A_502 : i32 to index
    %swap3A_504 = arith.constant 80 : index
    %swap3A_505 = tpu.vector_load %arg12[%swap3A_503, %swap3A_504] {strides = array<i32>} : memref<16x128xf32, #tpu.memory_space<vmem>>, vector<16xf32>,
    tpu.vector_store %arg12[%swap3A_503, %swap3A_504], %broadcast_in_dim3A_0 {strides = array<i32>} : memref<16x128xf32, #tpu.memory_space<vmem>>, vector<16xf32>,
    %swap3A_506 = arith.constant 15 : i32
    %swap3A_507 = arith.index_cast %swap3A_506 : i32 to index
    %swap3A_508 = arith.constant 96 : index
    %swap3A_509 = tpu.vector_load %arg12[%swap3A_507, %swap3A_508] {strides = array<i32>} : memref<16x128xf32, #tpu.memory_space<vmem>>, vector<16xf32>,
    tpu.vector_store %arg12[%swap3A_507, %swap3A_508], %broadcast_in_dim3A_0 {strides = array<i32>} : memref<16x128xf32, #tpu.memory_space<vmem>>, vector<16xf32>,
    %swap3A_510 = arith.constant 15 : i32
    %swap3A_511 = arith.index_cast %swap3A_510 : i32 to index
    %swap3A_512 = arith.constant 112 : index
    %swap3A_513 = tpu.vector_load %arg12[%swap3A_511, %swap3A_512] {strides = array<i32>} : memref<16x128xf32, #tpu.memory_space<vmem>>, vector<16xf32>,
    tpu.vector_store %arg12[%swap3A_511, %swap3A_512], %broadcast_in_dim3A_0 {strides = array<i32>} : memref<16x128xf32, #tpu.memory_space<vmem>>, vector<16xf32>,
    %scan3A = arith.constant 0 : i32
    %scan3A_514 = arith.constant 0 : i32
    %scan3A_515 = arith.constant 320 : i32
    %scan3A_516 = arith.addi %scan3A_514, %scan3A_515 : i32
    %scan3A_517 = arith.constant 1 : i32
    scf.for %scan3A_535 = %scan3A_514 to %scan3A_516 step %scan3A_517  : i32 {
      %mul3A_536 = arith.constant 16 : i32
      %mul3A_537 = arith.muli %scan3A_535, %mul3A_536 : i32
      %swap3A_538 = arith.index_cast %mul3A_537 : i32 to index
      %swap3A_539 = tpu.vector_load %arg13[%swap3A_538] {strides = array<i32>} : memref<5120xf32, #tpu.memory_space<vmem>>, vector<16xf32>,
      tpu.vector_store %arg13[%swap3A_538], %broadcast_in_dim3A_0 {strides = array<i32>} : memref<5120xf32, #tpu.memory_space<vmem>>, vector<16xf32>,
    }
    %scan3A_518 = arith.constant 320 : i32
    %scan3A_519 = arith.constant 0 : i32
    %scan3A_520 = arith.constant 0 : i32
    %scan3A_521 = arith.constant 20 : i32
    %scan3A_522 = arith.addi %scan3A_520, %scan3A_521 : i32
    %scan3A_523 = arith.constant 1 : i32
    scf.for %scan3A_535 = %scan3A_520 to %scan3A_522 step %scan3A_523  : i32 {
      %mul3A_536 = arith.constant 320 : i32
      %mul3A_537 = arith.muli %arg1, %mul3A_536 : i32
      %mul3A_538 = arith.constant 16 : i32
      %mul3A_539 = arith.muli %scan3A_535, %mul3A_538 : i32
      %add3A = arith.addi %mul3A_537, %mul3A_539 : i32
      "tpu.region"() ({
        %run_scoped3A = tpu.sem_alloc : memref<!tpu.dma_semaphore, #tpu.memory_space<semaphore_mem>>
        %dma_start3A = arith.constant 0 : i32
        %dma_start3A_540 = tpu.memref_slice %arg14[%add3A, %dma_start3A] : memref<5120x128xf32, #tpu.memory_space<vmem_shared>> -> memref<16x128xf32, #tpu.memory_space<vmem_shared>>
        %dma_start3A_541 = arith.constant 0 : i32
        %dma_start3A_542 = tpu.memref_slice %arg14[%add3A, %dma_start3A_541] : memref<5120x128xf32, #tpu.memory_space<vmem_shared>> -> memref<16x128xf32, #tpu.memory_space<vmem_shared>>
        tpu.enqueue_dma source(%arg12 : memref<16x128xf32, #tpu.memory_space<vmem>>) target(%dma_start3A_542 : memref<16x128xf32, #tpu.memory_space<vmem_shared>>) target_semaphore(%run_scoped3A : memref<!tpu.dma_semaphore, #tpu.memory_space<semaphore_mem>>)
        %dma_wait3A = arith.constant 0 : i32
        %dma_wait3A_543 = tpu.memref_slice %arg14[%add3A, %dma_wait3A] : memref<5120x128xf32, #tpu.memory_space<vmem_shared>> -> memref<16x128xf32, #tpu.memory_space<vmem_shared>>
        %dma_wait3A_544 = arith.constant 0 : i32
        %dma_wait3A_545 = tpu.memref_slice %arg14[%add3A, %dma_wait3A_544] : memref<5120x128xf32, #tpu.memory_space<vmem_shared>> -> memref<16x128xf32, #tpu.memory_space<vmem_shared>>
        tpu.wait_dma2 semaphore(%run_scoped3A : memref<!tpu.dma_semaphore, #tpu.memory_space<semaphore_mem>>) src(%arg12 : memref<16x128xf32, #tpu.memory_space<vmem>>) dst(%dma_wait3A_545 : memref<16x128xf32, #tpu.memory_space<vmem_shared>>)
        tpu.yield
      }) : () -> ()
    }
    %scan3A_524 = arith.constant 20 : i32
    "tpu.trace_stop"() : () -> ()
    %barrier3A = arith.constant 0 : index
    tpu.barrier barrier_id(%barrier3A)
    %eq3A = arith.constant 0 : i32
    %eq3A_525 = arith.cmpi eq, %arg0, %eq3A : i32
    %convert_element_type3A = arith.extui %eq3A_525 : i1 to i32
    %cond3A = arith.constant 0 : i32
    %cond3A_526 = arith.cmpi ne, %convert_element_type3A, %cond3A : i32
    scf.if %cond3A_526 {
      "tpu.trace_start"() <{level = 10 : i32, message = "stage_idx"}> : () -> ()
      "tpu.region"() ({
        %run_scoped3A = tpu.sem_alloc : memref<!tpu.dma_semaphore, #tpu.memory_space<semaphore_mem>>
        %dma_start3A = arith.constant 0 : i32
        %dma_start3A_541 = arith.constant 0 : i32
        %dma_start3A_542 = tpu.memref_slice %arg9[%dma_start3A, %dma_start3A_541] : memref<94x128xi32, #tpu.memory_space<vmem>> -> memref<94x128xi32, #tpu.memory_space<vmem>>
        %dma_start3A_543 = arith.constant 0 : i32
        %dma_start3A_544 = arith.constant 0 : i32
        %dma_start3A_545 = tpu.memref_slice %arg3[%arg1, %dma_start3A_543, %dma_start3A_544] : memref<16x94x128xi32, #tpu.memory_space<hbm>> -> memref<1x94x128xi32, #tpu.memory_space<hbm>>
        %dma_start3A_546 = tpu.memref_squeeze %dma_start3A_545 : memref<1x94x128xi32, #tpu.memory_space<hbm>> -> memref<94x128xi32, #tpu.memory_space<hbm>>
        %dma_start3A_547 = arith.constant 0 : i32
        %dma_start3A_548 = arith.constant 0 : i32
        %dma_start3A_549 = tpu.memref_slice %arg9[%dma_start3A_547, %dma_start3A_548] : memref<94x128xi32, #tpu.memory_space<vmem>> -> memref<94x128xi32, #tpu.memory_space<vmem>>
        %dma_start3A_550 = arith.constant 0 : i32
        %dma_start3A_551 = arith.constant 0 : i32
        %dma_start3A_552 = tpu.memref_slice %arg3[%arg1, %dma_start3A_550, %dma_start3A_551] : memref<16x94x128xi32, #tpu.memory_space<hbm>> -> memref<1x94x128xi32, #tpu.memory_space<hbm>>
        %dma_start3A_553 = tpu.memref_squeeze %dma_start3A_552 : memref<1x94x128xi32, #tpu.memory_space<hbm>> -> memref<94x128xi32, #tpu.memory_space<hbm>>
        tpu.enqueue_dma source(%dma_start3A_553 : memref<94x128xi32, #tpu.memory_space<hbm>>) target(%dma_start3A_549 : memref<94x128xi32, #tpu.memory_space<vmem>>) target_semaphore(%run_scoped3A : memref<!tpu.dma_semaphore, #tpu.memory_space<semaphore_mem>>)
        %dma_wait3A = arith.constant 0 : i32
        %dma_wait3A_554 = arith.constant 0 : i32
        %dma_wait3A_555 = tpu.memref_slice %arg9[%dma_wait3A, %dma_wait3A_554] : memref<94x128xi32, #tpu.memory_space<vmem>> -> memref<94x128xi32, #tpu.memory_space<vmem>>
        %dma_wait3A_556 = arith.constant 0 : i32
        %dma_wait3A_557 = arith.constant 0 : i32
        %dma_wait3A_558 = tpu.memref_slice %arg3[%arg1, %dma_wait3A_556, %dma_wait3A_557] : memref<16x94x128xi32, #tpu.memory_space<hbm>> -> memref<1x94x128xi32, #tpu.memory_space<hbm>>
        %dma_wait3A_559 = tpu.memref_squeeze %dma_wait3A_558 : memref<1x94x128xi32, #tpu.memory_space<hbm>> -> memref<94x128xi32, #tpu.memory_space<hbm>>
        %dma_wait3A_560 = arith.constant 0 : i32
        %dma_wait3A_561 = arith.constant 0 : i32
        %dma_wait3A_562 = tpu.memref_slice %arg9[%dma_wait3A_560, %dma_wait3A_561] : memref<94x128xi32, #tpu.memory_space<vmem>> -> memref<94x128xi32, #tpu.memory_space<vmem>>
        %dma_wait3A_563 = arith.constant 0 : i32
        %dma_wait3A_564 = arith.constant 0 : i32
        %dma_wait3A_565 = tpu.memref_slice %arg3[%arg1, %dma_wait3A_563, %dma_wait3A_564] : memref<16x94x128xi32, #tpu.memory_space<hbm>> -> memref<1x94x128xi32, #tpu.memory_space<hbm>>
        %dma_wait3A_566 = tpu.memref_squeeze %dma_wait3A_565 : memref<1x94x128xi32, #tpu.memory_space<hbm>> -> memref<94x128xi32, #tpu.memory_space<hbm>>
        tpu.wait_dma2 semaphore(%run_scoped3A : memref<!tpu.dma_semaphore, #tpu.memory_space<semaphore_mem>>) src(%dma_wait3A_566 : memref<94x128xi32, #tpu.memory_space<hbm>>) dst(%dma_wait3A_562 : memref<94x128xi32, #tpu.memory_space<vmem>>)
        tpu.yield
      }) : () -> ()
      "tpu.region"() ({
        %run_scoped3A = tpu.sem_alloc : memref<!tpu.dma_semaphore, #tpu.memory_space<semaphore_mem>>
        %dma_start3A = arith.constant 0 : i32
        %dma_start3A_541 = arith.constant 0 : i32
        %dma_start3A_542 = tpu.memref_slice %arg10[%dma_start3A, %dma_start3A_541] : memref<94x128xi32, #tpu.memory_space<vmem>> -> memref<94x128xi32, #tpu.memory_space<vmem>>
        %dma_start3A_543 = arith.constant 0 : i32
        %dma_start3A_544 = arith.constant 0 : i32
        %dma_start3A_545 = tpu.memref_slice %arg4[%arg1, %dma_start3A_543, %dma_start3A_544] : memref<16x94x128xi32, #tpu.memory_space<hbm>> -> memref<1x94x128xi32, #tpu.memory_space<hbm>>
        %dma_start3A_546 = tpu.memref_squeeze %dma_start3A_545 : memref<1x94x128xi32, #tpu.memory_space<hbm>> -> memref<94x128xi32, #tpu.memory_space<hbm>>
        %dma_start3A_547 = arith.constant 0 : i32
        %dma_start3A_548 = arith.constant 0 : i32
        %dma_start3A_549 = tpu.memref_slice %arg10[%dma_start3A_547, %dma_start3A_548] : memref<94x128xi32, #tpu.memory_space<vmem>> -> memref<94x128xi32, #tpu.memory_space<vmem>>
        %dma_start3A_550 = arith.constant 0 : i32
        %dma_start3A_551 = arith.constant 0 : i32
        %dma_start3A_552 = tpu.memref_slice %arg4[%arg1, %dma_start3A_550, %dma_start3A_551] : memref<16x94x128xi32, #tpu.memory_space<hbm>> -> memref<1x94x128xi32, #tpu.memory_space<hbm>>
        %dma_start3A_553 = tpu.memref_squeeze %dma_start3A_552 : memref<1x94x128xi32, #tpu.memory_space<hbm>> -> memref<94x128xi32, #tpu.memory_space<hbm>>
        tpu.enqueue_dma source(%dma_start3A_553 : memref<94x128xi32, #tpu.memory_space<hbm>>) target(%dma_start3A_549 : memref<94x128xi32, #tpu.memory_space<vmem>>) target_semaphore(%run_scoped3A : memref<!tpu.dma_semaphore, #tpu.memory_space<semaphore_mem>>)
        %dma_wait3A = arith.constant 0 : i32
        %dma_wait3A_554 = arith.constant 0 : i32
        %dma_wait3A_555 = tpu.memref_slice %arg10[%dma_wait3A, %dma_wait3A_554] : memref<94x128xi32, #tpu.memory_space<vmem>> -> memref<94x128xi32, #tpu.memory_space<vmem>>
        %dma_wait3A_556 = arith.constant 0 : i32
        %dma_wait3A_557 = arith.constant 0 : i32
        %dma_wait3A_558 = tpu.memref_slice %arg4[%arg1, %dma_wait3A_556, %dma_wait3A_557] : memref<16x94x128xi32, #tpu.memory_space<hbm>> -> memref<1x94x128xi32, #tpu.memory_space<hbm>>
        %dma_wait3A_559 = tpu.memref_squeeze %dma_wait3A_558 : memref<1x94x128xi32, #tpu.memory_space<hbm>> -> memref<94x128xi32, #tpu.memory_space<hbm>>
        %dma_wait3A_560 = arith.constant 0 : i32
        %dma_wait3A_561 = arith.constant 0 : i32
        %dma_wait3A_562 = tpu.memref_slice %arg10[%dma_wait3A_560, %dma_wait3A_561] : memref<94x128xi32, #tpu.memory_space<vmem>> -> memref<94x128xi32, #tpu.memory_space<vmem>>
        %dma_wait3A_563 = arith.constant 0 : i32
        %dma_wait3A_564 = arith.constant 0 : i32
        %dma_wait3A_565 = tpu.memref_slice %arg4[%arg1, %dma_wait3A_563, %dma_wait3A_564] : memref<16x94x128xi32, #tpu.memory_space<hbm>> -> memref<1x94x128xi32, #tpu.memory_space<hbm>>
        %dma_wait3A_566 = tpu.memref_squeeze %dma_wait3A_565 : memref<1x94x128xi32, #tpu.memory_space<hbm>> -> memref<94x128xi32, #tpu.memory_space<hbm>>
        tpu.wait_dma2 semaphore(%run_scoped3A : memref<!tpu.dma_semaphore, #tpu.memory_space<semaphore_mem>>) src(%dma_wait3A_566 : memref<94x128xi32, #tpu.memory_space<hbm>>) dst(%dma_wait3A_562 : memref<94x128xi32, #tpu.memory_space<vmem>>)
        tpu.yield
      }) : () -> ()
      "tpu.trace_stop"() : () -> ()
      "tpu.trace_start"() <{level = 10 : i32, message = "edge_loop"}> : () -> ()
      %scan3A_535 = arith.constant 0 : i32
      %scan3A_536 = arith.constant 0 : i32
      %scan3A_537 = arith.constant 94 : i32
      %scan3A_538 = arith.addi %scan3A_536, %scan3A_537 : i32
      %scan3A_539 = arith.constant 1 : i32
      scf.for %scan3A_541 = %scan3A_536 to %scan3A_538 step %scan3A_539  : i32 {
        %dma_start3A = arith.constant 0 : i32
        %dma_start3A_542 = tpu.memref_slice %arg9[%scan3A_541, %dma_start3A] : memref<94x128xi32, #tpu.memory_space<vmem>> -> memref<1x128xi32, #tpu.memory_space<vmem>>
        %dma_start3A_543 = tpu.memref_squeeze %dma_start3A_542 : memref<1x128xi32, #tpu.memory_space<vmem>> -> memref<128xi32, #tpu.memory_space<vmem>>
        %dma_start3A_544 = arith.constant 0 : i32
        %dma_start3A_545 = arith.constant 0 : i32
        %dma_start3A_546 = tpu.memref_slice %arg2[%dma_start3A_544, %dma_start3A_545] : memref<10000x128xf32, #tpu.memory_space<hbm>> -> memref<10000x128xf32, #tpu.memory_space<hbm>>
        tpu.enqueue_indirect_dma source(%dma_start3A_546 : memref<10000x128xf32, #tpu.memory_space<hbm>>) target(%arg11 : memref<128x128xf32, #tpu.memory_space<vmem>>) offsets(%dma_start3A_543 : memref<128xi32, #tpu.memory_space<vmem>>) semaphore(%arg15 : memref<!tpu.dma_semaphore, #tpu.memory_space<semaphore_mem>>)
        %dma_wait3A = arith.constant 0 : i32
        %dma_wait3A_547 = tpu.memref_slice %arg9[%scan3A_541, %dma_wait3A] : memref<94x128xi32, #tpu.memory_space<vmem>> -> memref<1x128xi32, #tpu.memory_space<vmem>>
        %dma_wait3A_548 = tpu.memref_squeeze %dma_wait3A_547 : memref<1x128xi32, #tpu.memory_space<vmem>> -> memref<128xi32, #tpu.memory_space<vmem>>
        %dma_wait3A_549 = arith.constant 0 : i32
        %dma_wait3A_550 = arith.constant 0 : i32
        %dma_wait3A_551 = tpu.memref_slice %arg2[%dma_wait3A_549, %dma_wait3A_550] : memref<10000x128xf32, #tpu.memory_space<hbm>> -> memref<10000x128xf32, #tpu.memory_space<hbm>>
        tpu.wait_indirect_dma semaphore(%arg15 : memref<!tpu.dma_semaphore, #tpu.memory_space<semaphore_mem>>) src(%dma_wait3A_551 : memref<10000x128xf32, #tpu.memory_space<hbm>>) dst(%arg11 : memref<128x128xf32, #tpu.memory_space<vmem>>)
        "tpu.region"() ({
          %run_scoped3A = tpu.sem_alloc : memref<!tpu.dma_semaphore, #tpu.memory_space<semaphore_mem>>
          %dma_start3A_575 = arith.constant 0 : i32
          %dma_start3A_576 = tpu.memref_slice %arg10[%scan3A_541, %dma_start3A_575] : memref<94x128xi32, #tpu.memory_space<vmem>> -> memref<1x128xi32, #tpu.memory_space<vmem>>
          %dma_start3A_577 = tpu.memref_squeeze %dma_start3A_576 : memref<1x128xi32, #tpu.memory_space<vmem>> -> memref<128xi32, #tpu.memory_space<vmem>>
          %dma_start3A_578 = arith.constant 0 : i32
          %dma_start3A_579 = arith.constant 0 : i32
          %dma_start3A_580 = tpu.memref_slice %arg14[%dma_start3A_578, %dma_start3A_579] : memref<5120x128xf32, #tpu.memory_space<vmem_shared>> -> memref<5120x128xf32, #tpu.memory_space<vmem_shared>>
          tpu.enqueue_indirect_dma source(%arg11 : memref<128x128xf32, #tpu.memory_space<vmem>>) target(%dma_start3A_580 : memref<5120x128xf32, #tpu.memory_space<vmem_shared>>) offsets(%dma_start3A_577 : memref<128xi32, #tpu.memory_space<vmem>>) semaphore(%run_scoped3A : memref<!tpu.dma_semaphore, #tpu.memory_space<semaphore_mem>>) {add = true}
          %dma_wait3A_581 = arith.constant 0 : i32
          %dma_wait3A_582 = tpu.memref_slice %arg10[%scan3A_541, %dma_wait3A_581] : memref<94x128xi32, #tpu.memory_space<vmem>> -> memref<1x128xi32, #tpu.memory_space<vmem>>
          %dma_wait3A_583 = tpu.memref_squeeze %dma_wait3A_582 : memref<1x128xi32, #tpu.memory_space<vmem>> -> memref<128xi32, #tpu.memory_space<vmem>>
          %dma_wait3A_584 = arith.constant 0 : i32
          %dma_wait3A_585 = arith.constant 0 : i32
          %dma_wait3A_586 = tpu.memref_slice %arg14[%dma_wait3A_584, %dma_wait3A_585] : memref<5120x128xf32, #tpu.memory_space<vmem_shared>> -> memref<5120x128xf32, #tpu.memory_space<vmem_shared>>
          tpu.wait_indirect_dma semaphore(%run_scoped3A : memref<!tpu.dma_semaphore, #tpu.memory_space<semaphore_mem>>) src(%arg11 : memref<128x128xf32, #tpu.memory_space<vmem>>) dst(%dma_wait3A_586 : memref<5120x128xf32, #tpu.memory_space<vmem_shared>>)
          tpu.yield
        }) : () -> ()
        %get3A = arith.index_cast %scan3A_541 : i32 to index
        %get3A_552 = arith.constant 0 : index
        %get3A_553 = tpu.vector_load %arg10[%get3A, %get3A_552] {strides = array<i32>} : memref<94x128xi32, #tpu.memory_space<vmem>>, vector<16xi32>,
        tpu.vector_store_idx %arg13[%get3A_553], %broadcast_in_dim3A_2 {add = true} : memref<5120xf32, #tpu.memory_space<vmem>>[vector<16xi32>], vector<16xf32>,
        %get3A_554 = arith.index_cast %scan3A_541 : i32 to index
        %get3A_555 = arith.constant 16 : index
        %get3A_556 = tpu.vector_load %arg10[%get3A_554, %get3A_555] {strides = array<i32>} : memref<94x128xi32, #tpu.memory_space<vmem>>, vector<16xi32>,
        tpu.vector_store_idx %arg13[%get3A_556], %broadcast_in_dim3A_2 {add = true} : memref<5120xf32, #tpu.memory_space<vmem>>[vector<16xi32>], vector<16xf32>,
        %get3A_557 = arith.index_cast %scan3A_541 : i32 to index
        %get3A_558 = arith.constant 32 : index
        %get3A_559 = tpu.vector_load %arg10[%get3A_557, %get3A_558] {strides = array<i32>} : memref<94x128xi32, #tpu.memory_space<vmem>>, vector<16xi32>,
        tpu.vector_store_idx %arg13[%get3A_559], %broadcast_in_dim3A_2 {add = true} : memref<5120xf32, #tpu.memory_space<vmem>>[vector<16xi32>], vector<16xf32>,
        %get3A_560 = arith.index_cast %scan3A_541 : i32 to index
        %get3A_561 = arith.constant 48 : index
        %get3A_562 = tpu.vector_load %arg10[%get3A_560, %get3A_561] {strides = array<i32>} : memref<94x128xi32, #tpu.memory_space<vmem>>, vector<16xi32>,
        tpu.vector_store_idx %arg13[%get3A_562], %broadcast_in_dim3A_2 {add = true} : memref<5120xf32, #tpu.memory_space<vmem>>[vector<16xi32>], vector<16xf32>,
        %get3A_563 = arith.index_cast %scan3A_541 : i32 to index
        %get3A_564 = arith.constant 64 : index
        %get3A_565 = tpu.vector_load %arg10[%get3A_563, %get3A_564] {strides = array<i32>} : memref<94x128xi32, #tpu.memory_space<vmem>>, vector<16xi32>,
        tpu.vector_store_idx %arg13[%get3A_565], %broadcast_in_dim3A_2 {add = true} : memref<5120xf32, #tpu.memory_space<vmem>>[vector<16xi32>], vector<16xf32>,
        %get3A_566 = arith.index_cast %scan3A_541 : i32 to index
        %get3A_567 = arith.constant 80 : index
        %get3A_568 = tpu.vector_load %arg10[%get3A_566, %get3A_567] {strides = array<i32>} : memref<94x128xi32, #tpu.memory_space<vmem>>, vector<16xi32>,
        tpu.vector_store_idx %arg13[%get3A_568], %broadcast_in_dim3A_2 {add = true} : memref<5120xf32, #tpu.memory_space<vmem>>[vector<16xi32>], vector<16xf32>,
        %get3A_569 = arith.index_cast %scan3A_541 : i32 to index
        %get3A_570 = arith.constant 96 : index
        %get3A_571 = tpu.vector_load %arg10[%get3A_569, %get3A_570] {strides = array<i32>} : memref<94x128xi32, #tpu.memory_space<vmem>>, vector<16xi32>,
        tpu.vector_store_idx %arg13[%get3A_571], %broadcast_in_dim3A_2 {add = true} : memref<5120xf32, #tpu.memory_space<vmem>>[vector<16xi32>], vector<16xf32>,
        %get3A_572 = arith.index_cast %scan3A_541 : i32 to index
        %get3A_573 = arith.constant 112 : index
        %get3A_574 = tpu.vector_load %arg10[%get3A_572, %get3A_573] {strides = array<i32>} : memref<94x128xi32, #tpu.memory_space<vmem>>, vector<16xi32>,
        tpu.vector_store_idx %arg13[%get3A_574], %broadcast_in_dim3A_2 {add = true} : memref<5120xf32, #tpu.memory_space<vmem>>[vector<16xi32>], vector<16xf32>,
      }
      %scan3A_540 = arith.constant 94 : i32
      "tpu.trace_stop"() : () -> ()
    } else {
    }
    %ne3A = arith.constant 0 : i32
    %ne3A_527 = arith.cmpi ne, %arg0, %ne3A : i32
    %convert_element_type3A_528 = arith.extui %ne3A_527 : i1 to i32
    %cond3A_529 = arith.constant 0 : i32
    %cond3A_530 = arith.cmpi ne, %convert_element_type3A_528, %cond3A_529 : i32
    scf.if %cond3A_530 {
      "tpu.trace_start"() <{level = 10 : i32, message = "stage_idx"}> : () -> ()
      "tpu.region"() ({
        %run_scoped3A = tpu.sem_alloc : memref<!tpu.dma_semaphore, #tpu.memory_space<semaphore_mem>>
        %dma_start3A = arith.constant 0 : i32
        %dma_start3A_541 = arith.constant 0 : i32
        %dma_start3A_542 = tpu.memref_slice %arg9[%dma_start3A, %dma_start3A_541] : memref<94x128xi32, #tpu.memory_space<vmem>> -> memref<63x128xi32, #tpu.memory_space<vmem>>
        %dma_start3A_543 = arith.constant 0 : i32
        %dma_start3A_544 = arith.constant 0 : i32
        %dma_start3A_545 = tpu.memref_slice %arg5[%arg1, %dma_start3A_543, %dma_start3A_544] : memref<16x63x128xi32, #tpu.memory_space<hbm>> -> memref<1x63x128xi32, #tpu.memory_space<hbm>>
        %dma_start3A_546 = tpu.memref_squeeze %dma_start3A_545 : memref<1x63x128xi32, #tpu.memory_space<hbm>> -> memref<63x128xi32, #tpu.memory_space<hbm>>
        %dma_start3A_547 = arith.constant 0 : i32
        %dma_start3A_548 = arith.constant 0 : i32
        %dma_start3A_549 = tpu.memref_slice %arg9[%dma_start3A_547, %dma_start3A_548] : memref<94x128xi32, #tpu.memory_space<vmem>> -> memref<63x128xi32, #tpu.memory_space<vmem>>
        %dma_start3A_550 = arith.constant 0 : i32
        %dma_start3A_551 = arith.constant 0 : i32
        %dma_start3A_552 = tpu.memref_slice %arg5[%arg1, %dma_start3A_550, %dma_start3A_551] : memref<16x63x128xi32, #tpu.memory_space<hbm>> -> memref<1x63x128xi32, #tpu.memory_space<hbm>>
        %dma_start3A_553 = tpu.memref_squeeze %dma_start3A_552 : memref<1x63x128xi32, #tpu.memory_space<hbm>> -> memref<63x128xi32, #tpu.memory_space<hbm>>
        tpu.enqueue_dma source(%dma_start3A_553 : memref<63x128xi32, #tpu.memory_space<hbm>>) target(%dma_start3A_549 : memref<63x128xi32, #tpu.memory_space<vmem>>) target_semaphore(%run_scoped3A : memref<!tpu.dma_semaphore, #tpu.memory_space<semaphore_mem>>)
        %dma_wait3A = arith.constant 0 : i32
        %dma_wait3A_554 = arith.constant 0 : i32
        %dma_wait3A_555 = tpu.memref_slice %arg9[%dma_wait3A, %dma_wait3A_554] : memref<94x128xi32, #tpu.memory_space<vmem>> -> memref<63x128xi32, #tpu.memory_space<vmem>>
        %dma_wait3A_556 = arith.constant 0 : i32
        %dma_wait3A_557 = arith.constant 0 : i32
        %dma_wait3A_558 = tpu.memref_slice %arg5[%arg1, %dma_wait3A_556, %dma_wait3A_557] : memref<16x63x128xi32, #tpu.memory_space<hbm>> -> memref<1x63x128xi32, #tpu.memory_space<hbm>>
        %dma_wait3A_559 = tpu.memref_squeeze %dma_wait3A_558 : memref<1x63x128xi32, #tpu.memory_space<hbm>> -> memref<63x128xi32, #tpu.memory_space<hbm>>
        %dma_wait3A_560 = arith.constant 0 : i32
        %dma_wait3A_561 = arith.constant 0 : i32
        %dma_wait3A_562 = tpu.memref_slice %arg9[%dma_wait3A_560, %dma_wait3A_561] : memref<94x128xi32, #tpu.memory_space<vmem>> -> memref<63x128xi32, #tpu.memory_space<vmem>>
        %dma_wait3A_563 = arith.constant 0 : i32
        %dma_wait3A_564 = arith.constant 0 : i32
        %dma_wait3A_565 = tpu.memref_slice %arg5[%arg1, %dma_wait3A_563, %dma_wait3A_564] : memref<16x63x128xi32, #tpu.memory_space<hbm>> -> memref<1x63x128xi32, #tpu.memory_space<hbm>>
        %dma_wait3A_566 = tpu.memref_squeeze %dma_wait3A_565 : memref<1x63x128xi32, #tpu.memory_space<hbm>> -> memref<63x128xi32, #tpu.memory_space<hbm>>
        tpu.wait_dma2 semaphore(%run_scoped3A : memref<!tpu.dma_semaphore, #tpu.memory_space<semaphore_mem>>) src(%dma_wait3A_566 : memref<63x128xi32, #tpu.memory_space<hbm>>) dst(%dma_wait3A_562 : memref<63x128xi32, #tpu.memory_space<vmem>>)
        tpu.yield
      }) : () -> ()
      "tpu.region"() ({
        %run_scoped3A = tpu.sem_alloc : memref<!tpu.dma_semaphore, #tpu.memory_space<semaphore_mem>>
        %dma_start3A = arith.constant 0 : i32
        %dma_start3A_541 = arith.constant 0 : i32
        %dma_start3A_542 = tpu.memref_slice %arg10[%dma_start3A, %dma_start3A_541] : memref<94x128xi32, #tpu.memory_space<vmem>> -> memref<63x128xi32, #tpu.memory_space<vmem>>
        %dma_start3A_543 = arith.constant 0 : i32
        %dma_start3A_544 = arith.constant 0 : i32
        %dma_start3A_545 = tpu.memref_slice %arg6[%arg1, %dma_start3A_543, %dma_start3A_544] : memref<16x63x128xi32, #tpu.memory_space<hbm>> -> memref<1x63x128xi32, #tpu.memory_space<hbm>>
        %dma_start3A_546 = tpu.memref_squeeze %dma_start3A_545 : memref<1x63x128xi32, #tpu.memory_space<hbm>> -> memref<63x128xi32, #tpu.memory_space<hbm>>
        %dma_start3A_547 = arith.constant 0 : i32
        %dma_start3A_548 = arith.constant 0 : i32
        %dma_start3A_549 = tpu.memref_slice %arg10[%dma_start3A_547, %dma_start3A_548] : memref<94x128xi32, #tpu.memory_space<vmem>> -> memref<63x128xi32, #tpu.memory_space<vmem>>
        %dma_start3A_550 = arith.constant 0 : i32
        %dma_start3A_551 = arith.constant 0 : i32
        %dma_start3A_552 = tpu.memref_slice %arg6[%arg1, %dma_start3A_550, %dma_start3A_551] : memref<16x63x128xi32, #tpu.memory_space<hbm>> -> memref<1x63x128xi32, #tpu.memory_space<hbm>>
        %dma_start3A_553 = tpu.memref_squeeze %dma_start3A_552 : memref<1x63x128xi32, #tpu.memory_space<hbm>> -> memref<63x128xi32, #tpu.memory_space<hbm>>
        tpu.enqueue_dma source(%dma_start3A_553 : memref<63x128xi32, #tpu.memory_space<hbm>>) target(%dma_start3A_549 : memref<63x128xi32, #tpu.memory_space<vmem>>) target_semaphore(%run_scoped3A : memref<!tpu.dma_semaphore, #tpu.memory_space<semaphore_mem>>)
        %dma_wait3A = arith.constant 0 : i32
        %dma_wait3A_554 = arith.constant 0 : i32
        %dma_wait3A_555 = tpu.memref_slice %arg10[%dma_wait3A, %dma_wait3A_554] : memref<94x128xi32, #tpu.memory_space<vmem>> -> memref<63x128xi32, #tpu.memory_space<vmem>>
        %dma_wait3A_556 = arith.constant 0 : i32
        %dma_wait3A_557 = arith.constant 0 : i32
        %dma_wait3A_558 = tpu.memref_slice %arg6[%arg1, %dma_wait3A_556, %dma_wait3A_557] : memref<16x63x128xi32, #tpu.memory_space<hbm>> -> memref<1x63x128xi32, #tpu.memory_space<hbm>>
        %dma_wait3A_559 = tpu.memref_squeeze %dma_wait3A_558 : memref<1x63x128xi32, #tpu.memory_space<hbm>> -> memref<63x128xi32, #tpu.memory_space<hbm>>
        %dma_wait3A_560 = arith.constant 0 : i32
        %dma_wait3A_561 = arith.constant 0 : i32
        %dma_wait3A_562 = tpu.memref_slice %arg10[%dma_wait3A_560, %dma_wait3A_561] : memref<94x128xi32, #tpu.memory_space<vmem>> -> memref<63x128xi32, #tpu.memory_space<vmem>>
        %dma_wait3A_563 = arith.constant 0 : i32
        %dma_wait3A_564 = arith.constant 0 : i32
        %dma_wait3A_565 = tpu.memref_slice %arg6[%arg1, %dma_wait3A_563, %dma_wait3A_564] : memref<16x63x128xi32, #tpu.memory_space<hbm>> -> memref<1x63x128xi32, #tpu.memory_space<hbm>>
        %dma_wait3A_566 = tpu.memref_squeeze %dma_wait3A_565 : memref<1x63x128xi32, #tpu.memory_space<hbm>> -> memref<63x128xi32, #tpu.memory_space<hbm>>
        tpu.wait_dma2 semaphore(%run_scoped3A : memref<!tpu.dma_semaphore, #tpu.memory_space<semaphore_mem>>) src(%dma_wait3A_566 : memref<63x128xi32, #tpu.memory_space<hbm>>) dst(%dma_wait3A_562 : memref<63x128xi32, #tpu.memory_space<vmem>>)
        tpu.yield
      }) : () -> ()
      "tpu.trace_stop"() : () -> ()
      "tpu.trace_start"() <{level = 10 : i32, message = "edge_loop"}> : () -> ()
      %scan3A_535 = arith.constant 0 : i32
      %scan3A_536 = arith.constant 0 : i32
      %scan3A_537 = arith.constant 63 : i32
      %scan3A_538 = arith.addi %scan3A_536, %scan3A_537 : i32
      %scan3A_539 = arith.constant 1 : i32
      scf.for %scan3A_541 = %scan3A_536 to %scan3A_538 step %scan3A_539  : i32 {
        %dma_start3A = arith.constant 0 : i32
        %dma_start3A_542 = tpu.memref_slice %arg9[%scan3A_541, %dma_start3A] : memref<94x128xi32, #tpu.memory_space<vmem>> -> memref<1x128xi32, #tpu.memory_space<vmem>>
        %dma_start3A_543 = tpu.memref_squeeze %dma_start3A_542 : memref<1x128xi32, #tpu.memory_space<vmem>> -> memref<128xi32, #tpu.memory_space<vmem>>
        %dma_start3A_544 = arith.constant 0 : i32
        %dma_start3A_545 = arith.constant 0 : i32
        %dma_start3A_546 = tpu.memref_slice %arg2[%dma_start3A_544, %dma_start3A_545] : memref<10000x128xf32, #tpu.memory_space<hbm>> -> memref<10000x128xf32, #tpu.memory_space<hbm>>
        tpu.enqueue_indirect_dma source(%dma_start3A_546 : memref<10000x128xf32, #tpu.memory_space<hbm>>) target(%arg11 : memref<128x128xf32, #tpu.memory_space<vmem>>) offsets(%dma_start3A_543 : memref<128xi32, #tpu.memory_space<vmem>>) semaphore(%arg15 : memref<!tpu.dma_semaphore, #tpu.memory_space<semaphore_mem>>)
        %dma_wait3A = arith.constant 0 : i32
        %dma_wait3A_547 = tpu.memref_slice %arg9[%scan3A_541, %dma_wait3A] : memref<94x128xi32, #tpu.memory_space<vmem>> -> memref<1x128xi32, #tpu.memory_space<vmem>>
        %dma_wait3A_548 = tpu.memref_squeeze %dma_wait3A_547 : memref<1x128xi32, #tpu.memory_space<vmem>> -> memref<128xi32, #tpu.memory_space<vmem>>
        %dma_wait3A_549 = arith.constant 0 : i32
        %dma_wait3A_550 = arith.constant 0 : i32
        %dma_wait3A_551 = tpu.memref_slice %arg2[%dma_wait3A_549, %dma_wait3A_550] : memref<10000x128xf32, #tpu.memory_space<hbm>> -> memref<10000x128xf32, #tpu.memory_space<hbm>>
        tpu.wait_indirect_dma semaphore(%arg15 : memref<!tpu.dma_semaphore, #tpu.memory_space<semaphore_mem>>) src(%dma_wait3A_551 : memref<10000x128xf32, #tpu.memory_space<hbm>>) dst(%arg11 : memref<128x128xf32, #tpu.memory_space<vmem>>)
        "tpu.region"() ({
          %run_scoped3A = tpu.sem_alloc : memref<!tpu.dma_semaphore, #tpu.memory_space<semaphore_mem>>
          %dma_start3A_575 = arith.constant 0 : i32
          %dma_start3A_576 = tpu.memref_slice %arg10[%scan3A_541, %dma_start3A_575] : memref<94x128xi32, #tpu.memory_space<vmem>> -> memref<1x128xi32, #tpu.memory_space<vmem>>
          %dma_start3A_577 = tpu.memref_squeeze %dma_start3A_576 : memref<1x128xi32, #tpu.memory_space<vmem>> -> memref<128xi32, #tpu.memory_space<vmem>>
          %dma_start3A_578 = arith.constant 0 : i32
          %dma_start3A_579 = arith.constant 0 : i32
          %dma_start3A_580 = tpu.memref_slice %arg14[%dma_start3A_578, %dma_start3A_579] : memref<5120x128xf32, #tpu.memory_space<vmem_shared>> -> memref<5120x128xf32, #tpu.memory_space<vmem_shared>>
          tpu.enqueue_indirect_dma source(%arg11 : memref<128x128xf32, #tpu.memory_space<vmem>>) target(%dma_start3A_580 : memref<5120x128xf32, #tpu.memory_space<vmem_shared>>) offsets(%dma_start3A_577 : memref<128xi32, #tpu.memory_space<vmem>>) semaphore(%run_scoped3A : memref<!tpu.dma_semaphore, #tpu.memory_space<semaphore_mem>>) {add = true}
          %dma_wait3A_581 = arith.constant 0 : i32
          %dma_wait3A_582 = tpu.memref_slice %arg10[%scan3A_541, %dma_wait3A_581] : memref<94x128xi32, #tpu.memory_space<vmem>> -> memref<1x128xi32, #tpu.memory_space<vmem>>
          %dma_wait3A_583 = tpu.memref_squeeze %dma_wait3A_582 : memref<1x128xi32, #tpu.memory_space<vmem>> -> memref<128xi32, #tpu.memory_space<vmem>>
          %dma_wait3A_584 = arith.constant 0 : i32
          %dma_wait3A_585 = arith.constant 0 : i32
          %dma_wait3A_586 = tpu.memref_slice %arg14[%dma_wait3A_584, %dma_wait3A_585] : memref<5120x128xf32, #tpu.memory_space<vmem_shared>> -> memref<5120x128xf32, #tpu.memory_space<vmem_shared>>
          tpu.wait_indirect_dma semaphore(%run_scoped3A : memref<!tpu.dma_semaphore, #tpu.memory_space<semaphore_mem>>) src(%arg11 : memref<128x128xf32, #tpu.memory_space<vmem>>) dst(%dma_wait3A_586 : memref<5120x128xf32, #tpu.memory_space<vmem_shared>>)
          tpu.yield
        }) : () -> ()
        %get3A = arith.index_cast %scan3A_541 : i32 to index
        %get3A_552 = arith.constant 0 : index
        %get3A_553 = tpu.vector_load %arg10[%get3A, %get3A_552] {strides = array<i32>} : memref<94x128xi32, #tpu.memory_space<vmem>>, vector<16xi32>,
        tpu.vector_store_idx %arg13[%get3A_553], %broadcast_in_dim3A_2 {add = true} : memref<5120xf32, #tpu.memory_space<vmem>>[vector<16xi32>], vector<16xf32>,
        %get3A_554 = arith.index_cast %scan3A_541 : i32 to index
        %get3A_555 = arith.constant 16 : index
        %get3A_556 = tpu.vector_load %arg10[%get3A_554, %get3A_555] {strides = array<i32>} : memref<94x128xi32, #tpu.memory_space<vmem>>, vector<16xi32>,
        tpu.vector_store_idx %arg13[%get3A_556], %broadcast_in_dim3A_2 {add = true} : memref<5120xf32, #tpu.memory_space<vmem>>[vector<16xi32>], vector<16xf32>,
        %get3A_557 = arith.index_cast %scan3A_541 : i32 to index
        %get3A_558 = arith.constant 32 : index
        %get3A_559 = tpu.vector_load %arg10[%get3A_557, %get3A_558] {strides = array<i32>} : memref<94x128xi32, #tpu.memory_space<vmem>>, vector<16xi32>,
        tpu.vector_store_idx %arg13[%get3A_559], %broadcast_in_dim3A_2 {add = true} : memref<5120xf32, #tpu.memory_space<vmem>>[vector<16xi32>], vector<16xf32>,
        %get3A_560 = arith.index_cast %scan3A_541 : i32 to index
        %get3A_561 = arith.constant 48 : index
        %get3A_562 = tpu.vector_load %arg10[%get3A_560, %get3A_561] {strides = array<i32>} : memref<94x128xi32, #tpu.memory_space<vmem>>, vector<16xi32>,
        tpu.vector_store_idx %arg13[%get3A_562], %broadcast_in_dim3A_2 {add = true} : memref<5120xf32, #tpu.memory_space<vmem>>[vector<16xi32>], vector<16xf32>,
        %get3A_563 = arith.index_cast %scan3A_541 : i32 to index
        %get3A_564 = arith.constant 64 : index
        %get3A_565 = tpu.vector_load %arg10[%get3A_563, %get3A_564] {strides = array<i32>} : memref<94x128xi32, #tpu.memory_space<vmem>>, vector<16xi32>,
        tpu.vector_store_idx %arg13[%get3A_565], %broadcast_in_dim3A_2 {add = true} : memref<5120xf32, #tpu.memory_space<vmem>>[vector<16xi32>], vector<16xf32>,
        %get3A_566 = arith.index_cast %scan3A_541 : i32 to index
        %get3A_567 = arith.constant 80 : index
        %get3A_568 = tpu.vector_load %arg10[%get3A_566, %get3A_567] {strides = array<i32>} : memref<94x128xi32, #tpu.memory_space<vmem>>, vector<16xi32>,
        tpu.vector_store_idx %arg13[%get3A_568], %broadcast_in_dim3A_2 {add = true} : memref<5120xf32, #tpu.memory_space<vmem>>[vector<16xi32>], vector<16xf32>,
        %get3A_569 = arith.index_cast %scan3A_541 : i32 to index
        %get3A_570 = arith.constant 96 : index
        %get3A_571 = tpu.vector_load %arg10[%get3A_569, %get3A_570] {strides = array<i32>} : memref<94x128xi32, #tpu.memory_space<vmem>>, vector<16xi32>,
        tpu.vector_store_idx %arg13[%get3A_571], %broadcast_in_dim3A_2 {add = true} : memref<5120xf32, #tpu.memory_space<vmem>>[vector<16xi32>], vector<16xf32>,
        %get3A_572 = arith.index_cast %scan3A_541 : i32 to index
        %get3A_573 = arith.constant 112 : index
        %get3A_574 = tpu.vector_load %arg10[%get3A_572, %get3A_573] {strides = array<i32>} : memref<94x128xi32, #tpu.memory_space<vmem>>, vector<16xi32>,
        tpu.vector_store_idx %arg13[%get3A_574], %broadcast_in_dim3A_2 {add = true} : memref<5120xf32, #tpu.memory_space<vmem>>[vector<16xi32>], vector<16xf32>,
      }
      %scan3A_540 = arith.constant 63 : i32
      "tpu.trace_stop"() : () -> ()
    } else {
    }
    %barrier3A_531 = arith.constant 0 : index
    tpu.barrier barrier_id(%barrier3A_531)
    "tpu.trace_start"() <{level = 10 : i32, message = "drain"}> : () -> ()
    %mul3A = arith.constant 320 : i32
    %mul3A_532 = arith.muli %arg1, %mul3A : i32
    %mul3A_533 = arith.constant 320 : i32
    %mul3A_534 = arith.muli %arg1, %mul3A_533 : i32
    "tpu.region"() ({
      %run_scoped3A = tpu.sem_alloc : memref<!tpu.dma_semaphore, #tpu.memory_space<semaphore_mem>>
      %dma_start3A = arith.constant 0 : i32
      %dma_start3A_535 = tpu.memref_slice %arg7[%arg0, %mul3A_534, %dma_start3A] : memref<2x5120x128xf32, #tpu.memory_space<hbm>> -> memref<1x320x128xf32, #tpu.memory_space<hbm>>
      %dma_start3A_536 = tpu.memref_squeeze %dma_start3A_535 : memref<1x320x128xf32, #tpu.memory_space<hbm>> -> memref<320x128xf32, #tpu.memory_space<hbm>>
      %dma_start3A_537 = arith.constant 0 : i32
      %dma_start3A_538 = tpu.memref_slice %arg14[%mul3A_532, %dma_start3A_537] : memref<5120x128xf32, #tpu.memory_space<vmem_shared>> -> memref<320x128xf32, #tpu.memory_space<vmem_shared>>
      tpu.enqueue_dma source(%dma_start3A_538 : memref<320x128xf32, #tpu.memory_space<vmem_shared>>) target(%dma_start3A_536 : memref<320x128xf32, #tpu.memory_space<hbm>>) target_semaphore(%run_scoped3A : memref<!tpu.dma_semaphore, #tpu.memory_space<semaphore_mem>>)
      %dma_wait3A = arith.constant 0 : i32
      %dma_wait3A_539 = tpu.memref_slice %arg7[%arg0, %mul3A_534, %dma_wait3A] : memref<2x5120x128xf32, #tpu.memory_space<hbm>> -> memref<1x320x128xf32, #tpu.memory_space<hbm>>
      %dma_wait3A_540 = tpu.memref_squeeze %dma_wait3A_539 : memref<1x320x128xf32, #tpu.memory_space<hbm>> -> memref<320x128xf32, #tpu.memory_space<hbm>>
      %dma_wait3A_541 = arith.constant 0 : i32
      %dma_wait3A_542 = tpu.memref_slice %arg14[%mul3A_532, %dma_wait3A_541] : memref<5120x128xf32, #tpu.memory_space<vmem_shared>> -> memref<320x128xf32, #tpu.memory_space<vmem_shared>>
      tpu.wait_dma2 semaphore(%run_scoped3A : memref<!tpu.dma_semaphore, #tpu.memory_space<semaphore_mem>>) src(%dma_wait3A_542 : memref<320x128xf32, #tpu.memory_space<vmem_shared>>) dst(%dma_wait3A_540 : memref<320x128xf32, #tpu.memory_space<hbm>>)
      tpu.yield
    }) : () -> ()
    "tpu.region"() ({
      %run_scoped3A = tpu.sem_alloc : memref<!tpu.dma_semaphore, #tpu.memory_space<semaphore_mem>>
      %dma_start3A = arith.constant 0 : i32
      %dma_start3A_535 = tpu.memref_slice %arg8[%arg0, %arg1, %dma_start3A] : memref<2x16x5120xf32, #tpu.memory_space<hbm>> -> memref<1x1x5120xf32, #tpu.memory_space<hbm>>
      %dma_start3A_536 = tpu.memref_squeeze %dma_start3A_535 : memref<1x1x5120xf32, #tpu.memory_space<hbm>> -> memref<5120xf32, #tpu.memory_space<hbm>>
      %dma_start3A_537 = arith.constant 0 : i32
      %dma_start3A_538 = tpu.memref_slice %arg8[%arg0, %arg1, %dma_start3A_537] : memref<2x16x5120xf32, #tpu.memory_space<hbm>> -> memref<1x1x5120xf32, #tpu.memory_space<hbm>>
      %dma_start3A_539 = tpu.memref_squeeze %dma_start3A_538 : memref<1x1x5120xf32, #tpu.memory_space<hbm>> -> memref<5120xf32, #tpu.memory_space<hbm>>
      tpu.enqueue_dma source(%arg13 : memref<5120xf32, #tpu.memory_space<vmem>>) target(%dma_start3A_539 : memref<5120xf32, #tpu.memory_space<hbm>>) target_semaphore(%run_scoped3A : memref<!tpu.dma_semaphore, #tpu.memory_space<semaphore_mem>>)
      %dma_wait3A = arith.constant 0 : i32
      %dma_wait3A_540 = tpu.memref_slice %arg8[%arg0, %arg1, %dma_wait3A] : memref<2x16x5120xf32, #tpu.memory_space<hbm>> -> memref<1x1x5120xf32, #tpu.memory_space<hbm>>
      %dma_wait3A_541 = tpu.memref_squeeze %dma_wait3A_540 : memref<1x1x5120xf32, #tpu.memory_space<hbm>> -> memref<5120xf32, #tpu.memory_space<hbm>>
      %dma_wait3A_542 = arith.constant 0 : i32
      %dma_wait3A_543 = tpu.memref_slice %arg8[%arg0, %arg1, %dma_wait3A_542] : memref<2x16x5120xf32, #tpu.memory_space<hbm>> -> memref<1x1x5120xf32, #tpu.memory_space<hbm>>
      %dma_wait3A_544 = tpu.memref_squeeze %dma_wait3A_543 : memref<1x1x5120xf32, #tpu.memory_space<hbm>> -> memref<5120xf32, #tpu.memory_space<hbm>>
      tpu.wait_dma2 semaphore(%run_scoped3A : memref<!tpu.dma_semaphore, #tpu.memory_space<semaphore_mem>>) src(%arg13 : memref<5120xf32, #tpu.memory_space<vmem>>) dst(%dma_wait3A_544 : memref<5120xf32, #tpu.memory_space<hbm>>)
      tpu.yield
    }) : () -> ()
    "tpu.trace_stop"() : () -> ()
    return
  }
}

module attributes {stable_mosaic.version = 14 : i64} {
  func.func @body(%arg0: memref<2x5120x128xf32, #tpu.memory_space<vmem>>, %arg1: memref<5120x32xf32, #tpu.memory_space<vmem>>, %arg2: memref<10000x128xf32, #tpu.memory_space<vmem>>, %arg3: memref<128x128xf32, #tpu.memory_space<vmem>>, %arg4: memref<128x128xf32, #tpu.memory_space<vmem>>, %arg5: memref<1x128xf32, #tpu.memory_space<vmem>>, %arg6: memref<128x48xf32, #tpu.memory_space<vmem>>, %arg7: memref<5120x48xf32, #tpu.memory_space<vmem>>, %arg8: memref<2500x128xf32, #tpu.memory_space<vmem>>) attributes {dimension_semantics = [], scalar_prefetch = 0 : i64, scratch_operands = 0 : i64, tpu.core_type = #tpu.core_type<tc>} {
    %get3A = arith.constant 0 : index
    %get3A_0 = arith.constant 0 : index
    %get3A_1 = arith.constant 0 : index
    %get3A_2 = vector.load %arg0[%get3A, %get3A_0, %get3A_1] : memref<2x5120x128xf32, #tpu.memory_space<vmem>>, vector<1x5120x128xf32>
    %get3A_3 = vector.shape_cast %get3A_2 : vector<1x5120x128xf32> to vector<5120x128xf32>
    %get3A_4 = arith.constant 1 : index
    %get3A_5 = arith.constant 0 : index
    %get3A_6 = arith.constant 0 : index
    %get3A_7 = vector.load %arg0[%get3A_4, %get3A_5, %get3A_6] : memref<2x5120x128xf32, #tpu.memory_space<vmem>>, vector<1x5120x128xf32>
    %get3A_8 = vector.shape_cast %get3A_7 : vector<1x5120x128xf32> to vector<5120x128xf32>
    %add3A = arith.addf %get3A_3, %get3A_8 : vector<5120x128xf32>
    %get3A_9 = arith.constant 0 : index
    %get3A_10 = arith.constant 0 : index
    %get3A_11 = vector.load %arg1[%get3A_9, %get3A_10] : memref<5120x32xf32, #tpu.memory_space<vmem>>, vector<5120x32xf32>
    %reduce_sum3A = arith.constant dense<0.000000e+00> : vector<5120xf32>
    %reduce_sum3A_12 = vector.multi_reduction <add>, %get3A_11, %reduce_sum3A [1] : vector<5120x32xf32> to vector<5120xf32>
    %broadcast_in_dim3A = vector.shape_cast %reduce_sum3A_12 : vector<5120xf32> to vector<5120x1xf32>
    %slice3A = vector.extract_strided_slice %add3A {offsets = [0, 0], sizes = [5000, 128], strides = [1, 1]} : vector<5120x128xf32> to vector<5000x128xf32>
    %slice3A_13 = vector.extract_strided_slice %broadcast_in_dim3A {offsets = [0, 0], sizes = [5000, 1], strides = [1, 1]} : vector<5120x1xf32> to vector<5000x1xf32>
    %max3A = arith.constant 1.000000e+00 : f32
    %max3A_14 = vector.broadcast %max3A : f32 to vector<5000x1xf32>
    %max3A_15 = arith.maximumf %slice3A_13, %max3A_14 : vector<5000x1xf32>
    %div3A = vector.broadcast %max3A_15 : vector<5000x1xf32> to vector<5000x128xf32>
    %div3A_16 = arith.divf %slice3A, %div3A : vector<5000x128xf32>
    %get3A_17 = arith.constant 0 : index
    %get3A_18 = arith.constant 0 : index
    %get3A_19 = vector.load %arg3[%get3A_17, %get3A_18] : memref<128x128xf32, #tpu.memory_space<vmem>>, vector<128x128xf32>
    %dot_general3A = arith.constant dense<0.000000e+00> : vector<5000x128xf32>
    %dot_general3A_20 = tpu.matmul %div3A_16, %get3A_19, %dot_general3A {dimension_numbers = #tpu.dot_dimension_numbers<[1], [0], [0], [1], [0, 0, 1, 1], [], []>, transpose_lhs_hint = false} : vector<5000x128xf32>, vector<128x128xf32>, vector<5000x128xf32> -> vector<5000x128xf32>
    %get3A_21 = arith.constant 0 : index
    %get3A_22 = arith.constant 0 : index
    %get3A_23 = vector.load %arg2[%get3A_21, %get3A_22] : memref<10000x128xf32, #tpu.memory_space<vmem>>, vector<5000x128xf32>
    %get3A_24 = arith.constant 0 : index
    %get3A_25 = arith.constant 0 : index
    %get3A_26 = vector.load %arg4[%get3A_24, %get3A_25] : memref<128x128xf32, #tpu.memory_space<vmem>>, vector<128x128xf32>
    %dot_general3A_27 = arith.constant dense<0.000000e+00> : vector<5000x128xf32>
    %dot_general3A_28 = tpu.matmul %get3A_23, %get3A_26, %dot_general3A_27 {dimension_numbers = #tpu.dot_dimension_numbers<[1], [0], [0], [1], [0, 0, 1, 1], [], []>, transpose_lhs_hint = false} : vector<5000x128xf32>, vector<128x128xf32>, vector<5000x128xf32> -> vector<5000x128xf32>
    %add3A_29 = arith.addf %dot_general3A_20, %dot_general3A_28 : vector<5000x128xf32>
    %get3A_30 = arith.constant 0 : index
    %get3A_31 = arith.constant 0 : index
    %get3A_32 = vector.load %arg5[%get3A_30, %get3A_31] : memref<1x128xf32, #tpu.memory_space<vmem>>, vector<1x128xf32>
    %add3A_33 = vector.broadcast %get3A_32 : vector<1x128xf32> to vector<5000x128xf32>
    %add3A_34 = arith.addf %add3A_29, %add3A_33 : vector<5000x128xf32>
    %max3A_35 = arith.constant 0.000000e+00 : f32
    %max3A_36 = vector.broadcast %max3A_35 : f32 to vector<5000x128xf32>
    %max3A_37 = arith.maximumf %add3A_34, %max3A_36 : vector<5000x128xf32>
    %get3A_38 = arith.constant 0 : index
    %get3A_39 = arith.constant 0 : index
    %get3A_40 = vector.load %arg6[%get3A_38, %get3A_39] : memref<128x48xf32, #tpu.memory_space<vmem>>, vector<128x48xf32>
    %dot_general3A_41 = arith.constant dense<0.000000e+00> : vector<5000x48xf32>
    %dot_general3A_42 = tpu.matmul %max3A_37, %get3A_40, %dot_general3A_41 {dimension_numbers = #tpu.dot_dimension_numbers<[1], [0], [0], [1], [0, 0, 1, 1], [], []>, transpose_lhs_hint = false} : vector<5000x128xf32>, vector<128x48xf32>, vector<5000x48xf32> -> vector<5000x48xf32>
    %iota3A = tpu.iota {dimensions = array<i32: 1>} : vector<5000x48xi32>
    %eq3A = arith.constant 47 : i32
    %eq3A_43 = vector.broadcast %eq3A : i32 to vector<5000x48xi32>
    %eq3A_44 = arith.cmpi eq, %iota3A, %eq3A_43 : vector<5000x48xi32>
    %jit3A = arith.constant 1.000000e+00 : f32
    %broadcast_in_dim3A_45 = vector.broadcast %jit3A : f32 to vector<5000x48xf32>
    %select_n3A = arith.select %eq3A_44, %broadcast_in_dim3A_45, %dot_general3A_42 : vector<5000x48xi1>, vector<5000x48xf32>
    %swap3A = arith.constant 0 : index
    %swap3A_46 = arith.constant 0 : index
    %swap3A_47 = vector.load %arg7[%swap3A, %swap3A_46] : memref<5120x48xf32, #tpu.memory_space<vmem>>, vector<5000x48xf32>
    tpu.vector_store %arg7[%swap3A, %swap3A_46], %select_n3A {strides = array<i32>} : memref<5120x48xf32, #tpu.memory_space<vmem>>, vector<5000x48xf32>,
    %broadcast_in_dim3A_48 = arith.constant 0.000000e+00 : f32
    %broadcast_in_dim3A_49 = vector.broadcast %broadcast_in_dim3A_48 : f32 to vector<120x48xf32>
    %swap3A_50 = arith.constant 5000 : index
    %swap3A_51 = arith.constant 0 : index
    %swap3A_52 = vector.load %arg7[%swap3A_50, %swap3A_51] : memref<5120x48xf32, #tpu.memory_space<vmem>>, vector<120x48xf32>
    tpu.vector_store %arg7[%swap3A_50, %swap3A_51], %broadcast_in_dim3A_49 {strides = array<i32>} : memref<5120x48xf32, #tpu.memory_space<vmem>>, vector<120x48xf32>,
    %slice3A_53 = vector.extract_strided_slice %max3A_37 {offsets = [0, 0], sizes = [2500, 128], strides = [1, 1]} : vector<5000x128xf32> to vector<2500x128xf32>
    %swap3A_54 = arith.constant 0 : index
    %swap3A_55 = arith.constant 0 : index
    %swap3A_56 = vector.load %arg8[%swap3A_54, %swap3A_55] : memref<2500x128xf32, #tpu.memory_space<vmem>>, vector<2500x128xf32>
    tpu.vector_store %arg8[%swap3A_54, %swap3A_55], %slice3A_53 {strides = array<i32>} : memref<2500x128xf32, #tpu.memory_space<vmem>>, vector<2500x128xf32>,
    return
  }
}

module attributes {stable_mosaic.version = 14 : i64} {
  func.func @body(%arg0: memref<2x2560x48xf32, #tpu.memory_space<vmem>>, %arg1: memref<2500x128xf32, #tpu.memory_space<vmem>>, %arg2: memref<128x47xf32, #tpu.memory_space<vmem>>, %arg3: memref<1x47xf32, #tpu.memory_space<vmem>>, %arg4: memref<2500x47xf32, #tpu.memory_space<vmem>>) attributes {dimension_semantics = [], scalar_prefetch = 0 : i64, scratch_operands = 0 : i64, tpu.core_type = #tpu.core_type<tc>} {
    %get3A = arith.constant 0 : index
    %get3A_0 = arith.constant 0 : index
    %get3A_1 = arith.constant 0 : index
    %get3A_2 = vector.load %arg0[%get3A, %get3A_0, %get3A_1] : memref<2x2560x48xf32, #tpu.memory_space<vmem>>, vector<1x2560x48xf32>
    %get3A_3 = vector.shape_cast %get3A_2 : vector<1x2560x48xf32> to vector<2560x48xf32>
    %get3A_4 = arith.constant 1 : index
    %get3A_5 = arith.constant 0 : index
    %get3A_6 = arith.constant 0 : index
    %get3A_7 = vector.load %arg0[%get3A_4, %get3A_5, %get3A_6] : memref<2x2560x48xf32, #tpu.memory_space<vmem>>, vector<1x2560x48xf32>
    %get3A_8 = vector.shape_cast %get3A_7 : vector<1x2560x48xf32> to vector<2560x48xf32>
    %add3A = arith.addf %get3A_3, %get3A_8 : vector<2560x48xf32>
    %slice3A = vector.extract_strided_slice %add3A {offsets = [0, 47], sizes = [2500, 1], strides = [1, 1]} : vector<2560x48xf32> to vector<2500x1xf32>
    %slice3A_9 = vector.extract_strided_slice %add3A {offsets = [0, 0], sizes = [2500, 47], strides = [1, 1]} : vector<2560x48xf32> to vector<2500x47xf32>
    %max3A = arith.constant 1.000000e+00 : f32
    %max3A_10 = vector.broadcast %max3A : f32 to vector<2500x1xf32>
    %max3A_11 = arith.maximumf %slice3A, %max3A_10 : vector<2500x1xf32>
    %div3A = vector.broadcast %max3A_11 : vector<2500x1xf32> to vector<2500x47xf32>
    %div3A_12 = arith.divf %slice3A_9, %div3A : vector<2500x47xf32>
    %get3A_13 = arith.constant 0 : index
    %get3A_14 = arith.constant 0 : index
    %get3A_15 = vector.load %arg1[%get3A_13, %get3A_14] : memref<2500x128xf32, #tpu.memory_space<vmem>>, vector<2500x128xf32>
    %get3A_16 = arith.constant 0 : index
    %get3A_17 = arith.constant 0 : index
    %get3A_18 = vector.load %arg2[%get3A_16, %get3A_17] : memref<128x47xf32, #tpu.memory_space<vmem>>, vector<128x47xf32>
    %dot_general3A = arith.constant dense<0.000000e+00> : vector<2500x47xf32>
    %dot_general3A_19 = tpu.matmul %get3A_15, %get3A_18, %dot_general3A {dimension_numbers = #tpu.dot_dimension_numbers<[1], [0], [0], [1], [0, 0, 1, 1], [], []>, transpose_lhs_hint = false} : vector<2500x128xf32>, vector<128x47xf32>, vector<2500x47xf32> -> vector<2500x47xf32>
    %add3A_20 = arith.addf %div3A_12, %dot_general3A_19 : vector<2500x47xf32>
    %get3A_21 = arith.constant 0 : index
    %get3A_22 = arith.constant 0 : index
    %get3A_23 = vector.load %arg3[%get3A_21, %get3A_22] : memref<1x47xf32, #tpu.memory_space<vmem>>, vector<1x47xf32>
    %add3A_24 = vector.broadcast %get3A_23 : vector<1x47xf32> to vector<2500x47xf32>
    %add3A_25 = arith.addf %add3A_20, %add3A_24 : vector<2500x47xf32>
    %reduce_max3A = arith.constant dense<0xFF800000> : vector<2500xf32>
    %reduce_max3A_26 = vector.multi_reduction <maximumf>, %add3A_25, %reduce_max3A [1] : vector<2500x47xf32> to vector<2500xf32>
    %broadcast_in_dim3A = vector.shape_cast %reduce_max3A_26 : vector<2500xf32> to vector<2500x1xf32>
    %sub3A = vector.broadcast %broadcast_in_dim3A : vector<2500x1xf32> to vector<2500x47xf32>
    %sub3A_27 = arith.subf %add3A_25, %sub3A : vector<2500x47xf32>
    %exp3A = math.exp %sub3A_27 : vector<2500x47xf32>
    %reduce_sum3A = arith.constant dense<0.000000e+00> : vector<2500xf32>
    %reduce_sum3A_28 = vector.multi_reduction <add>, %exp3A, %reduce_sum3A [1] : vector<2500x47xf32> to vector<2500xf32>
    %broadcast_in_dim3A_29 = vector.shape_cast %reduce_sum3A_28 : vector<2500xf32> to vector<2500x1xf32>
    %log3A = math.log %broadcast_in_dim3A_29 : vector<2500x1xf32>
    %add3A_30 = arith.addf %broadcast_in_dim3A, %log3A : vector<2500x1xf32>
    %sub3A_31 = vector.broadcast %add3A_30 : vector<2500x1xf32> to vector<2500x47xf32>
    %sub3A_32 = arith.subf %add3A_25, %sub3A_31 : vector<2500x47xf32>
    %swap3A = arith.constant 0 : index
    %swap3A_33 = arith.constant 0 : index
    %swap3A_34 = vector.load %arg4[%swap3A, %swap3A_33] : memref<2500x47xf32, #tpu.memory_space<vmem>>, vector<2500x47xf32>
    tpu.vector_store %arg4[%swap3A, %swap3A_33], %sub3A_32 {strides = array<i32>} : memref<2500x47xf32, #tpu.memory_space<vmem>>, vector<2500x47xf32>,
    return
  }
}

</mosaic_0001>

<sc_bundles>
// kernel: kernel.6.cloned.1.call-start
scs
__scs_entry_jumppad:
0x0: {  	(pc) =	sbr.rel $0x88, $3  }
0x1: {  	(tag) =	ssettag $0x0;
	lr =	simm.s32 $0x1  }
0x2: {  	[smem:$0x3F96] =	sst lr;
	_ =	strace $0xD0000000  }
0x3: {  	_ = 	snop  }
0x4: {  	_ = 	snop  }
0x5: {  	_ = 	snop  }
0x6: {  	_ = 	snop  }
0x7: {  	_ = 	snop  }
__scs_overlays_trampoline_lowered:
0x8: {  	[smem:$0x3FA5] =	sst s0  }
0x9: {  	[smem:$0x3FA6] =	sst s1  }
0xa: {  	[smem:$0x3FA7] =	sst s2  }
0xb: {  	[smem:$0x3FA8] =	sst s3  }
0xc: {  	[smem:$0x3FA9] =	sst s4  }
0xd: {  	[smem:$0x3FAA] =	sst s5  }
0xe: {  	[smem:$0x3FAB] =	sst s6  }
0xf: {  	[smem:$0x3FAC] =	sst s7  }
0x10: {  	[smem:$0x3FAD] =	sst s8  }
0x11: {  	[smem:$0x3FAE] =	sst s9;
	s0 =	simm.s32 @!p0 $0x0  }
0x12: {  	s1 =	sld [smem:$0x3F94];
	s0 =	simm.s32 @p0 $0x1  }
0x13: {  	[smem:$0x3FAF] =	sst s0;
	s0 =	simm.s32 @!p1 $0x0  }
0x14: {  	s2 =	sld [smem:$0x3F93];
	s0 =	simm.s32 @p1 $0x1  }
0x15: {  	[smem:$0x3FB0] =	sst s0;
	s0 =	simm.s32 @!p2 $0x0  }
0x16: {  	s3 =	sld [smem:$0x3FDB];
	s0 =	simm.s32 @p2 $0x1  }
0x17: {  	s4 =	simm.s32 $0x1BF5;
	[smem:$0x3FB2] =	sst s0  }
0x18: {  	s0 =	sld [smem:$0x3F95];
	_ =	swait.ge [sflag:s4], $0x0  }
0x19: {  	s7 =	sld [smem:$0x3F96]  }
0x1a: {  	s8 =	sadd.s32 $0xFFFFE003, lr  }
0x1b: {  	s9 =	sadd.s32 $0xFFFFFEF7, lr;
	s5 =	simm.s32 $0xFFFFFFFF;
	p2 =	slt.u32 s8, $0xFFFFF086  }
0x1c: {  	p1 =	slt.u32 s9, $0xF7A;
	s5 =	simm.s32 @!p2 $0x0  }
0x1d: {  	s5 =	simm.s32 @p1 $0x1;
	p0 =	seq.s32 s7, s2  }
0x1e: {  	s7 =	smul.u32 @!p0 $0xF7A, s2;
	p2 =	seq.s32 @!p0 s5, $0x0  }
0x1f: {  	s9 =	smul.u32 $0xF7A, s1;
	s8 =	simm.s32 @!p0 $0x1BF5;
	p2 =	por !p2, p0  }
0x20: {  	[sflag:s8] =	ssyncset.s32 @!p0 $0xFFFFF086;
	s6 =	sadd.s32 @!p0 s3, s7;
	s7 =	simm.s32 @!p0 $0x108  }
0x21: {  	s3 =	sadd.s32 s3, s9;
	s6 =	sadd.s32 @!p0 $0x88, s6;
	s7 =	simm.s32 @p2 $0x1082  }
0x22: {  	[simem:s7], [sflag:s8] =	dma.local @!p0 [hbm:s6], $0xF7A  }
0x23: {  	s9 =	sor.u32 $0xD0000000, s2;
	s6 =	simm.s32 $0x108;
	_ =	swait.ge @!p0 [sflag:s8], $0x0  }
0x24: {  	s3 =	sadd.s32 $0x88, s3;
	s6 =	simm.s32 @!p1 $0x1082;
	[sflag:s4] =	ssyncset.s32 $0xFFFFF086  }
0x25: {  	[simem:s6], [sflag:s4] =	dma.local [hbm:s3], $0xF7A  }
0x26: {  	[smem:$0x3F96] =	sst s1;
	(tag) =	ssettag s2;
	_ =	strace s9  }
0x27: {  	s1 =	sld [smem:$0x3FA6]  }
0x28: {  	s2 =	sld [smem:$0x3FA7]  }
0x29: {  	s4 =	sld [smem:$0x3FA9]  }
0x2a: {  	p0 =	seq.s32 s5, $0x0;
	s5 =	sld [smem:$0x3FAA]  }
0x2b: {  	s6 =	sld [smem:$0x3FAB]  }
0x2c: {  	s7 =	sld [smem:$0x3FAC]  }
0x2d: {  	s3 =	simm.s32 $0x108;
	s8 =	sld [smem:$0x3FAD]  }
0x2e: {  	s3 =	simm.s32 @!p0 $0x1082;
	s9 =	sld [smem:$0x3FAE]  }
0x2f: {  	lr =	sadd.s32 s0, s3;
	s0 =	sld [smem:$0x3FA5]  }
0x30: {  	s3 =	sld [smem:$0x3FA8]  }
0x31: {  	[smem:$0x3FB1] =	sst s10  }
0x32: {  	s10 =	sld [smem:$0x3FAF];
	_ =	sdelay $0x3  }
0x33: {  	p0 =	seq.s32 s10, $0x1;
	s10 =	sld [smem:$0x3FB1];
	_ =	sdelay $0x3  }
0x34: {  	[smem:$0x3FB1] =	sst s10  }
0x35: {  	s10 =	sld [smem:$0x3FB0];
	_ =	sdelay $0x3  }
0x36: {  	p1 =	seq.s32 s10, $0x1;
	s10 =	sld [smem:$0x3FB1];
	_ =	sdelay $0x3  }
0x37: {  	[smem:$0x3FB1] =	sst s10  }
0x38: {  	s10 =	sld [smem:$0x3FB2]  }
0x39: {  	_ = 	snop;
	(pc) =	sbr.ind lr, $3  }
0x3a: {  	_ = 	snop  }
0x3b: {  	_ = 	snop  }
0x3c: {  	p2 =	seq.s32 s10, $0x1;
	s10 =	sld [smem:$0x3FB1]  }
0x3d: {  	_ =	shalt  }
0x3e: {  	_ =	shalt  }
0x3f: {  	_ =	shalt  }
0x40: {  	_ =	shalt  }
0x41: {  	_ =	shalt  }
0x42: {  	_ =	shalt  }
0x43: {  	_ =	shalt  }
0x44: {  	_ =	shalt  }
0x45: {  	_ =	shalt  }
0x46: {  	_ =	shalt  }
0x47: {  	_ =	shalt  }
0x48: {  	_ =	shalt  }
0x49: {  	_ =	shalt  }
0x4a: {  	_ =	shalt  }
0x4b: {  	_ =	shalt  }
0x4c: {  	_ =	shalt  }
0x4d: {  	_ =	shalt  }
0x4e: {  	_ =	shalt  }
0x4f: {  	_ =	shalt  }
0x50: {  	_ =	shalt  }
0x51: {  	_ =	shalt  }
0x52: {  	_ =	shalt  }
0x53: {  	_ =	shalt  }
0x54: {  	_ =	shalt  }
0x55: {  	_ =	shalt  }
0x56: {  	_ =	shalt  }
0x57: {  	_ =	shalt  }
0x58: {  	_ =	shalt  }
0x59: {  	_ =	shalt  }
0x5a: {  	_ =	shalt  }
0x5b: {  	_ =	shalt  }
0x5c: {  	_ =	shalt  }
0x5d: {  	_ =	shalt  }
0x5e: {  	_ =	shalt  }
0x5f: {  	_ =	shalt  }
0x60: {  	_ =	shalt  }
0x61: {  	_ =	shalt  }
0x62: {  	_ =	shalt  }
0x63: {  	_ =	shalt  }
0x64: {  	_ =	shalt  }
0x65: {  	_ =	shalt  }
0x66: {  	_ =	shalt  }
0x67: {  	_ =	shalt  }
0x68: {  	_ =	shalt  }
0x69: {  	_ =	shalt  }
0x6a: {  	_ =	shalt  }
0x6b: {  	_ =	shalt  }
0x6c: {  	_ =	shalt  }
0x6d: {  	_ =	shalt  }
0x6e: {  	_ =	shalt  }
0x6f: {  	_ =	shalt  }
0x70: {  	_ =	shalt  }
0x71: {  	_ =	shalt  }
0x72: {  	_ =	shalt  }
0x73: {  	_ =	shalt  }
0x74: {  	_ =	shalt  }
0x75: {  	_ =	shalt  }
0x76: {  	_ =	shalt  }
0x77: {  	_ =	shalt  }
0x78: {  	_ =	shalt  }
0x79: {  	_ =	shalt  }
0x7a: {  	_ =	shalt  }
0x7b: {  	_ =	shalt  }
0x7c: {  	_ =	shalt  }
0x7d: {  	_ =	shalt  }
0x7e: {  	_ =	shalt  }
0x7f: {  	_ =	shalt  }
0x80: {  	_ =	shalt  }
0x81: {  	_ =	shalt  }
0x82: {  	_ =	shalt  }
0x83: {  	_ =	shalt  }
0x84: {  	_ =	shalt  }
0x85: {  	_ =	shalt  }
0x86: {  	_ =	shalt  }
0x87: {  	_ =	shalt  }
.Lfunc_end0:
.L_simem_size_0:
called_computation_lowered:
.L_overlay_start_0:
0x88: {  	s2 =	sld [smem:$0x3FD9]  }
0x89: {  	s3 =	sld [smem:$0x3FFE];
	_ =	sdelay $0x1  }
0x8a: {  	s1 =	srdreg.scid  }
0x8b: {  	s0 =	sand.u32 $0x1, s1  }
0x8c: {  	s17 =	sshll.u32 s0, $0xA;
	s2 =	sadd.s32 s3, s2  }
0x8d: {  	s2 =	sadd.s32 s2, s17  }
0x8e: {  	[smem:$0x3FBD] =	sst s2  }
0x8f: {  	_ = 	snop  }
0x90: {  	s2 =	sld [smem:$0x3FC9];
	(tm) =	ssettm $0x1  }
0x91: {  	s18 =	sld [smem:$0x3FFB];
	_ =	sdelay $0x3  }
0x92: {  	_ =	strace s18  }
0x93: {  	s3 =	sld [smem:$0x3FFC];
	_ =	sdelay $0x3  }
0x94: {  	_ =	strace s3  }
0x95: {  	s3 =	sld [smem:$0x3FFD];
	_ =	sdelay $0x3  }
0x96: {  	_ =	strace s3  }
0x97: {  	_ =	strace $0x8FFFFFFF  }
0x98: {  	s19 =	sld [smem:$0x3FDB];
	_ =	sdelay $0x1  }
0x99: {  	s4 =	simm.s32 $_scs_section_size  }
0x9a: {  	s5 =	simm.s32 $_size__tile_overlayer_lowered;
	s6 =	simm.s32 $_tile_overlayer_lowered  }
0x9b: {  	s22 =	simm.s32 $0x1BFF;
	s21 =	sshll.u32 s6, $0x1;
	s3 =	sadd.s32 s4, s19  }
0x9c: {  	s7 =	simm.s32 $0x0;
	s20 =	sshll.u32 s5, $0x1;
	s5 =	sadd.s32 s21, s3  }
0x9d: {  	[timem:s7], [sflag:s22] =	dma.local [hbm:s5], s20  }
0x9e: {  	_ =	swait.ge [sflag:s22], s20  }
0x9f: {  	s4 =	ssub.s32 $0x0, s20;
	[sflag:s22] =	ssyncset.done $0x0  }
0xa0: {  	[sflag:s22] =	ssyncadd.s32 s4;
	_ =	sdelay $0x1  }
0xa1: {  	s23 =	simm.s32 $0x1B8B  }
0xa2: {  	_ =	swait.ge [sflag:s23], $0x1  }
0xa3: {  	[sflag:s23] =	ssyncset.done $0x0  }
0xa4: {  	s25 =	simm.s32 $0x1B8E;
	s24 =	sld [smem:$0x3FFE];
	[sflag:s23] =	ssyncadd.s32 $0xFFFFFFFF  }
0xa5: {  	s26 =	simm.s32 $execute0_lowered;
	[smem:$0x3FD2] =	sst s25  }
0xa6: {  	s5 =	sshll.u32 s26, $0x1;
	_ =	strace $0x80000046;
	[dreg:$0x1] =	wrdreg $0xFFFFFFFF  }
0xa7: {  	s28 =	simm.s32 $_size_execute0_lowered;
	s3 =	sadd.s32 s3, s5;
	[dreg:$0x0] =	wrdreg $0x0  }
0xa8: {  	s5 =	sshll.u32 s28, $0x1;
	[dreg:$0x2] =	wrdreg s3  }
0xa9: {  	[dreg:$0x3] =	wrdreg s5  }
0xaa: {  	[dreg:$0x4] =	wrdreg $0xC0  }
0xab: {  	_ =	task [dreg:s7], $0x5FFFF  }
0xac: {  	[dreg:$0x1] =	wrdreg $0xFFFFFFFF  }
0xad: {  	[dreg:$0x0] =	wrdreg $0x60  }
0xae: {  	[dreg:$0x2] =	wrdreg s2  }
0xaf: {  	[dreg:$0x3] =	wrdreg s24  }
0xb0: {  	[dreg:$0x4] =	wrdreg $0xBC000  }
0xb1: {  	[dreg:$0x5] =	wrdreg $0x9  }
0xb2: {  	_ =	task.clear_ibuf [dreg:s7], $0x6FFFF;
	_ =	strace $0x90000046  }
0xb3: {  	s29 =	simm.s32 $0x9;
	_ =	strace $0x8000004E  }
0xb4: {  	_ =	swait.ge [sflag:s29], $0x1  }
0xb5: {  	[sflag:s29] =	ssyncadd.s32 $0xFFFFFFFF  }
0xb6: {  	_ =	strace $0x9000004E  }
0xb7: {  	_ =	sfence  }
0xb8: {  	s30 =	sld [smem:$0x0];
	_ =	sdelay $0x2  }
0xb9: {  	s31 =	sshll.u32 s1, $0xD;
	s1 =	sshrl.u32 s1, $0x2  }
0xba: {  	s3 =	sand.u32 $0x4000, s31;
	s1 =	sadd.s32 s1, s30  }
0xbb: {  	s0 =	sor.u32 s3, s0;
	s1 =	sshll.u32 s1, $0x11  }
0xbc: {  	s0 =	sor.u32 s1, s0  }
0xbd: {  	s0 =	sadd.s32 $0x8F2B, s0  }
0xbe: {  	[sflag:s0] =	ssyncadd.remote.s32 $0x1  }
0xbf: {  	_ =	sfence.sel $0xFFFF  }
0xc0: {  	[dreg:$0x0] =	wrdreg $0xFFFFFFFF;
	(pc) =	sbr.abs _section_cstart, $3  }
0xc1: {  	[dreg:$0x1] =	wrdreg $0xFFFFFFFF  }
0xc2: {  	_ =	task.clear_ibuf [dreg:s7], $0x2FFFF;
	_ =	strace $0x9FFFFFFF  }
0xc3: {  	(tm) =	ssettm $0x7FFFFFFF  }
tec
execute0_lowered:
.L_overlay_start_1:
0x0: {  	(tag) =	ssettag $0x1  }
0x1: {  	s1 =	rddreg [dreg:$0x0]  }
0x2: {  	s0 =	rddreg [dreg:$0x1];
	s12 =	stileid.u32  }
0x3: {  	s2 =	srdreg.scid;
	s5 =	smul.u32 $0x600, s12  }
0x4: {  	s3 =	rddreg [dreg:$0x2];
	s7 =	smul.u32 $0xA000, s12  }
0x5: {  	s4 =	simm.s32 $0x0;
	s2 =	sand.u32 $0x1, s2;
	s15 =	smul.u32 $0x28000, s12  }
0x6: {  	[smem:$0x7FF] =	sst s4;
	s6 =	smul.u32 $0xA0000, s2  }
0x7: {  	s9 =	sshrl.u32 s12, $0x3;
	s26 =	sshll.u32 s12, $0xA;
	s8 =	smul.u32 $0x14000, s2  }
0x8: {  	_ =	strace $0x80000047;
	s9 =	smul.u32 $0xA000, s9;
	s11 =	sadd.s32 s26, s0  }
0x9: {  	s14 =	ssub.s32 $0x2, s2;
	p0 =	seq.s32 s2, $0x0;
	s10 =	sadd.s32 s5, s0  }
0xa: {  	s18 =	sshrl.u32 s14, $0x1;
	s19 =	sshrl.u32 s15, $0x2;
	s20 =	sadd.s32 $0x1200, s11  }
0xb: {  	s21 =	sadd.s32 $0x5200, s11;
	s6 =	sadd.s32 s7, s6;
	[dreg:$0x4] =	wrdreg s20  }
0xc: {  	s7 =	sshll.u32 s12, $0x7;
	s13 =	sadd.s32 s8, s9;
	[dreg:$0x5] =	wrdreg s21  }
0xd: {  	s22 =	sadd.s32 $0x9200, s10;
	s23 =	sadd.s32 $0xF200, s10;
	s9 =	simm.s32 $0x80  }
0xe: {  	s8 =	simm.s32 $0x6000;
	s10 =	simm.s32 $0xA800;
	[dreg:$0x6] =	wrdreg s22  }
0xf: {  	s5 =	sshrl.u32 s6, $0x3;
	s6 =	sand.u32 $0x380, s7;
	[dreg:$0x7] =	wrdreg s23  }
0x10: {  	s7 =	simm.s32 $0x2;
	s6 =	sor.u32 s6, s13;
	s16 =	sadd.s32 s5, s0  }
0x11: {  	s5 =	sadd.s32 s19, s3;
	s17 =	sshrl.u32 s6, $0x3;
	s6 =	ssub.s32 s14, s18  }
0x12: {  	s24 =	sadd.s32 $0x1A200, s16;
	s26 =	sadd.s32 $0x800, s5;
	s14 =	sadd.s32 $0x1000, s5  }
0x13: {  	s15 =	sadd.s32 $0x1800, s5;
	s16 =	sadd.s32 $0x2000, s5;
	s18 =	sadd.s32 $0x3000, s5  }
0x14: {  	s19 =	sadd.s32 $0x3800, s5;
	s20 =	sadd.s32 $0x4000, s5;
	s21 =	sadd.s32 $0x4800, s5  }
0x15: {  	s22 =	sadd.s32 $0x5000, s5;
	s23 =	sadd.s32 $0x5800, s5;
	s28 =	sadd.s32 $0x7800, s5  }
0x16: {  	s29 =	sadd.s32 $0x8000, s5;
	s30 =	sadd.s32 $0x8800, s5;
	s31 =	sadd.s32 $0x9000, s5  }
.Ltmp0:
0x17: {  	s2 =	sadd.s32 $0x9800, s5;
	[dreg:$0x8] =	wrdreg s24;
	(pc) =	sbr.rel .LBB2_1-.Ltmp0, $4  }
0x18: {  	s0 =	sadd.s32 s17, s0;
	s25 =	smax.u32 s6, $0x1;
	[dreg:$0xb] =	wrdreg s26  }
0x19: {  	s17 =	sadd.s32 $0x2800, s5;
	s24 =	sadd.s32 $0x6000, s5;
	s26 =	sadd.s32 $0x7000, s5  }
0x1a: {  	s6 =	simm.s32 $0xA000;
	s0 =	sadd.s32 $0x15200, s0;
	[dreg:$0xa] =	wrdreg s25  }
0x1b: {  	v0 =	vimm.f32 $0.0e+00;
	v1 =	vimm.f32 $1.000000000e+00;
	s25 =	sadd.s32 $0x6800, s5;
	[dreg:$0x9] =	wrdreg s0;
	s0 =	simm.s32 $0x1  }
.LBB2_10:
0x1c: {  	[bflag:$0x0] =	sbarrier.arrive $0xFFFF;
	s11 =	stileid.u32  }
0x1d: {  	s11 =	sshll.u32 s11, $0x6;
	_ =	strace $0x8000004D  }
0x1e: {  	s12 =	sshrl.u32 s5, $0x3;
	s11 =	sor.u32 $0x1C02, s11;
	s13 =	rddreg [dreg:$0x8]  }
0x1f: {  	[hbm:s13], [sflag:s11] =	dma.local [spmem:s12], $0x1400  }
0x20: {  	_ =	swait.ge [sflag:s7], $0x1400  }
0x21: {  	[sflag:s7] =	ssyncset.done $0x0  }
0x22: {  	s13 =	simm.s32 $0x400;
	s12 =	rddreg [dreg:$0x9];
	[sflag:s7] =	ssyncadd.s32 $0xFFFFEC00  }
0x23: {  	[hbm4b:s12+s9] =	stream.strided.scatter [tilespmem:s10], [sflag:$0x2], $0x1400, s13, s9, $0x200038;
	[tilespmem:$0x15C00] =	vst v63  }
0x24: {  	_ =	swait.ge [sflag:s7], $0x1400  }
0x25: {  	s4 =	sadd.s32 $0x1, s4;
	s13 =	rddreg [dreg:$0xa]  }
0x26: {  	p1 =	sne.s32 s4, s13  }
.Ltmp1:
0x27: {  	_ = 	snop;
	(pc) =	sbr.rel @!p1 .LBB2_11-.Ltmp1, $4  }
0x28: {  	_ = 	snop  }
0x29: {  	[sflag:s7] =	ssyncset.done $0x0  }
0x2a: {  	[sflag:s7] =	ssyncadd.s32 $0xFFFFEC00  }
0x2b: {  	_ =	strace $0x9000004D  }
.LBB2_1:
0x2c: {  	_ =	strace $0x80000048;
	[tilespmem:$0xA000] =	vst v0  }
0x2d: {  	[tilespmem:$0xA010] =	vst v0  }
0x2e: {  	[tilespmem:$0xA020] =	vst v0  }
0x2f: {  	[tilespmem:$0xA030] =	vst v0  }
0x30: {  	[tilespmem:$0xA040] =	vst v0  }
0x31: {  	[tilespmem:$0xA050] =	vst v0  }
0x32: {  	[tilespmem:$0xA060] =	vst v0  }
0x33: {  	[tilespmem:$0xA070] =	vst v0  }
0x34: {  	[tilespmem:$0xA080] =	vst v0  }
0x35: {  	[tilespmem:$0xA090] =	vst v0  }
0x36: {  	[tilespmem:$0xA0A0] =	vst v0  }
0x37: {  	[tilespmem:$0xA0B0] =	vst v0  }
0x38: {  	[tilespmem:$0xA0C0] =	vst v0  }
0x39: {  	[tilespmem:$0xA0D0] =	vst v0  }
0x3a: {  	[tilespmem:$0xA0E0] =	vst v0  }
0x3b: {  	[tilespmem:$0xA0F0] =	vst v0  }
0x3c: {  	[tilespmem:$0xA100] =	vst v0  }
0x3d: {  	[tilespmem:$0xA110] =	vst v0  }
0x3e: {  	[tilespmem:$0xA120] =	vst v0  }
0x3f: {  	[tilespmem:$0xA130] =	vst v0  }
0x40: {  	[tilespmem:$0xA140] =	vst v0  }
0x41: {  	[tilespmem:$0xA150] =	vst v0  }
0x42: {  	[tilespmem:$0xA160] =	vst v0  }
0x43: {  	[tilespmem:$0xA170] =	vst v0  }
0x44: {  	[tilespmem:$0xA180] =	vst v0  }
0x45: {  	[tilespmem:$0xA190] =	vst v0  }
0x46: {  	[tilespmem:$0xA1A0] =	vst v0  }
0x47: {  	[tilespmem:$0xA1B0] =	vst v0  }
0x48: {  	[tilespmem:$0xA1C0] =	vst v0  }
0x49: {  	[tilespmem:$0xA1D0] =	vst v0  }
0x4a: {  	[tilespmem:$0xA1E0] =	vst v0  }
0x4b: {  	[tilespmem:$0xA1F0] =	vst v0  }
0x4c: {  	[tilespmem:$0xA200] =	vst v0  }
0x4d: {  	[tilespmem:$0xA210] =	vst v0  }
0x4e: {  	[tilespmem:$0xA220] =	vst v0  }
0x4f: {  	[tilespmem:$0xA230] =	vst v0  }
0x50: {  	[tilespmem:$0xA240] =	vst v0  }
0x51: {  	[tilespmem:$0xA250] =	vst v0  }
0x52: {  	[tilespmem:$0xA260] =	vst v0  }
0x53: {  	[tilespmem:$0xA270] =	vst v0  }
0x54: {  	[tilespmem:$0xA280] =	vst v0  }
0x55: {  	[tilespmem:$0xA290] =	vst v0  }
0x56: {  	[tilespmem:$0xA2A0] =	vst v0  }
0x57: {  	[tilespmem:$0xA2B0] =	vst v0  }
0x58: {  	[tilespmem:$0xA2C0] =	vst v0  }
0x59: {  	[tilespmem:$0xA2D0] =	vst v0  }
0x5a: {  	[tilespmem:$0xA2E0] =	vst v0  }
0x5b: {  	[tilespmem:$0xA2F0] =	vst v0  }
0x5c: {  	[tilespmem:$0xA300] =	vst v0  }
0x5d: {  	[tilespmem:$0xA310] =	vst v0  }
0x5e: {  	[tilespmem:$0xA320] =	vst v0  }
0x5f: {  	[tilespmem:$0xA330] =	vst v0  }
0x60: {  	[tilespmem:$0xA340] =	vst v0  }
0x61: {  	[tilespmem:$0xA350] =	vst v0  }
0x62: {  	[tilespmem:$0xA360] =	vst v0  }
0x63: {  	[tilespmem:$0xA370] =	vst v0  }
0x64: {  	[tilespmem:$0xA380] =	vst v0  }
0x65: {  	[tilespmem:$0xA390] =	vst v0  }
0x66: {  	[tilespmem:$0xA3A0] =	vst v0  }
0x67: {  	[tilespmem:$0xA3B0] =	vst v0  }
0x68: {  	[tilespmem:$0xA3C0] =	vst v0  }
0x69: {  	[tilespmem:$0xA3D0] =	vst v0  }
0x6a: {  	[tilespmem:$0xA3E0] =	vst v0  }
0x6b: {  	[tilespmem:$0xA3F0] =	vst v0  }
0x6c: {  	[tilespmem:$0xA400] =	vst v0  }
0x6d: {  	[tilespmem:$0xA410] =	vst v0  }
0x6e: {  	[tilespmem:$0xA420] =	vst v0  }
0x6f: {  	[tilespmem:$0xA430] =	vst v0  }
0x70: {  	[tilespmem:$0xA440] =	vst v0  }
0x71: {  	[tilespmem:$0xA450] =	vst v0  }
0x72: {  	[tilespmem:$0xA460] =	vst v0  }
0x73: {  	[tilespmem:$0xA470] =	vst v0  }
0x74: {  	[tilespmem:$0xA480] =	vst v0  }
0x75: {  	[tilespmem:$0xA490] =	vst v0  }
0x76: {  	[tilespmem:$0xA4A0] =	vst v0  }
0x77: {  	[tilespmem:$0xA4B0] =	vst v0  }
0x78: {  	[tilespmem:$0xA4C0] =	vst v0  }
0x79: {  	[tilespmem:$0xA4D0] =	vst v0  }
0x7a: {  	[tilespmem:$0xA4E0] =	vst v0  }
0x7b: {  	[tilespmem:$0xA4F0] =	vst v0  }
0x7c: {  	[tilespmem:$0xA500] =	vst v0  }
0x7d: {  	[tilespmem:$0xA510] =	vst v0  }
0x7e: {  	[tilespmem:$0xA520] =	vst v0  }
0x7f: {  	[tilespmem:$0xA530] =	vst v0  }
0x80: {  	[tilespmem:$0xA540] =	vst v0  }
0x81: {  	[tilespmem:$0xA550] =	vst v0  }
0x82: {  	[tilespmem:$0xA560] =	vst v0  }
0x83: {  	[tilespmem:$0xA570] =	vst v0  }
0x84: {  	[tilespmem:$0xA580] =	vst v0  }
0x85: {  	[tilespmem:$0xA590] =	vst v0  }
0x86: {  	[tilespmem:$0xA5A0] =	vst v0  }
0x87: {  	[tilespmem:$0xA5B0] =	vst v0  }
0x88: {  	[tilespmem:$0xA5C0] =	vst v0  }
0x89: {  	[tilespmem:$0xA5D0] =	vst v0  }
0x8a: {  	[tilespmem:$0xA5E0] =	vst v0  }
0x8b: {  	[tilespmem:$0xA5F0] =	vst v0  }
0x8c: {  	[tilespmem:$0xA600] =	vst v0  }
0x8d: {  	[tilespmem:$0xA610] =	vst v0  }
0x8e: {  	[tilespmem:$0xA620] =	vst v0  }
0x8f: {  	[tilespmem:$0xA630] =	vst v0  }
0x90: {  	[tilespmem:$0xA640] =	vst v0  }
0x91: {  	[tilespmem:$0xA650] =	vst v0  }
0x92: {  	[tilespmem:$0xA660] =	vst v0  }
0x93: {  	[tilespmem:$0xA670] =	vst v0  }
0x94: {  	[tilespmem:$0xA680] =	vst v0  }
0x95: {  	[tilespmem:$0xA690] =	vst v0  }
0x96: {  	[tilespmem:$0xA6A0] =	vst v0  }
0x97: {  	[tilespmem:$0xA6B0] =	vst v0  }
0x98: {  	[tilespmem:$0xA6C0] =	vst v0  }
0x99: {  	[tilespmem:$0xA6D0] =	vst v0  }
0x9a: {  	[tilespmem:$0xA6E0] =	vst v0  }
0x9b: {  	[tilespmem:$0xA6F0] =	vst v0  }
0x9c: {  	[tilespmem:$0xA700] =	vst v0  }
0x9d: {  	[tilespmem:$0xA710] =	vst v0  }
0x9e: {  	[tilespmem:$0xA720] =	vst v0  }
0x9f: {  	[tilespmem:$0xA730] =	vst v0  }
0xa0: {  	[tilespmem:$0xA740] =	vst v0  }
0xa1: {  	[tilespmem:$0xA750] =	vst v0  }
0xa2: {  	[tilespmem:$0xA760] =	vst v0  }
0xa3: {  	[tilespmem:$0xA770] =	vst v0  }
0xa4: {  	[tilespmem:$0xA780] =	vst v0  }
0xa5: {  	[tilespmem:$0xA790] =	vst v0  }
0xa6: {  	[tilespmem:$0xA7A0] =	vst v0  }
0xa7: {  	[tilespmem:$0xA7B0] =	vst v0  }
0xa8: {  	[tilespmem:$0xA7C0] =	vst v0  }
0xa9: {  	[tilespmem:$0xA7D0] =	vst v0  }
0xaa: {  	[tilespmem:$0xA7E0] =	vst v0  }
0xab: {  	[tilespmem:$0xA7F0] =	vst v0;
	s11 =	simm.s32 $0x40;
	s12 =	simm.s32 $0x0  }
.LBB2_2:
0xac: {  	p1 =	seq.s32 s11, $0x4FC0;
	[tilespmem:s12+$0xA800] =	vst v0;
	s12 =	smov.u32 s11;
	s11 =	sadd.s32 $0x40, s11  }
.Ltmp2:
0xad: {  	(pc) =	sbr.rel @!p1 .LBB2_2-.Ltmp2, $2  }
0xae: {  	_ =	sdelay $0x2  }
0xaf: {  	s12 =	sshra.s32 s12, $0x2  }
0xb0: {  	[tilespmem:s12+$0xA800] =	vst v0  }
0xb1: {  	[spmem:s5] =	stream.linear.scatter [tilespmem:s6], [sflag:$0x2], $0x800, $0x200038;
	[tilespmem:$0x15C00] =	vst v63  }
0xb2: {  	_ =	swait.ge [sflag:s7], $0x800  }
0xb3: {  	[sflag:s7] =	ssyncset.done $0x0  }
0xb4: {  	s11 =	rddreg [dreg:$0xb];
	[sflag:s7] =	ssyncadd.s32 $0xFFFFF800  }
0xb5: {  	[spmem:s11] =	stream.linear.scatter [tilespmem:s6], [sflag:$0x2], $0x800, $0x200038;
	[tilespmem:$0x15C00] =	vst v63  }
0xb6: {  	_ =	swait.ge [sflag:s7], $0x800  }
0xb7: {  	[sflag:s7] =	ssyncset.done $0x0  }
0xb8: {  	[sflag:s7] =	ssyncadd.s32 $0xFFFFF800  }
0xb9: {  	[spmem:s14] =	stream.linear.scatter [tilespmem:s6], [sflag:$0x2], $0x800, $0x200038;
	[tilespmem:$0x15C00] =	vst v63  }
0xba: {  	_ =	swait.ge [sflag:s7], $0x800  }
0xbb: {  	[sflag:s7] =	ssyncset.done $0x0  }
0xbc: {  	[sflag:s7] =	ssyncadd.s32 $0xFFFFF800  }
0xbd: {  	[spmem:s15] =	stream.linear.scatter [tilespmem:s6], [sflag:$0x2], $0x800, $0x200038;
	[tilespmem:$0x15C00] =	vst v63  }
0xbe: {  	_ =	swait.ge [sflag:s7], $0x800  }
0xbf: {  	[sflag:s7] =	ssyncset.done $0x0  }
0xc0: {  	[sflag:s7] =	ssyncadd.s32 $0xFFFFF800  }
0xc1: {  	[spmem:s16] =	stream.linear.scatter [tilespmem:s6], [sflag:$0x2], $0x800, $0x200038;
	[tilespmem:$0x15C00] =	vst v63  }
0xc2: {  	_ =	swait.ge [sflag:s7], $0x800  }
0xc3: {  	[sflag:s7] =	ssyncset.done $0x0  }
0xc4: {  	[sflag:s7] =	ssyncadd.s32 $0xFFFFF800  }
0xc5: {  	[spmem:s17] =	stream.linear.scatter [tilespmem:s6], [sflag:$0x2], $0x800, $0x200038;
	[tilespmem:$0x15C00] =	vst v63  }
0xc6: {  	_ =	swait.ge [sflag:s7], $0x800  }
0xc7: {  	[sflag:s7] =	ssyncset.done $0x0  }
0xc8: {  	[sflag:s7] =	ssyncadd.s32 $0xFFFFF800  }
0xc9: {  	[spmem:s18] =	stream.linear.scatter [tilespmem:s6], [sflag:$0x2], $0x800, $0x200038;
	[tilespmem:$0x15C00] =	vst v63  }
0xca: {  	_ =	swait.ge [sflag:s7], $0x800  }
0xcb: {  	[sflag:s7] =	ssyncset.done $0x0  }
0xcc: {  	[sflag:s7] =	ssyncadd.s32 $0xFFFFF800  }
0xcd: {  	[spmem:s19] =	stream.linear.scatter [tilespmem:s6], [sflag:$0x2], $0x800, $0x200038;
	[tilespmem:$0x15C00] =	vst v63  }
0xce: {  	_ =	swait.ge [sflag:s7], $0x800  }
0xcf: {  	[sflag:s7] =	ssyncset.done $0x0  }
0xd0: {  	[sflag:s7] =	ssyncadd.s32 $0xFFFFF800  }
0xd1: {  	[spmem:s20] =	stream.linear.scatter [tilespmem:s6], [sflag:$0x2], $0x800, $0x200038;
	[tilespmem:$0x15C00] =	vst v63  }
0xd2: {  	_ =	swait.ge [sflag:s7], $0x800  }
0xd3: {  	[sflag:s7] =	ssyncset.done $0x0  }
0xd4: {  	[sflag:s7] =	ssyncadd.s32 $0xFFFFF800  }
0xd5: {  	[spmem:s21] =	stream.linear.scatter [tilespmem:s6], [sflag:$0x2], $0x800, $0x200038;
	[tilespmem:$0x15C00] =	vst v63  }
0xd6: {  	_ =	swait.ge [sflag:s7], $0x800  }
0xd7: {  	[sflag:s7] =	ssyncset.done $0x0  }
0xd8: {  	[sflag:s7] =	ssyncadd.s32 $0xFFFFF800  }
0xd9: {  	[spmem:s22] =	stream.linear.scatter [tilespmem:s6], [sflag:$0x2], $0x800, $0x200038;
	[tilespmem:$0x15C00] =	vst v63  }
0xda: {  	_ =	swait.ge [sflag:s7], $0x800  }
0xdb: {  	[sflag:s7] =	ssyncset.done $0x0  }
0xdc: {  	[sflag:s7] =	ssyncadd.s32 $0xFFFFF800  }
0xdd: {  	[spmem:s23] =	stream.linear.scatter [tilespmem:s6], [sflag:$0x2], $0x800, $0x200038;
	[tilespmem:$0x15C00] =	vst v63  }
0xde: {  	_ =	swait.ge [sflag:s7], $0x800  }
0xdf: {  	[sflag:s7] =	ssyncset.done $0x0  }
0xe0: {  	[sflag:s7] =	ssyncadd.s32 $0xFFFFF800  }
0xe1: {  	[spmem:s24] =	stream.linear.scatter [tilespmem:s6], [sflag:$0x2], $0x800, $0x200038;
	[tilespmem:$0x15C00] =	vst v63  }
0xe2: {  	_ =	swait.ge [sflag:s7], $0x800  }
0xe3: {  	[sflag:s7] =	ssyncset.done $0x0  }
0xe4: {  	[sflag:s7] =	ssyncadd.s32 $0xFFFFF800  }
0xe5: {  	[spmem:s25] =	stream.linear.scatter [tilespmem:s6], [sflag:$0x2], $0x800, $0x200038;
	[tilespmem:$0x15C00] =	vst v63  }
0xe6: {  	_ =	swait.ge [sflag:s7], $0x800  }
0xe7: {  	[sflag:s7] =	ssyncset.done $0x0  }
0xe8: {  	[sflag:s7] =	ssyncadd.s32 $0xFFFFF800  }
0xe9: {  	[spmem:s26] =	stream.linear.scatter [tilespmem:s6], [sflag:$0x2], $0x800, $0x200038;
	[tilespmem:$0x15C00] =	vst v63  }
0xea: {  	_ =	swait.ge [sflag:s7], $0x800  }
0xeb: {  	[sflag:s7] =	ssyncset.done $0x0  }
0xec: {  	[sflag:s7] =	ssyncadd.s32 $0xFFFFF800  }
0xed: {  	[spmem:s28] =	stream.linear.scatter [tilespmem:s6], [sflag:$0x2], $0x800, $0x200038;
	[tilespmem:$0x15C00] =	vst v63  }
0xee: {  	_ =	swait.ge [sflag:s7], $0x800  }
0xef: {  	[sflag:s7] =	ssyncset.done $0x0  }
0xf0: {  	[sflag:s7] =	ssyncadd.s32 $0xFFFFF800  }
0xf1: {  	[spmem:s29] =	stream.linear.scatter [tilespmem:s6], [sflag:$0x2], $0x800, $0x200038;
	[tilespmem:$0x15C00] =	vst v63  }
0xf2: {  	_ =	swait.ge [sflag:s7], $0x800  }
0xf3: {  	[sflag:s7] =	ssyncset.done $0x0  }
0xf4: {  	[sflag:s7] =	ssyncadd.s32 $0xFFFFF800  }
0xf5: {  	[spmem:s30] =	stream.linear.scatter [tilespmem:s6], [sflag:$0x2], $0x800, $0x200038;
	[tilespmem:$0x15C00] =	vst v63  }
0xf6: {  	_ =	swait.ge [sflag:s7], $0x800  }
0xf7: {  	[sflag:s7] =	ssyncset.done $0x0  }
0xf8: {  	[sflag:s7] =	ssyncadd.s32 $0xFFFFF800  }
0xf9: {  	[spmem:s31] =	stream.linear.scatter [tilespmem:s6], [sflag:$0x2], $0x800, $0x200038;
	[tilespmem:$0x15C00] =	vst v63  }
0xfa: {  	_ =	swait.ge [sflag:s7], $0x800  }
0xfb: {  	[sflag:s7] =	ssyncset.done $0x0  }
0xfc: {  	[sflag:s7] =	ssyncadd.s32 $0xFFFFF800  }
0xfd: {  	[spmem:s2] =	stream.linear.scatter [tilespmem:s6], [sflag:$0x2], $0x800, $0x200038;
	[tilespmem:$0x15C00] =	vst v63  }
0xfe: {  	_ =	swait.ge [sflag:s7], $0x800  }
.Ltmp3:
0xff: {  	[sflag:s7] =	ssyncset.done $0x0;
	(pc) =	sbr.rel @!p0 .LBB2_7-.Ltmp3, $3  }
0x100: {  	[sflag:s7] =	ssyncadd.s32 $0xFFFFF800  }
0x101: {  	_ =	strace $0x90000048  }
0x102: {  	[bflag:$0x0] =	sbarrier.arrive $0xFFFF;
	_ =	sdelay $0x1  }
0x103: {  	_ =	strace $0x80000049  }
0x104: {  	s11 =	simm.s32 $0x0;
	s12 =	rddreg [dreg:$0x6]  }
0x105: {  	[tilespmem:s11], [sflag:$0x2] =	stream.linear.gather [hbm4b:s12+s11], $0x2F00, $0x200038;
	[tilespmem:$0x15C00] =	vst v63  }
0x106: {  	_ =	swait.ge [sflag:s7], $0x2F00  }
0x107: {  	[sflag:s7] =	ssyncset.done $0x0  }
0x108: {  	s13 =	simm.s32 $0x3000;
	s12 =	rddreg [dreg:$0x7];
	[sflag:s7] =	ssyncadd.s32 $0xFFFFD100  }
0x109: {  	[tilespmem:s13], [sflag:$0x2] =	stream.linear.gather [hbm4b:s12+s11], $0x2F00, $0x200038;
	[tilespmem:$0x15C00] =	vst v63  }
0x10a: {  	_ =	swait.ge [sflag:s7], $0x2F00  }
0x10b: {  	[sflag:s7] =	ssyncset.done $0x0  }
0x10c: {  	[sflag:s7] =	ssyncadd.s32 $0xFFFFD100  }
0x10d: {  	_ =	strace $0x90000049  }
0x10e: {  	_ =	strace $0x8000004A  }
.LBB2_5:
0x10f: {  	s12 =	sshra.s32 s11, $0x2  }
0x110: {  	[tilespmem:s8], [sflag:$0x1] =	stream.indirect.gather [hbm4b:s1+s9], $0x80, s12, s9, $0x2000b8;
	[tilespmem:$0x15C00] =	vst v63  }
0x111: {  	_ =	swait.ge [sflag:s0], $0x4000  }
0x112: {  	[sflag:s0] =	ssyncset.done $0x0  }
0x113: {  	s13 =	sadd.s32 $0x3000, s12;
	[sflag:s0] =	ssyncadd.s32 $0xFFFFC000  }
0x114: {  	[spmem:s3] =	stream.indirect.scatter.add.f32 [tilespmem:s8], [sflag:$0x2], $0x80, s13, s9, $0x2000b8;
	[tilespmem:$0x15C00] =	vst v63  }
0x115: {  	_ =	swait.ge [sflag:s7], $0x4000  }
0x116: {  	[sflag:s7] =	ssyncset.done $0x0  }
0x117: {  	[sflag:s7] =	ssyncadd.s32 $0xFFFFC000  }
0x118: {  	v2 =	vld [tilespmem:s12+$0x3000];
	_ =	sdelay $0x7  }
0x119: {  	[tilespmem:v2+s10+$0x0] =	vst.idx.add.f32.msk $0xffff, v1  }
0x11a: {  	v2 =	vld [tilespmem:s12+$0x3010];
	_ =	sdelay $0x7  }
0x11b: {  	[tilespmem:v2+s10+$0x0] =	vst.idx.add.f32.msk $0xffff, v1  }
0x11c: {  	v2 =	vld [tilespmem:s12+$0x3020];
	_ =	sdelay $0x7  }
0x11d: {  	[tilespmem:v2+s10+$0x0] =	vst.idx.add.f32.msk $0xffff, v1  }
0x11e: {  	v2 =	vld [tilespmem:s12+$0x3030];
	_ =	sdelay $0x7  }
0x11f: {  	[tilespmem:v2+s10+$0x0] =	vst.idx.add.f32.msk $0xffff, v1  }
0x120: {  	v2 =	vld [tilespmem:s12+$0x3040];
	_ =	sdelay $0x7  }
0x121: {  	[tilespmem:v2+s10+$0x0] =	vst.idx.add.f32.msk $0xffff, v1  }
0x122: {  	v2 =	vld [tilespmem:s12+$0x3050];
	_ =	sdelay $0x7  }
0x123: {  	[tilespmem:v2+s10+$0x0] =	vst.idx.add.f32.msk $0xffff, v1  }
0x124: {  	v2 =	vld [tilespmem:s12+$0x3060];
	_ =	sdelay $0x7  }
0x125: {  	[tilespmem:v2+s10+$0x0] =	vst.idx.add.f32.msk $0xffff, v1  }
0x126: {  	v2 =	vld [tilespmem:s12+$0x3070];
	_ =	sdelay $0x2  }
0x127: {  	p1 =	sne.s32 s11, $0xBA00  }
.Ltmp4:
0x128: {  	_ = 	snop;
	(pc) =	sbr.rel @p1 .LBB2_5-.Ltmp4, $2  }
0x129: {  	_ =	sdelay $0x2  }
0x12a: {  	s11 =	sadd.s32 $0x200, s11;
	[tilespmem:v2+s10+$0x0] =	vst.idx.add.f32.msk $0xffff, v1  }
.Ltmp5:
0x12b: {  	(pc) =	sbr.rel .LBB2_10-.Ltmp5, $2  }
0x12c: {  	_ =	sdelay $0x2  }
0x12d: {  	_ =	strace $0x9000004A  }
.LBB2_7:
0x12e: {  	_ =	strace $0x8000004B  }
0x12f: {  	s11 =	simm.s32 $0x0;
	s12 =	rddreg [dreg:$0x4]  }
0x130: {  	[tilespmem:s11], [sflag:$0x2] =	stream.linear.gather [hbm4b:s12+s11], $0x1F80, $0x200038;
	[tilespmem:$0x15C00] =	vst v63  }
0x131: {  	_ =	swait.ge [sflag:s7], $0x1F80  }
0x132: {  	[sflag:s7] =	ssyncset.done $0x0  }
0x133: {  	s13 =	simm.s32 $0x3000;
	s12 =	rddreg [dreg:$0x5];
	[sflag:s7] =	ssyncadd.s32 $0xFFFFE080  }
0x134: {  	[tilespmem:s13], [sflag:$0x2] =	stream.linear.gather [hbm4b:s12+s11], $0x1F80, $0x200038;
	[tilespmem:$0x15C00] =	vst v63  }
0x135: {  	_ =	swait.ge [sflag:s7], $0x1F80  }
0x136: {  	[sflag:s7] =	ssyncset.done $0x0  }
0x137: {  	[sflag:s7] =	ssyncadd.s32 $0xFFFFE080  }
0x138: {  	_ =	strace $0x9000004B  }
0x139: {  	_ =	strace $0x8000004C  }
.LBB2_8:
0x13a: {  	s12 =	sshra.s32 s11, $0x2  }
0x13b: {  	[tilespmem:s8], [sflag:$0x1] =	stream.indirect.gather [hbm4b:s1+s9], $0x80, s12, s9, $0x2000b8;
	[tilespmem:$0x15C00] =	vst v63  }
0x13c: {  	_ =	swait.ge [sflag:s0], $0x4000  }
0x13d: {  	[sflag:s0] =	ssyncset.done $0x0  }
0x13e: {  	s13 =	sadd.s32 $0x3000, s12;
	[sflag:s0] =	ssyncadd.s32 $0xFFFFC000  }
0x13f: {  	[spmem:s3] =	stream.indirect.scatter.add.f32 [tilespmem:s8], [sflag:$0x2], $0x80, s13, s9, $0x2000b8;
	[tilespmem:$0x15C00] =	vst v63  }
0x140: {  	_ =	swait.ge [sflag:s7], $0x4000  }
0x141: {  	[sflag:s7] =	ssyncset.done $0x0  }
0x142: {  	[sflag:s7] =	ssyncadd.s32 $0xFFFFC000  }
0x143: {  	v2 =	vld [tilespmem:s12+$0x3000];
	_ =	sdelay $0x7  }
0x144: {  	[tilespmem:v2+s10+$0x0] =	vst.idx.add.f32.msk $0xffff, v1  }
0x145: {  	v2 =	vld [tilespmem:s12+$0x3010];
	_ =	sdelay $0x7  }
0x146: {  	[tilespmem:v2+s10+$0x0] =	vst.idx.add.f32.msk $0xffff, v1  }
0x147: {  	v2 =	vld [tilespmem:s12+$0x3020];
	_ =	sdelay $0x7  }
0x148: {  	[tilespmem:v2+s10+$0x0] =	vst.idx.add.f32.msk $0xffff, v1  }
0x149: {  	v2 =	vld [tilespmem:s12+$0x3030];
	_ =	sdelay $0x7  }
0x14a: {  	[tilespmem:v2+s10+$0x0] =	vst.idx.add.f32.msk $0xffff, v1  }
0x14b: {  	v2 =	vld [tilespmem:s12+$0x3040];
	_ =	sdelay $0x7  }
0x14c: {  	[tilespmem:v2+s10+$0x0] =	vst.idx.add.f32.msk $0xffff, v1  }
0x14d: {  	v2 =	vld [tilespmem:s12+$0x3050];
	_ =	sdelay $0x7  }
0x14e: {  	[tilespmem:v2+s10+$0x0] =	vst.idx.add.f32.msk $0xffff, v1  }
0x14f: {  	v2 =	vld [tilespmem:s12+$0x3060];
	_ =	sdelay $0x7  }
0x150: {  	[tilespmem:v2+s10+$0x0] =	vst.idx.add.f32.msk $0xffff, v1  }
0x151: {  	v2 =	vld [tilespmem:s12+$0x3070];
	_ =	sdelay $0x2  }
0x152: {  	p1 =	sne.s32 s11, $0x7C00  }
.Ltmp6:
0x153: {  	_ = 	snop;
	(pc) =	sbr.rel @p1 .LBB2_8-.Ltmp6, $2  }
0x154: {  	_ =	sdelay $0x2  }
0x155: {  	s11 =	sadd.s32 $0x200, s11;
	[tilespmem:v2+s10+$0x0] =	vst.idx.add.f32.msk $0xffff, v1  }
.Ltmp7:
0x156: {  	(pc) =	sbr.rel .LBB2_10-.Ltmp7, $2  }
0x157: {  	_ =	sdelay $0x2  }
0x158: {  	_ =	strace $0x9000004C  }
.LBB2_11:
0x159: {  	_ =	sfence.sel $0x180000  }
0x15a: {  	[bflag:$0x0] =	sbarrier.arrive $0xFFFF  }
0x15b: {  	_ =	strace $0x90000047  }
0x15c: {  	s0 =	stileid.u32;
	[bflag:$0x2] =	sbarrier.arrive $0xFFFF  }
0x15d: {  	p0 =	sne.s32 s0, $0x0;
	s0 =	rddreg [dreg:$0x3]  }
0x15e: {  	s0 =	sadd.s32 @!p0 $0x100000, s0  }
0x15f: {  	[sflag:s0] =	ssyncadd.tile.s32 @!p0 $0x1;
	_ =	shalt  }
.Lfunc_end2:
_tile_overlayer_lowered:
.L_overlay_start_2:
0x160: {  	(tag) =	ssettag $0x2  }
0x161: {  	s0 =	rddreg [dreg:$0x0];
	s2 =	stileid.u32  }
0x162: {  	s1 =	rddreg [dreg:$0x1];
	p0 =	sne.s32 s2, $0x0  }
0x163: {  	s3 =	rddreg [dreg:$0x2];
	[bflag:$0x3] =	sbarrier.arrive $0xFFFF;
	s2 =	simm.s32 @!p0 $0x1C02  }
0x164: {  	[timem:s3], [sflag:s2] =	dma.local @!p0 [hbm:s0], s1  }
0x165: {  	s0 =	simm.s32 @!p0 $0x2  }
0x166: {  	_ =	swait.ge @!p0 [sflag:s0], s1  }
0x167: {  	s1 =	ssub.s32 @!p0 $0x0, s1;
	[sflag:s0] =	ssyncset.done @!p0 $0x0  }
0x168: {  	[sflag:s0] =	ssyncadd.s32 @!p0 s1  }
0x169: {  	[bflag:$0x3] =	sbarrier.arrive $0xFFFF  }
0x16a: {  	_ =	shalt  }

// kernel: kernel.9.cloned.1.call-start
scs
__scs_entry_jumppad:
0x0: {  	(pc) =	sbr.rel $0x88, $3  }
0x1: {  	(tag) =	ssettag $0x0;
	lr =	simm.s32 $0x1  }
0x2: {  	[smem:$0x3F96] =	sst lr;
	_ =	strace $0xD0000000  }
0x3: {  	_ = 	snop  }
0x4: {  	_ = 	snop  }
0x5: {  	_ = 	snop  }
0x6: {  	_ = 	snop  }
0x7: {  	_ = 	snop  }
__scs_overlays_trampoline_lowered:
0x8: {  	[smem:$0x3FA5] =	sst s0  }
0x9: {  	[smem:$0x3FA6] =	sst s1  }
0xa: {  	[smem:$0x3FA7] =	sst s2  }
0xb: {  	[smem:$0x3FA8] =	sst s3  }
0xc: {  	[smem:$0x3FA9] =	sst s4  }
0xd: {  	[smem:$0x3FAA] =	sst s5  }
0xe: {  	[smem:$0x3FAB] =	sst s6  }
0xf: {  	[smem:$0x3FAC] =	sst s7  }
0x10: {  	[smem:$0x3FAD] =	sst s8  }
0x11: {  	[smem:$0x3FAE] =	sst s9;
	s0 =	simm.s32 @!p0 $0x0  }
0x12: {  	s1 =	sld [smem:$0x3F94];
	s0 =	simm.s32 @p0 $0x1  }
0x13: {  	[smem:$0x3FAF] =	sst s0;
	s0 =	simm.s32 @!p1 $0x0  }
0x14: {  	s2 =	sld [smem:$0x3F93];
	s0 =	simm.s32 @p1 $0x1  }
0x15: {  	[smem:$0x3FB0] =	sst s0;
	s0 =	simm.s32 @!p2 $0x0  }
0x16: {  	s3 =	sld [smem:$0x3FDB];
	s0 =	simm.s32 @p2 $0x1  }
0x17: {  	s4 =	simm.s32 $0x1BF5;
	[smem:$0x3FB2] =	sst s0  }
0x18: {  	s0 =	sld [smem:$0x3F95];
	_ =	swait.ge [sflag:s4], $0x0  }
0x19: {  	s7 =	sld [smem:$0x3F96]  }
0x1a: {  	s8 =	sadd.s32 $0xFFFFE003, lr  }
0x1b: {  	s9 =	sadd.s32 $0xFFFFFEF7, lr;
	s5 =	simm.s32 $0xFFFFFFFF;
	p2 =	slt.u32 s8, $0xFFFFF086  }
0x1c: {  	p1 =	slt.u32 s9, $0xF7A;
	s5 =	simm.s32 @!p2 $0x0  }
0x1d: {  	s5 =	simm.s32 @p1 $0x1;
	p0 =	seq.s32 s7, s2  }
0x1e: {  	s7 =	smul.u32 @!p0 $0xF7A, s2;
	p2 =	seq.s32 @!p0 s5, $0x0  }
0x1f: {  	s9 =	smul.u32 $0xF7A, s1;
	s8 =	simm.s32 @!p0 $0x1BF5;
	p2 =	por !p2, p0  }
0x20: {  	[sflag:s8] =	ssyncset.s32 @!p0 $0xFFFFF086;
	s6 =	sadd.s32 @!p0 s3, s7;
	s7 =	simm.s32 @!p0 $0x108  }
0x21: {  	s3 =	sadd.s32 s3, s9;
	s6 =	sadd.s32 @!p0 $0x88, s6;
	s7 =	simm.s32 @p2 $0x1082  }
0x22: {  	[simem:s7], [sflag:s8] =	dma.local @!p0 [hbm:s6], $0xF7A  }
0x23: {  	s9 =	sor.u32 $0xD0000000, s2;
	s6 =	simm.s32 $0x108;
	_ =	swait.ge @!p0 [sflag:s8], $0x0  }
0x24: {  	s3 =	sadd.s32 $0x88, s3;
	s6 =	simm.s32 @!p1 $0x1082;
	[sflag:s4] =	ssyncset.s32 $0xFFFFF086  }
0x25: {  	[simem:s6], [sflag:s4] =	dma.local [hbm:s3], $0xF7A  }
0x26: {  	[smem:$0x3F96] =	sst s1;
	(tag) =	ssettag s2;
	_ =	strace s9  }
0x27: {  	s1 =	sld [smem:$0x3FA6]  }
0x28: {  	s2 =	sld [smem:$0x3FA7]  }
0x29: {  	s4 =	sld [smem:$0x3FA9]  }
0x2a: {  	p0 =	seq.s32 s5, $0x0;
	s5 =	sld [smem:$0x3FAA]  }
0x2b: {  	s6 =	sld [smem:$0x3FAB]  }
0x2c: {  	s7 =	sld [smem:$0x3FAC]  }
0x2d: {  	s3 =	simm.s32 $0x108;
	s8 =	sld [smem:$0x3FAD]  }
0x2e: {  	s3 =	simm.s32 @!p0 $0x1082;
	s9 =	sld [smem:$0x3FAE]  }
0x2f: {  	lr =	sadd.s32 s0, s3;
	s0 =	sld [smem:$0x3FA5]  }
0x30: {  	s3 =	sld [smem:$0x3FA8]  }
0x31: {  	[smem:$0x3FB1] =	sst s10  }
0x32: {  	s10 =	sld [smem:$0x3FAF];
	_ =	sdelay $0x3  }
0x33: {  	p0 =	seq.s32 s10, $0x1;
	s10 =	sld [smem:$0x3FB1];
	_ =	sdelay $0x3  }
0x34: {  	[smem:$0x3FB1] =	sst s10  }
0x35: {  	s10 =	sld [smem:$0x3FB0];
	_ =	sdelay $0x3  }
0x36: {  	p1 =	seq.s32 s10, $0x1;
	s10 =	sld [smem:$0x3FB1];
	_ =	sdelay $0x3  }
0x37: {  	[smem:$0x3FB1] =	sst s10  }
0x38: {  	s10 =	sld [smem:$0x3FB2]  }
0x39: {  	_ = 	snop;
	(pc) =	sbr.ind lr, $3  }
0x3a: {  	_ = 	snop  }
0x3b: {  	_ = 	snop  }
0x3c: {  	p2 =	seq.s32 s10, $0x1;
	s10 =	sld [smem:$0x3FB1]  }
0x3d: {  	_ =	shalt  }
0x3e: {  	_ =	shalt  }
0x3f: {  	_ =	shalt  }
0x40: {  	_ =	shalt  }
0x41: {  	_ =	shalt  }
0x42: {  	_ =	shalt  }
0x43: {  	_ =	shalt  }
0x44: {  	_ =	shalt  }
0x45: {  	_ =	shalt  }
0x46: {  	_ =	shalt  }
0x47: {  	_ =	shalt  }
0x48: {  	_ =	shalt  }
0x49: {  	_ =	shalt  }
0x4a: {  	_ =	shalt  }
0x4b: {  	_ =	shalt  }
0x4c: {  	_ =	shalt  }
0x4d: {  	_ =	shalt  }
0x4e: {  	_ =	shalt  }
0x4f: {  	_ =	shalt  }
0x50: {  	_ =	shalt  }
0x51: {  	_ =	shalt  }
0x52: {  	_ =	shalt  }
0x53: {  	_ =	shalt  }
0x54: {  	_ =	shalt  }
0x55: {  	_ =	shalt  }
0x56: {  	_ =	shalt  }
0x57: {  	_ =	shalt  }
0x58: {  	_ =	shalt  }
0x59: {  	_ =	shalt  }
0x5a: {  	_ =	shalt  }
0x5b: {  	_ =	shalt  }
0x5c: {  	_ =	shalt  }
0x5d: {  	_ =	shalt  }
0x5e: {  	_ =	shalt  }
0x5f: {  	_ =	shalt  }
0x60: {  	_ =	shalt  }
0x61: {  	_ =	shalt  }
0x62: {  	_ =	shalt  }
0x63: {  	_ =	shalt  }
0x64: {  	_ =	shalt  }
0x65: {  	_ =	shalt  }
0x66: {  	_ =	shalt  }
0x67: {  	_ =	shalt  }
0x68: {  	_ =	shalt  }
0x69: {  	_ =	shalt  }
0x6a: {  	_ =	shalt  }
0x6b: {  	_ =	shalt  }
0x6c: {  	_ =	shalt  }
0x6d: {  	_ =	shalt  }
0x6e: {  	_ =	shalt  }
0x6f: {  	_ =	shalt  }
0x70: {  	_ =	shalt  }
0x71: {  	_ =	shalt  }
0x72: {  	_ =	shalt  }
0x73: {  	_ =	shalt  }
0x74: {  	_ =	shalt  }
0x75: {  	_ =	shalt  }
0x76: {  	_ =	shalt  }
0x77: {  	_ =	shalt  }
0x78: {  	_ =	shalt  }
0x79: {  	_ =	shalt  }
0x7a: {  	_ =	shalt  }
0x7b: {  	_ =	shalt  }
0x7c: {  	_ =	shalt  }
0x7d: {  	_ =	shalt  }
0x7e: {  	_ =	shalt  }
0x7f: {  	_ =	shalt  }
0x80: {  	_ =	shalt  }
0x81: {  	_ =	shalt  }
0x82: {  	_ =	shalt  }
0x83: {  	_ =	shalt  }
0x84: {  	_ =	shalt  }
0x85: {  	_ =	shalt  }
0x86: {  	_ =	shalt  }
0x87: {  	_ =	shalt  }
.Lfunc_end0:
.L_simem_size_0:
called_computation.1_lowered:
.L_overlay_start_0:
0x88: {  	s2 =	sld [smem:$0x3FD9]  }
0x89: {  	s3 =	sld [smem:$0x3FFE];
	_ =	sdelay $0x1  }
0x8a: {  	s1 =	srdreg.scid  }
0x8b: {  	s0 =	sand.u32 $0x1, s1  }
0x8c: {  	s17 =	sshll.u32 s0, $0xA;
	s2 =	sadd.s32 s3, s2  }
0x8d: {  	s2 =	sadd.s32 s2, s17  }
0x8e: {  	[smem:$0x3FBD] =	sst s2  }
0x8f: {  	_ = 	snop  }
0x90: {  	s2 =	sld [smem:$0x3FD0];
	(tm) =	ssettm $0x1  }
0x91: {  	s18 =	sld [smem:$0x3FFB];
	_ =	sdelay $0x3  }
0x92: {  	_ =	strace s18  }
0x93: {  	s3 =	sld [smem:$0x3FFC];
	_ =	sdelay $0x3  }
0x94: {  	_ =	strace s3  }
0x95: {  	s3 =	sld [smem:$0x3FFD];
	_ =	sdelay $0x3  }
0x96: {  	_ =	strace s3  }
0x97: {  	_ =	strace $0x8FFFFFFF  }
0x98: {  	s19 =	sld [smem:$0x3FDB];
	_ =	sdelay $0x1  }
0x99: {  	s4 =	simm.s32 $_scs_section_size  }
0x9a: {  	s5 =	simm.s32 $_size__tile_overlayer_lowered;
	s6 =	simm.s32 $_tile_overlayer_lowered  }
0x9b: {  	s22 =	simm.s32 $0x1BFF;
	s21 =	sshll.u32 s6, $0x1;
	s3 =	sadd.s32 s4, s19  }
0x9c: {  	s7 =	simm.s32 $0x0;
	s20 =	sshll.u32 s5, $0x1;
	s5 =	sadd.s32 s21, s3  }
0x9d: {  	[timem:s7], [sflag:s22] =	dma.local [hbm:s5], s20  }
0x9e: {  	_ =	swait.ge [sflag:s22], s20  }
0x9f: {  	s4 =	ssub.s32 $0x0, s20;
	[sflag:s22] =	ssyncset.done $0x0  }
0xa0: {  	[sflag:s22] =	ssyncadd.s32 s4;
	_ =	sdelay $0x1  }
0xa1: {  	s23 =	simm.s32 $0x1B8B  }
0xa2: {  	_ =	swait.ge [sflag:s23], $0x1  }
0xa3: {  	[sflag:s23] =	ssyncset.done $0x0  }
0xa4: {  	s25 =	simm.s32 $0x1B8E;
	s24 =	sld [smem:$0x3FFE];
	[sflag:s23] =	ssyncadd.s32 $0xFFFFFFFF  }
0xa5: {  	s26 =	simm.s32 $execute0_lowered;
	[smem:$0x3FD2] =	sst s25  }
0xa6: {  	s5 =	sshll.u32 s26, $0x1;
	_ =	strace $0x8000004F;
	[dreg:$0x1] =	wrdreg $0xFFFFFFFF  }
0xa7: {  	s28 =	simm.s32 $_size_execute0_lowered;
	s3 =	sadd.s32 s3, s5;
	[dreg:$0x0] =	wrdreg $0x0  }
0xa8: {  	s5 =	sshll.u32 s28, $0x1;
	[dreg:$0x2] =	wrdreg s3  }
0xa9: {  	[dreg:$0x3] =	wrdreg s5  }
0xaa: {  	[dreg:$0x4] =	wrdreg $0xC0  }
0xab: {  	_ =	task [dreg:s7], $0x5FFFF  }
0xac: {  	[dreg:$0x1] =	wrdreg $0xFFFFFFFF  }
0xad: {  	[dreg:$0x0] =	wrdreg $0x60  }
0xae: {  	[dreg:$0x2] =	wrdreg s24  }
0xaf: {  	[dreg:$0x3] =	wrdreg s2  }
0xb0: {  	[dreg:$0x4] =	wrdreg $0x4D000  }
0xb1: {  	[dreg:$0x5] =	wrdreg $0x6B000  }
0xb2: {  	[dreg:$0x6] =	wrdreg $0x9  }
0xb3: {  	_ =	task.clear_ibuf [dreg:s7], $0x7FFFF;
	_ =	strace $0x9000004F  }
0xb4: {  	s29 =	simm.s32 $0x9;
	_ =	strace $0x80000058  }
0xb5: {  	_ =	swait.ge [sflag:s29], $0x1  }
0xb6: {  	[sflag:s29] =	ssyncadd.s32 $0xFFFFFFFF  }
0xb7: {  	_ =	strace $0x90000058  }
0xb8: {  	_ =	sfence  }
0xb9: {  	s30 =	sld [smem:$0x0];
	_ =	sdelay $0x2  }
0xba: {  	s31 =	sshll.u32 s1, $0xD;
	s1 =	sshrl.u32 s1, $0x2  }
0xbb: {  	s3 =	sand.u32 $0x4000, s31;
	s1 =	sadd.s32 s1, s30  }
0xbc: {  	s0 =	sor.u32 s3, s0;
	s1 =	sshll.u32 s1, $0x11  }
0xbd: {  	s0 =	sor.u32 s1, s0  }
0xbe: {  	s0 =	sadd.s32 $0x8F2B, s0  }
0xbf: {  	[sflag:s0] =	ssyncadd.remote.s32 $0x1  }
0xc0: {  	_ =	sfence.sel $0xFFFF  }
0xc1: {  	[dreg:$0x0] =	wrdreg $0xFFFFFFFF;
	(pc) =	sbr.abs _section_cstart, $3  }
0xc2: {  	[dreg:$0x1] =	wrdreg $0xFFFFFFFF  }
0xc3: {  	_ =	task.clear_ibuf [dreg:s7], $0x2FFFF;
	_ =	strace $0x9FFFFFFF  }
0xc4: {  	(tm) =	ssettm $0x7FFFFFFF  }
0xc5: {  	_ =	shalt  }
tec
execute0_lowered:
.L_overlay_start_1:
0x0: {  	(tag) =	ssettag $0x1  }
0x1: {  	s1 =	rddreg [dreg:$0x0];
	s0 =	stileid.u32  }
0x2: {  	s6 =	rddreg [dreg:$0x1];
	s5 =	smul.u32 $0x3C00, s0  }
0x3: {  	s2 =	rddreg [dreg:$0x2];
	s11 =	smul.u32 $0x1E00, s0  }
0x4: {  	s4 =	srdreg.scid;
	s9 =	smul.u32 $0x320, s0  }
0x5: {  	s3 =	rddreg [dreg:$0x3];
	s28 =	simm.s32 $0x80;
	s10 =	smul.u32 $0x1D0, s0  }
0x6: {  	s29 =	simm.s32 $0x3200;
	s22 =	sand.u32 $0x1, s4;
	s20 =	smul.u32 $0x7800, s0  }
0x7: {  	s30 =	simm.s32 $0x1;
	s4 =	simm.s32 $0x0;
	s7 =	smul.u32 $0x1E000, s22  }
0x8: {  	[smem:$0x7FF] =	sst s4;
	s12 =	ssub.s32 $0x2, s22;
	p0 =	sne.s32 s22, $0x0  }
0x9: {  	s22 =	simm.s32 $0x4A00;
	s8 =	sshrl.u32 s5, $0x3;
	_ =	strace $0x80000050  }
0xa: {  	s13 =	sadd.s32 s9, s1;
	s14 =	sshrl.u32 s12, $0x1;
	s10 =	sadd.s32 s10, s1  }
0xb: {  	s24 =	sadd.s32 s5, s3;
	s9 =	sadd.s32 s6, s9;
	s26 =	sshrl.u32 s20, $0x2  }
0xc: {  	s31 =	sadd.s32 s11, s2;
	s8 =	sadd.s32 s8, s1;
	s7 =	sadd.s32 s11, s7  }
0xd: {  	s12 =	ssub.s32 s12, s14;
	s21 =	sadd.s32 $0x44000, s10;
	s23 =	sadd.s32 $0x42200, s10  }
0xe: {  	s25 =	sadd.s32 $0x45E00, s13;
	s24 =	sshrl.u32 s24, $0x3;
	[dreg:$0x5] =	wrdreg s21  }
0xf: {  	s7 =	sshrl.u32 s7, $0x3;
	s5 =	sadd.s32 $0x1200, s8;
	[dreg:$0x6] =	wrdreg s23  }
0x10: {  	[dreg:$0x7] =	wrdreg s25;
	s11 =	smax.u32 s12, $0x1;
	s12 =	sadd.s32 s26, s2  }
.Ltmp0:
0x11: {  	s23 =	simm.s32 $0x2;
	s25 =	sshrl.u32 s31, $0x3;
	(pc) =	sbr.rel .LBB2_1-.Ltmp0, $4  }
0x12: {  	s26 =	simm.s32 $0x1900;
	s1 =	sadd.s32 s7, s1;
	s13 =	sadd.s32 $0x300, s12  }
0x13: {  	s14 =	sadd.s32 $0x600, s12;
	s15 =	sadd.s32 $0x900, s12;
	s16 =	sadd.s32 $0xC00, s12  }
0x14: {  	s17 =	sadd.s32 $0xF00, s12;
	s18 =	sadd.s32 $0x1200, s12;
	s19 =	sadd.s32 $0x1500, s12  }
0x15: {  	v0 =	vimm.f32 $0.0e+00;
	s20 =	sadd.s32 $0x1800, s12;
	s21 =	sadd.s32 $0x1B00, s12;
	s10 =	sadd.s32 $0x8A00, s1  }
.LBB2_7:
0x16: {  	s1 =	sshra.s32 s1, $0x2;
	[sflag:s23] =	ssyncadd.s32 $0xFFFFE800  }
0x17: {  	[tilespmem:s29], [sflag:$0x1] =	stream.indirect.gather [spmem:s3], $0x30, s1, s28, $0x2000b8;
	[tilespmem:$0xA700] =	vst v63  }
0x18: {  	_ =	swait.ge [sflag:s30], $0x1800  }
0x19: {  	[sflag:s30] =	ssyncset.done $0x0  }
0x1a: {  	s1 =	sadd.s32 $0x1900, s1;
	[sflag:s30] =	ssyncadd.s32 $0xFFFFE800  }
0x1b: {  	[spmem:s2] =	stream.indirect.scatter.add.f32 [tilespmem:s29], [sflag:$0x2], $0x30, s1, s28, $0x2000b8;
	[tilespmem:$0xA700] =	vst v63  }
0x1c: {  	_ =	swait.ge [sflag:s23], $0x1800  }
0x1d: {  	[sflag:s23] =	ssyncset.done $0x0  }
0x1e: {  	[sflag:s23] =	ssyncadd.s32 $0xFFFFE800  }
0x1f: {  	_ =	strace $0x90000056  }
.LBB2_8:
0x20: {  	[bflag:$0x0] =	sbarrier.arrive $0xFFFF;
	s4 =	sadd.s32 $0x1, s4  }
0x21: {  	_ =	strace $0x80000057;
	p1 =	sne.s32 s4, s11  }
0x22: {  	[hbm:s10], [sflag:s31] =	dma.local [spmem:s25], $0x3C0  }
.Ltmp1:
0x23: {  	_ = 	snop;
	(pc) =	sbr.rel @!p1 .LBB2_9-.Ltmp1, $4  }
0x24: {  	_ =	swait.ge [sflag:s23], $0x3C0  }
0x25: {  	[sflag:s23] =	ssyncset.done $0x0  }
0x26: {  	[sflag:s23] =	ssyncadd.s32 $0xFFFFFC40  }
0x27: {  	_ =	strace $0x90000057  }
.LBB2_1:
0x28: {  	_ =	strace $0x80000051;
	[tilespmem:$0x4A00] =	vst v0  }
0x29: {  	[tilespmem:$0x4A10] =	vst v0  }
0x2a: {  	[tilespmem:$0x4A20] =	vst v0  }
0x2b: {  	[tilespmem:$0x4A30] =	vst v0  }
0x2c: {  	[tilespmem:$0x4A40] =	vst v0  }
0x2d: {  	[tilespmem:$0x4A50] =	vst v0  }
0x2e: {  	[tilespmem:$0x4A60] =	vst v0  }
0x2f: {  	[tilespmem:$0x4A70] =	vst v0  }
0x30: {  	[tilespmem:$0x4A80] =	vst v0  }
0x31: {  	[tilespmem:$0x4A90] =	vst v0  }
0x32: {  	[tilespmem:$0x4AA0] =	vst v0  }
0x33: {  	[tilespmem:$0x4AB0] =	vst v0  }
0x34: {  	[tilespmem:$0x4AC0] =	vst v0  }
0x35: {  	[tilespmem:$0x4AD0] =	vst v0  }
0x36: {  	[tilespmem:$0x4AE0] =	vst v0  }
0x37: {  	[tilespmem:$0x4AF0] =	vst v0  }
0x38: {  	[tilespmem:$0x4B00] =	vst v0  }
0x39: {  	[tilespmem:$0x4B10] =	vst v0  }
0x3a: {  	[tilespmem:$0x4B20] =	vst v0  }
0x3b: {  	[tilespmem:$0x4B30] =	vst v0  }
0x3c: {  	[tilespmem:$0x4B40] =	vst v0  }
0x3d: {  	[tilespmem:$0x4B50] =	vst v0  }
0x3e: {  	[tilespmem:$0x4B60] =	vst v0  }
0x3f: {  	[tilespmem:$0x4B70] =	vst v0  }
0x40: {  	[tilespmem:$0x4B80] =	vst v0  }
0x41: {  	[tilespmem:$0x4B90] =	vst v0  }
0x42: {  	[tilespmem:$0x4BA0] =	vst v0  }
0x43: {  	[tilespmem:$0x4BB0] =	vst v0  }
0x44: {  	[tilespmem:$0x4BC0] =	vst v0  }
0x45: {  	[tilespmem:$0x4BD0] =	vst v0  }
0x46: {  	[tilespmem:$0x4BE0] =	vst v0  }
0x47: {  	[tilespmem:$0x4BF0] =	vst v0  }
0x48: {  	[tilespmem:$0x4C00] =	vst v0  }
0x49: {  	[tilespmem:$0x4C10] =	vst v0  }
0x4a: {  	[tilespmem:$0x4C20] =	vst v0  }
0x4b: {  	[tilespmem:$0x4C30] =	vst v0  }
0x4c: {  	[tilespmem:$0x4C40] =	vst v0  }
0x4d: {  	[tilespmem:$0x4C50] =	vst v0  }
0x4e: {  	[tilespmem:$0x4C60] =	vst v0  }
0x4f: {  	[tilespmem:$0x4C70] =	vst v0  }
0x50: {  	[tilespmem:$0x4C80] =	vst v0  }
0x51: {  	[tilespmem:$0x4C90] =	vst v0  }
0x52: {  	[tilespmem:$0x4CA0] =	vst v0  }
0x53: {  	[tilespmem:$0x4CB0] =	vst v0  }
0x54: {  	[tilespmem:$0x4CC0] =	vst v0  }
0x55: {  	[tilespmem:$0x4CD0] =	vst v0  }
0x56: {  	[tilespmem:$0x4CE0] =	vst v0  }
0x57: {  	[tilespmem:$0x4CF0] =	vst v0  }
0x58: {  	[spmem:s12] =	stream.linear.scatter [tilespmem:s22], [sflag:$0x2], $0x300, $0x200038;
	[tilespmem:$0xA700] =	vst v63  }
0x59: {  	_ =	swait.ge [sflag:s23], $0x300  }
0x5a: {  	[sflag:s23] =	ssyncset.done $0x0  }
0x5b: {  	[sflag:s23] =	ssyncadd.s32 $0xFFFFFD00  }
0x5c: {  	[spmem:s13] =	stream.linear.scatter [tilespmem:s22], [sflag:$0x2], $0x300, $0x200038;
	[tilespmem:$0xA700] =	vst v63  }
0x5d: {  	_ =	swait.ge [sflag:s23], $0x300  }
0x5e: {  	[sflag:s23] =	ssyncset.done $0x0  }
0x5f: {  	[sflag:s23] =	ssyncadd.s32 $0xFFFFFD00  }
0x60: {  	[spmem:s14] =	stream.linear.scatter [tilespmem:s22], [sflag:$0x2], $0x300, $0x200038;
	[tilespmem:$0xA700] =	vst v63  }
0x61: {  	_ =	swait.ge [sflag:s23], $0x300  }
0x62: {  	[sflag:s23] =	ssyncset.done $0x0  }
0x63: {  	[sflag:s23] =	ssyncadd.s32 $0xFFFFFD00  }
0x64: {  	[spmem:s15] =	stream.linear.scatter [tilespmem:s22], [sflag:$0x2], $0x300, $0x200038;
	[tilespmem:$0xA700] =	vst v63  }
0x65: {  	_ =	swait.ge [sflag:s23], $0x300  }
0x66: {  	[sflag:s23] =	ssyncset.done $0x0  }
0x67: {  	[sflag:s23] =	ssyncadd.s32 $0xFFFFFD00  }
0x68: {  	[spmem:s16] =	stream.linear.scatter [tilespmem:s22], [sflag:$0x2], $0x300, $0x200038;
	[tilespmem:$0xA700] =	vst v63  }
0x69: {  	_ =	swait.ge [sflag:s23], $0x300  }
0x6a: {  	[sflag:s23] =	ssyncset.done $0x0  }
0x6b: {  	[sflag:s23] =	ssyncadd.s32 $0xFFFFFD00  }
0x6c: {  	[spmem:s17] =	stream.linear.scatter [tilespmem:s22], [sflag:$0x2], $0x300, $0x200038;
	[tilespmem:$0xA700] =	vst v63  }
0x6d: {  	_ =	swait.ge [sflag:s23], $0x300  }
0x6e: {  	[sflag:s23] =	ssyncset.done $0x0  }
0x6f: {  	[sflag:s23] =	ssyncadd.s32 $0xFFFFFD00  }
0x70: {  	[spmem:s18] =	stream.linear.scatter [tilespmem:s22], [sflag:$0x2], $0x300, $0x200038;
	[tilespmem:$0xA700] =	vst v63  }
0x71: {  	_ =	swait.ge [sflag:s23], $0x300  }
0x72: {  	[sflag:s23] =	ssyncset.done $0x0  }
0x73: {  	[sflag:s23] =	ssyncadd.s32 $0xFFFFFD00  }
0x74: {  	[spmem:s19] =	stream.linear.scatter [tilespmem:s22], [sflag:$0x2], $0x300, $0x200038;
	[tilespmem:$0xA700] =	vst v63  }
0x75: {  	_ =	swait.ge [sflag:s23], $0x300  }
0x76: {  	[sflag:s23] =	ssyncset.done $0x0  }
0x77: {  	[sflag:s23] =	ssyncadd.s32 $0xFFFFFD00  }
0x78: {  	[spmem:s20] =	stream.linear.scatter [tilespmem:s22], [sflag:$0x2], $0x300, $0x200038;
	[tilespmem:$0xA700] =	vst v63  }
0x79: {  	_ =	swait.ge [sflag:s23], $0x300  }
0x7a: {  	[sflag:s23] =	ssyncset.done $0x0  }
0x7b: {  	[sflag:s23] =	ssyncadd.s32 $0xFFFFFD00  }
0x7c: {  	[spmem:s21] =	stream.linear.scatter [tilespmem:s22], [sflag:$0x2], $0x300, $0x200038;
	[tilespmem:$0xA700] =	vst v63  }
0x7d: {  	_ =	swait.ge [sflag:s23], $0x300  }
0x7e: {  	[sflag:s23] =	ssyncset.done $0x0  }
0x7f: {  	[sflag:s23] =	ssyncadd.s32 $0xFFFFFD00  }
0x80: {  	s1 =	sshll.u32 s0, $0x6;
	_ =	strace $0x90000051  }
0x81: {  	s31 =	sor.u32 $0x1C02, s1;
	_ =	strace $0x80000052  }
0x82: {  	[spmem:s24], [sflag:s31] =	dma.local [hbm:s5], $0x780  }
0x83: {  	_ =	swait.ge [sflag:s23], $0x780  }
.Ltmp2:
0x84: {  	[sflag:s23] =	ssyncset.done $0x0;
	(pc) =	sbr.rel @p0 .LBB2_5-.Ltmp2, $3  }
0x85: {  	[sflag:s23] =	ssyncadd.s32 $0xFFFFF880  }
0x86: {  	_ =	strace $0x90000052  }
0x87: {  	[bflag:$0x0] =	sbarrier.arrive $0xFFFF;
	_ =	sdelay $0x1  }
0x88: {  	_ =	strace $0x80000053  }
0x89: {  	s1 =	simm.s32 $0x0;
	s6 =	rddreg [dreg:$0x7]  }
0x8a: {  	[tilespmem:s1], [sflag:$0x2] =	stream.linear.gather [hbm4b:s6+s1], $0x1900, $0x200038;
	[tilespmem:$0xA700] =	vst v63  }
0x8b: {  	_ =	swait.ge [sflag:s23], $0x1900  }
0x8c: {  	[sflag:s23] =	ssyncset.done $0x0  }
0x8d: {  	[sflag:s23] =	ssyncadd.s32 $0xFFFFE700  }
0x8e: {  	[tilespmem:s26], [sflag:$0x2] =	stream.linear.gather [hbm4b:s9+s1], $0x1900, $0x200038;
	[tilespmem:$0xA700] =	vst v63  }
0x8f: {  	_ =	swait.ge [sflag:s23], $0x1900  }
0x90: {  	[sflag:s23] =	ssyncset.done $0x0  }
0x91: {  	[sflag:s23] =	ssyncadd.s32 $0xFFFFE700  }
0x92: {  	_ =	strace $0x90000053  }
0x93: {  	s7 =	simm.s32 $0x0;
	_ =	strace $0x80000054  }
0x94: {  	[tilespmem:s29], [sflag:$0x1] =	stream.indirect.gather [spmem:s3], $0x30, s7, s28, $0x2000b8;
	[tilespmem:$0xA700] =	vst v63  }
0x95: {  	_ =	swait.ge [sflag:s30], $0x1800  }
0x96: {  	[sflag:s30] =	ssyncset.done $0x0  }
0x97: {  	s8 =	simm.s32 $0x1900;
	[sflag:s30] =	ssyncadd.s32 $0xFFFFE800  }
0x98: {  	[spmem:s2] =	stream.indirect.scatter.add.f32 [tilespmem:s29], [sflag:$0x2], $0x30, s8, s28, $0x2000b8;
	[tilespmem:$0xA700] =	vst v63  }
0x99: {  	_ =	swait.ge [sflag:s23], $0x1800  }
0x9a: {  	s6 =	simm.s32 $0x400;
	s1 =	simm.s32 $0x200;
	[sflag:s23] =	ssyncset.done $0x0  }
.LBB2_3:
0x9b: {  	s7 =	sshra.s32 s1, $0x2  }
0x9c: {  	[sflag:s23] =	ssyncadd.s32 $0xFFFFE800;
	s1 =	smov.u32 s6;
	s8 =	sadd.s32 $0x200, s6  }
0x9d: {  	[tilespmem:s29], [sflag:$0x1] =	stream.indirect.gather [spmem:s3], $0x30, s7, s28, $0x2000b8;
	[tilespmem:$0xA700] =	vst v63  }
0x9e: {  	p1 =	sne.s32 s6, $0x6200;
	_ =	swait.ge [sflag:s30], $0x1800  }
.Ltmp3:
0x9f: {  	[sflag:s30] =	ssyncset.done $0x0;
	(pc) =	sbr.rel @p1 .LBB2_3-.Ltmp3, $4  }
0xa0: {  	s6 =	sadd.s32 $0x1900, s7;
	[sflag:s30] =	ssyncadd.s32 $0xFFFFE800  }
0xa1: {  	[spmem:s2] =	stream.indirect.scatter.add.f32 [tilespmem:s29], [sflag:$0x2], $0x30, s6, s28, $0x2000b8;
	[tilespmem:$0xA700] =	vst v63  }
0xa2: {  	_ =	swait.ge [sflag:s23], $0x1800  }
0xa3: {  	s6 =	smov.u32 s8;
	[sflag:s23] =	ssyncset.done $0x0  }
0xa4: {  	s1 =	sshra.s32 s1, $0x2;
	[sflag:s23] =	ssyncadd.s32 $0xFFFFE800  }
0xa5: {  	[tilespmem:s29], [sflag:$0x1] =	stream.indirect.gather [spmem:s3], $0x30, s1, s28, $0x2000b8;
	[tilespmem:$0xA700] =	vst v63  }
0xa6: {  	_ =	swait.ge [sflag:s30], $0x1800  }
0xa7: {  	[sflag:s30] =	ssyncset.done $0x0  }
0xa8: {  	s1 =	sadd.s32 $0x1900, s1;
	[sflag:s30] =	ssyncadd.s32 $0xFFFFE800  }
0xa9: {  	[spmem:s2] =	stream.indirect.scatter.add.f32 [tilespmem:s29], [sflag:$0x2], $0x30, s1, s28, $0x2000b8;
	[tilespmem:$0xA700] =	vst v63  }
.Ltmp4:
0xaa: {  	_ = 	snop;
	(pc) =	sbr.rel .LBB2_8-.Ltmp4, $4  }
0xab: {  	_ =	swait.ge [sflag:s23], $0x1800  }
0xac: {  	[sflag:s23] =	ssyncset.done $0x0  }
0xad: {  	[sflag:s23] =	ssyncadd.s32 $0xFFFFE800  }
0xae: {  	_ =	strace $0x90000054  }
.LBB2_5:
0xaf: {  	_ =	strace $0x80000055  }
0xb0: {  	s1 =	simm.s32 $0x0;
	s6 =	rddreg [dreg:$0x5]  }
0xb1: {  	[tilespmem:s1], [sflag:$0x2] =	stream.linear.gather [hbm4b:s6+s1], $0xE80, $0x200038;
	[tilespmem:$0xA700] =	vst v63  }
0xb2: {  	_ =	swait.ge [sflag:s23], $0xE80  }
0xb3: {  	[sflag:s23] =	ssyncset.done $0x0  }
0xb4: {  	s8 =	rddreg [dreg:$0x6];
	[sflag:s23] =	ssyncadd.s32 $0xFFFFF180  }
0xb5: {  	[tilespmem:s26], [sflag:$0x2] =	stream.linear.gather [hbm4b:s8+s1], $0xE80, $0x200038;
	[tilespmem:$0xA700] =	vst v63  }
0xb6: {  	_ =	swait.ge [sflag:s23], $0xE80  }
0xb7: {  	[sflag:s23] =	ssyncset.done $0x0  }
0xb8: {  	[sflag:s23] =	ssyncadd.s32 $0xFFFFF180  }
0xb9: {  	_ =	strace $0x90000055  }
0xba: {  	s7 =	simm.s32 $0x0;
	_ =	strace $0x80000056  }
0xbb: {  	[tilespmem:s29], [sflag:$0x1] =	stream.indirect.gather [spmem:s3], $0x30, s7, s28, $0x2000b8;
	[tilespmem:$0xA700] =	vst v63  }
0xbc: {  	_ =	swait.ge [sflag:s30], $0x1800  }
0xbd: {  	[sflag:s30] =	ssyncset.done $0x0  }
0xbe: {  	s8 =	simm.s32 $0x1900;
	[sflag:s30] =	ssyncadd.s32 $0xFFFFE800  }
0xbf: {  	[spmem:s2] =	stream.indirect.scatter.add.f32 [tilespmem:s29], [sflag:$0x2], $0x30, s8, s28, $0x2000b8;
	[tilespmem:$0xA700] =	vst v63  }
0xc0: {  	_ =	swait.ge [sflag:s23], $0x1800  }
0xc1: {  	s6 =	simm.s32 $0x400;
	s1 =	simm.s32 $0x200;
	[sflag:s23] =	ssyncset.done $0x0  }
.LBB2_6:
0xc2: {  	s7 =	sshra.s32 s1, $0x2  }
0xc3: {  	[sflag:s23] =	ssyncadd.s32 $0xFFFFE800;
	s1 =	smov.u32 s6;
	s8 =	sadd.s32 $0x200, s6  }
0xc4: {  	[tilespmem:s29], [sflag:$0x1] =	stream.indirect.gather [spmem:s3], $0x30, s7, s28, $0x2000b8;
	[tilespmem:$0xA700] =	vst v63  }
0xc5: {  	p1 =	sne.s32 s6, $0x3800;
	_ =	swait.ge [sflag:s30], $0x1800  }
.Ltmp5:
0xc6: {  	[sflag:s30] =	ssyncset.done $0x0;
	(pc) =	sbr.rel @p1 .LBB2_6-.Ltmp5, $4  }
0xc7: {  	s6 =	sadd.s32 $0x1900, s7;
	[sflag:s30] =	ssyncadd.s32 $0xFFFFE800  }
0xc8: {  	[spmem:s2] =	stream.indirect.scatter.add.f32 [tilespmem:s29], [sflag:$0x2], $0x30, s6, s28, $0x2000b8;
	[tilespmem:$0xA700] =	vst v63  }
0xc9: {  	_ =	swait.ge [sflag:s23], $0x1800  }
0xca: {  	s6 =	smov.u32 s8;
	[sflag:s23] =	ssyncset.done $0x0  }
.Ltmp6:
0xcb: {  	_ = 	snop;
	(pc) =	sbr.rel .LBB2_7-.Ltmp6, $1  }
0xcc: {  	_ =	sdelay $0x3  }
.LBB2_9:
0xcd: {  	_ =	sfence.sel $0x180000  }
0xce: {  	[bflag:$0x0] =	sbarrier.arrive $0xFFFF  }
0xcf: {  	_ =	strace $0x90000050  }
0xd0: {  	[bflag:$0x2] =	sbarrier.arrive $0xFFFF  }
0xd1: {  	p0 =	sne.s32 s0, $0x0;
	s0 =	rddreg [dreg:$0x4]  }
0xd2: {  	s0 =	sadd.s32 @!p0 $0x100000, s0  }
0xd3: {  	[sflag:s0] =	ssyncadd.tile.s32 @!p0 $0x1;
	_ =	shalt  }
.Lfunc_end2:
_tile_overlayer_lowered:
.L_overlay_start_2:
0xd4: {  	(tag) =	ssettag $0x2  }
0xd5: {  	s0 =	rddreg [dreg:$0x0];
	s2 =	stileid.u32  }
0xd6: {  	s1 =	rddreg [dreg:$0x1];
	p0 =	sne.s32 s2, $0x0  }
0xd7: {  	s3 =	rddreg [dreg:$0x2];
	[bflag:$0x3] =	sbarrier.arrive $0xFFFF;
	s2 =	simm.s32 @!p0 $0x1C02  }
0xd8: {  	[timem:s3], [sflag:s2] =	dma.local @!p0 [hbm:s0], s1  }
0xd9: {  	s0 =	simm.s32 @!p0 $0x2  }
0xda: {  	_ =	swait.ge @!p0 [sflag:s0], s1  }
0xdb: {  	s1 =	ssub.s32 @!p0 $0x0, s1;
	[sflag:s0] =	ssyncset.done @!p0 $0x0  }
0xdc: {  	[sflag:s0] =	ssyncadd.s32 @!p0 s1  }
0xdd: {  	[bflag:$0x3] =	sbarrier.arrive $0xFFFF  }
0xde: {  	_ =	shalt  }

</sc_bundles>
